<compile_context>
chip_gen: v7x
topology: tpu7x:2x2x1
jax: 0.10.2.dev20260603
libtpu: 0.0.44.dev20260713+nightly
codegen_flags: <defaults>
</compile_context>

<pallas_src>
import functools
import math

import jax
import jax.numpy as jnp
from jax import lax
from jax.experimental import pallas as pl
from jax.experimental.pallas import tpu as pltpu
from jax.experimental.pallas import tpu_sc as plsc

N = 10000
E = 320000
D = 128
EPS = 1e-5

NC = 2
NS = 16
NW = NC * NS
C = 128
CPW = 80
TOT_CH = NW * CPW
E_PAD = TOT_CH * C
N_ACC = 10240
TRASH = 10100
RPT = N_ACC // NS
ZR = 64
DEGW = 128

def _zero_rows(zref, rows, width):
    def row(r, _):
        def col(cc, __):
            zref[r, pl.ds(cc * 16, 16)] = jnp.zeros((16,), jnp.float32)
            return __
        return lax.fori_loop(0, width // 16, col, _)
    lax.fori_loop(0, rows, row, None)


def _deg_sc_body(dst_hbm, out_hbm, idx_v, ones_v, z_v, acc_sh, ssem):
    c = lax.axis_index("c")
    s = lax.axis_index("s")
    w = c * NS + s
    _zero_rows(z_v, ZR, DEGW)
    def orow(r, _):
        def ocol(cc, __):
            ones_v[r, pl.ds(cc * 16, 16)] = jnp.full((16,), 1.0, jnp.float32)
            return __
        return lax.fori_loop(0, DEGW // 16, ocol, _)
    lax.fori_loop(0, C, orow, None)
    def zcopy(k, _):
        pltpu.sync_copy(z_v, acc_sh.at[pl.ds(s * RPT + k * ZR, ZR)])
        return _
    lax.fori_loop(0, RPT // ZR, zcopy, None)
    pltpu.sync_copy(dst_hbm.at[pl.ds(w * CPW, CPW)], idx_v)
    plsc.subcore_barrier()

    @pl.loop(0, CPW, step=BLK)
    def _block(jj):
        cps = [pltpu.async_copy(ones_v, acc_sh.at[idx_v.at[jj + i]],
                                ssem, add=True)
               for i in range(BLK)]
        for cp in cps:
            cp.wait()

    plsc.subcore_barrier()
    pltpu.sync_copy(acc_sh.at[pl.ds(s * RPT, RPT)],
                    out_hbm.at[c, pl.ds(s * RPT, RPT)])


BLK = 8


def _agg_sc_body(hws_hbm, src_hbm, dst_hbm, out_hbm,
                 src_v, dblk, gbuf0, gbuf1, z_v, acc_sh,
                 gsem0, gsem1, isem):
    c = lax.axis_index("c")
    s = lax.axis_index("s")
    w = c * NS + s
    _zero_rows(z_v, ZR // 2, D)
    def zcopy(k, _):
        pltpu.sync_copy(z_v, acc_sh.at[pl.ds(s * RPT + k * (ZR // 2), ZR // 2)])
        return _
    lax.fori_loop(0, RPT // (ZR // 2), zcopy, None)
    pltpu.sync_copy(src_hbm.at[pl.ds(w * CPW, CPW)], src_v)
    plsc.subcore_barrier()

    gb = (gbuf0, gbuf1)
    gsem = (gsem0, gsem1)

    pltpu.async_copy(hws_hbm.at[src_v.at[0]], gb[0], gsem[0])
    pltpu.async_copy(hws_hbm.at[src_v.at[1]], gb[1], gsem[1])

    @pl.loop(0, CPW, step=BLK)
    def _block(jj):
        pltpu.sync_copy(dst_hbm.at[pl.ds(w * CPW + jj, BLK)], dblk)
        for i in range(BLK):
            j = jj + i
            p = i & 1
            pltpu.make_async_copy(hws_hbm.at[src_v.at[j]],
                                  gb[p], gsem[p]).wait()
            pltpu.sync_copy(gb[p], acc_sh.at[dblk.at[i]], add=True)
            @pl.when(j + 2 < CPW)
            def _refill():
                pltpu.async_copy(hws_hbm.at[src_v.at[j + 2]], gb[p], gsem[p])

    plsc.subcore_barrier()
    pltpu.sync_copy(acc_sh.at[pl.ds(s * RPT, RPT)],
                    out_hbm.at[c, pl.ds(s * RPT, RPT)])


def _mm_body(x_ref, w_ref, o_ref):
    o_ref[...] = jnp.dot(x_ref[...], w_ref[...],
                         preferred_element_type=jnp.float32)


def _scale_body(hw_ref, d0_ref, d1_ref, dinv_ref, hws_ref):
    deg = d0_ref[...] + d1_ref[...] + 1.0
    dinv = lax.rsqrt(deg)
    dinv_ref[...] = dinv
    hws_ref[...] = hw_ref[...] * dinv


def _bn_relu(t, gamma, beta):
    mu = jnp.mean(t, axis=0, keepdims=True)
    var = jnp.mean((t - mu) ** 2, axis=0, keepdims=True)
    y = gamma * (t - mu) * lax.rsqrt(var + EPS) + beta
    return jnp.maximum(y, 0.0)


def _mid_body(aggp_ref, hws_ref, dinv_ref, b_ref, g_ref, be_ref,
              w2_ref, hws2_ref):
    a = aggp_ref[0, :N, :] + aggp_ref[1, :N, :]
    t = dinv_ref[...] * (a + hws_ref[...]) + b_ref[...]
    h1 = _bn_relu(t, g_ref[...], be_ref[...])
    hw2 = jnp.dot(h1, w2_ref[...], preferred_element_type=jnp.float32)
    hws2_ref[...] = hw2 * dinv_ref[...]


def _final_body(aggp_ref, hws_ref, dinv_ref, b_ref, g_ref, be_ref,
                x_ref, o_ref):
    a = aggp_ref[0, :N, :] + aggp_ref[1, :N, :]
    t = dinv_ref[...] * (a + hws_ref[...]) + b_ref[...]
    y = _bn_relu(t, g_ref[...], be_ref[...])
    o_ref[...] = (y + x_ref[...]) * (1.0 / math.sqrt(2.0))


def _tc(body, out_shapes, *args):
    return pl.pallas_call(body, out_shape=out_shapes)(*args)


@functools.cache
def _sc_kernels():
    mesh = plsc.VectorSubcoreMesh(core_axis_name="c", subcore_axis_name="s",
                                  num_cores=NC, num_subcores=NS)
    deg = pl.kernel(
        _deg_sc_body,
        out_type=jax.ShapeDtypeStruct((NC, N_ACC, DEGW), jnp.float32),
        mesh=mesh,
        scratch_types=[
            pltpu.VMEM((CPW, C), jnp.int32),
            pltpu.VMEM((C, DEGW), jnp.float32),
            pltpu.VMEM((ZR, DEGW), jnp.float32),
            pltpu.VMEM_SHARED((N_ACC, DEGW), jnp.float32),
            pltpu.SemaphoreType.DMA,
        ],
    )
    agg = pl.kernel(
        _agg_sc_body,
        out_type=jax.ShapeDtypeStruct((NC, N_ACC, D), jnp.float32),
        mesh=mesh,
        scratch_types=[
            pltpu.VMEM((CPW, C), jnp.int32),
            pltpu.VMEM((BLK, C), jnp.int32),
            pltpu.VMEM((C, D), jnp.float32),
            pltpu.VMEM((C, D), jnp.float32),
            pltpu.VMEM((ZR // 2, D), jnp.float32),
            pltpu.VMEM_SHARED((N_ACC, D), jnp.float32),
            pltpu.SemaphoreType.DMA,
            pltpu.SemaphoreType.DMA,
            pltpu.SemaphoreType.DMA,
        ],
    )
    return deg, agg


def kernel(x, edge_index, W1, b1, bn1_gamma, bn1_beta,
           W2, b2, bn2_gamma, bn2_beta):
    src = edge_index[0].astype(jnp.int32)
    dst = edge_index[1].astype(jnp.int32)
    pad = E_PAD - E
    src2d = jnp.concatenate(
        [src, jnp.zeros((pad,), jnp.int32)]).reshape(TOT_CH, C)
    dst2d = jnp.concatenate(
        [dst, jnp.full((pad,), TRASH, jnp.int32)]).reshape(TOT_CH, C)

    _deg_sc, _agg_sc = _sc_kernels()
    degp = _deg_sc(dst2d)
    hw1 = _tc(_mm_body, jax.ShapeDtypeStruct((N, D), jnp.float32), x, W1)

    d0 = degp[0, :N, 0:1]
    d1 = degp[1, :N, 0:1]
    dinv, hws1 = _tc(
        _scale_body,
        (jax.ShapeDtypeStruct((N, 1), jnp.float32),
         jax.ShapeDtypeStruct((N, D), jnp.float32)),
        hw1, d0, d1)

    b1r = b1.reshape(1, D)
    g1r = bn1_gamma.reshape(1, D)
    be1r = bn1_beta.reshape(1, D)
    b2r = b2.reshape(1, D)
    g2r = bn2_gamma.reshape(1, D)
    be2r = bn2_beta.reshape(1, D)

    agg1 = _agg_sc(hws1, src2d, dst2d)
    hws2 = _tc(
        _mid_body, jax.ShapeDtypeStruct((N, D), jnp.float32),
        agg1, hws1, dinv, b1r, g1r, be1r, W2)

    agg2 = _agg_sc(hws2, src2d, dst2d)
    out = _tc(
        _final_body, jax.ShapeDtypeStruct((N, D), jnp.float32),
        agg2, hws2, dinv, b2r, g2r, be2r, x)
    return out

# --- scband reference (transcript-rebuilt; emitter-appended) ---
"""Pipeline reference for scband-res-hybrid-block-75771813036526 (READ-ONLY COPY).

The authoritative reference and input builder live on the scoring server;
editing this copy changes nothing except your own understanding.
"""

import jax, jax.numpy as jnp
import numpy as np

N = 10000
E = 320000
D = 128
EPS = 1e-5


def setup_inputs(seed: int = 0) -> dict:
    key = jax.random.key(seed)
    ks = jax.random.split(key, 8)
    x = jax.random.normal(ks[0], (N, D), dtype=jnp.float32)
    edge_index = jax.random.randint(ks[1], (2, E), 0, N, dtype=jnp.int64)
    W1 = jax.random.normal(ks[2], (D, D), dtype=jnp.float32) * (1.0 / np.sqrt(D))
    b1 = jnp.zeros((D,), dtype=jnp.float32)
    W2 = jax.random.normal(ks[3], (D, D), dtype=jnp.float32) * (1.0 / np.sqrt(D))
    b2 = jnp.zeros((D,), dtype=jnp.float32)
    bn1_gamma = jnp.ones((D,), dtype=jnp.float32)
    bn1_beta = jnp.zeros((D,), dtype=jnp.float32)
    bn2_gamma = jnp.ones((D,), dtype=jnp.float32)
    bn2_beta = jnp.zeros((D,), dtype=jnp.float32)
    return {"x": x, "edge_index": edge_index, "W1": W1, "b1": b1,
            "bn1_gamma": bn1_gamma, "bn1_beta": bn1_beta,
            "W2": W2, "b2": b2, "bn2_gamma": bn2_gamma, "bn2_beta": bn2_beta}


def _gcn_conv(h, edge_index, W, b):
    # PyG GCNConv: D^{-1/2} (A + I) D^{-1/2} X W + b
    n = h.shape[0]
    loop = jnp.arange(n, dtype=edge_index.dtype)
    src = jnp.concatenate([edge_index[0], loop])
    dst = jnp.concatenate([edge_index[1], loop])
    deg = jnp.zeros((n,), dtype=h.dtype).at[dst].add(1.0)
    dinv = jnp.where(deg > 0, deg ** -0.5, 0.0)
    norm = dinv[src] * dinv[dst]
    hw = h @ W
    msg = hw[src] * norm[:, None]
    out = jnp.zeros((n, hw.shape[1]), dtype=h.dtype).at[dst].add(msg)
    return out + b


def _batch_norm(h, gamma, beta):
    mu = jnp.mean(h, axis=0)
    var = jnp.mean((h - mu) ** 2, axis=0)
    return gamma * (h - mu) / jnp.sqrt(var + EPS) + beta


def reference(x, edge_index, W1, b1, bn1_gamma, bn1_beta, W2, b2, bn2_gamma, bn2_beta):
    h = _gcn_conv(x, edge_index, W1, b1)
    h = _batch_norm(h, bn1_gamma, bn1_beta)
    h = jax.nn.relu(h)
    h = _gcn_conv(h, edge_index, W2, b2)
    h = _batch_norm(h, bn2_gamma, bn2_beta)
    h = jax.nn.relu(h)
    return (h + x) / np.sqrt(2.0)

if __name__ == "__main__":
    import jax
    _d = setup_inputs()
    print(jax.jit(kernel)(*tuple(_d.values())))

</pallas_src>

<mosaic_0001>
#map = affine_map<(d0, d1) -> (0, 0)>
#map1 = affine_map<(d0, d1) -> (0, 0, 0)>
module attributes {stable_mosaic.version = 14 : i64} {
  func.func @_agg_sc_body(%arg0: i32, %arg1: i32, %arg2: memref<10000x128xf32, #tpu.memory_space<hbm>>, %arg3: memref<2560x128xi32, #tpu.memory_space<hbm>>, %arg4: memref<2560x128xi32, #tpu.memory_space<hbm>>, %arg5: memref<2x10240x128xf32, #tpu.memory_space<hbm>>, %arg6: memref<80x128xi32, #tpu.memory_space<vmem>>, %arg7: memref<8x128xi32, #tpu.memory_space<vmem>>, %arg8: memref<128x128xf32, #tpu.memory_space<vmem>>, %arg9: memref<128x128xf32, #tpu.memory_space<vmem>>, %arg10: memref<32x128xf32, #tpu.memory_space<vmem>>, %arg11: memref<10240x128xf32, #tpu.memory_space<vmem_shared>>, %arg12: memref<!tpu.dma_semaphore, #tpu.memory_space<semaphore_mem>>, %arg13: memref<!tpu.dma_semaphore, #tpu.memory_space<semaphore_mem>>, %arg14: memref<!tpu.dma_semaphore, #tpu.memory_space<semaphore_mem>>) attributes {dimension_semantics = [#tpu.dimension_semantics<core_parallel>, #tpu.dimension_semantics<subcore_parallel>], iteration_bounds = array<i64: 2, 16>, scalar_prefetch = 0 : i64, scratch_operands = 9 : i64, tpu.core_type = #tpu.core_type<sc_vector_subcore>, window_params = [{transform_indices = #map}, {transform_indices = #map}, {transform_indices = #map}, {transform_indices = #map1}]} {
    %mul3A = arith.constant 16 : i32
    %mul3A_0 = arith.muli %arg0, %mul3A : i32
    %add3A = arith.addi %mul3A_0, %arg1 : i32
    %scan3A = arith.constant 0 : i32
    %scan3A_1 = arith.constant 32 : i32
    %scan3A_2 = arith.addi %scan3A, %scan3A_1 : i32
    %scan3A_3 = arith.constant 1 : i32
    scf.for %scan3A_35 = %scan3A to %scan3A_2 step %scan3A_3  : i32 {
      %scan3A_36 = arith.constant 0 : i32
      %scan3A_37 = arith.constant 8 : i32
      %scan3A_38 = arith.addi %scan3A_36, %scan3A_37 : i32
      %scan3A_39 = arith.constant 1 : i32
      scf.for %scan3A_41 = %scan3A_36 to %scan3A_38 step %scan3A_39  : i32 {
        %broadcast_in_dim3A = arith.constant 0.000000e+00 : f32
        %broadcast_in_dim3A_42 = vector.broadcast %broadcast_in_dim3A : f32 to vector<16xf32>
        %mul3A_43 = arith.constant 16 : i32
        %mul3A_44 = arith.muli %scan3A_41, %mul3A_43 : i32
        %swap3A = arith.index_cast %scan3A_35 : i32 to index
        %swap3A_45 = arith.index_cast %mul3A_44 : i32 to index
        %swap3A_46 = tpu.vector_load %arg10[%swap3A, %swap3A_45] {strides = array<i32>} : memref<32x128xf32, #tpu.memory_space<vmem>>, vector<1x16xf32>,
        %swap3A_47 = vector.shape_cast %swap3A_46 : vector<1x16xf32> to vector<16xf32>
        %swap3A_48 = vector.shape_cast %broadcast_in_dim3A_42 : vector<16xf32> to vector<1x16xf32>
        tpu.vector_store %arg10[%swap3A, %swap3A_45], %swap3A_48 {strides = array<i32>} : memref<32x128xf32, #tpu.memory_space<vmem>>, vector<1x16xf32>,
      }
      %scan3A_40 = arith.constant 8 : i32
    }
    %scan3A_4 = arith.constant 32 : i32
    %scan3A_5 = arith.constant 0 : i32
    %scan3A_6 = arith.constant 20 : i32
    %scan3A_7 = arith.addi %scan3A_5, %scan3A_6 : i32
    %scan3A_8 = arith.constant 1 : i32
    scf.for %scan3A_35 = %scan3A_5 to %scan3A_7 step %scan3A_8  : i32 {
      %mul3A_36 = arith.constant 640 : i32
      %mul3A_37 = arith.muli %arg1, %mul3A_36 : i32
      %mul3A_38 = arith.constant 32 : i32
      %mul3A_39 = arith.muli %scan3A_35, %mul3A_38 : i32
      %add3A_40 = arith.addi %mul3A_37, %mul3A_39 : i32
      "tpu.region"() ({
        %run_scoped3A = tpu.sem_alloc : memref<!tpu.dma_semaphore, #tpu.memory_space<semaphore_mem>>
        %dma_start3A_41 = arith.constant 0 : i32
        %dma_start3A_42 = tpu.memref_slice %arg11[%add3A_40, %dma_start3A_41] : memref<10240x128xf32, #tpu.memory_space<vmem_shared>> -> memref<32x128xf32, #tpu.memory_space<vmem_shared>>
        %dma_start3A_43 = arith.constant 0 : i32
        %dma_start3A_44 = tpu.memref_slice %arg11[%add3A_40, %dma_start3A_43] : memref<10240x128xf32, #tpu.memory_space<vmem_shared>> -> memref<32x128xf32, #tpu.memory_space<vmem_shared>>
        tpu.enqueue_dma source(%arg10 : memref<32x128xf32, #tpu.memory_space<vmem>>) target(%dma_start3A_44 : memref<32x128xf32, #tpu.memory_space<vmem_shared>>) target_semaphore(%run_scoped3A : memref<!tpu.dma_semaphore, #tpu.memory_space<semaphore_mem>>)
        %dma_wait3A = arith.constant 0 : i32
        %dma_wait3A_45 = tpu.memref_slice %arg11[%add3A_40, %dma_wait3A] : memref<10240x128xf32, #tpu.memory_space<vmem_shared>> -> memref<32x128xf32, #tpu.memory_space<vmem_shared>>
        %dma_wait3A_46 = arith.constant 0 : i32
        %dma_wait3A_47 = tpu.memref_slice %arg11[%add3A_40, %dma_wait3A_46] : memref<10240x128xf32, #tpu.memory_space<vmem_shared>> -> memref<32x128xf32, #tpu.memory_space<vmem_shared>>
        tpu.wait_dma2 semaphore(%run_scoped3A : memref<!tpu.dma_semaphore, #tpu.memory_space<semaphore_mem>>) src(%arg10 : memref<32x128xf32, #tpu.memory_space<vmem>>) dst(%dma_wait3A_47 : memref<32x128xf32, #tpu.memory_space<vmem_shared>>)
        tpu.yield
      }) : () -> ()
    }
    %scan3A_9 = arith.constant 20 : i32
    %mul3A_10 = arith.constant 80 : i32
    %mul3A_11 = arith.muli %add3A, %mul3A_10 : i32
    "tpu.region"() ({
      %run_scoped3A = tpu.sem_alloc : memref<!tpu.dma_semaphore, #tpu.memory_space<semaphore_mem>>
      %dma_start3A_35 = arith.constant 0 : i32
      %dma_start3A_36 = tpu.memref_slice %arg3[%mul3A_11, %dma_start3A_35] : memref<2560x128xi32, #tpu.memory_space<hbm>> -> memref<80x128xi32, #tpu.memory_space<hbm>>
      %dma_start3A_37 = arith.constant 0 : i32
      %dma_start3A_38 = tpu.memref_slice %arg3[%mul3A_11, %dma_start3A_37] : memref<2560x128xi32, #tpu.memory_space<hbm>> -> memref<80x128xi32, #tpu.memory_space<hbm>>
      tpu.enqueue_dma source(%dma_start3A_38 : memref<80x128xi32, #tpu.memory_space<hbm>>) target(%arg6 : memref<80x128xi32, #tpu.memory_space<vmem>>) target_semaphore(%run_scoped3A : memref<!tpu.dma_semaphore, #tpu.memory_space<semaphore_mem>>)
      %dma_wait3A = arith.constant 0 : i32
      %dma_wait3A_39 = tpu.memref_slice %arg3[%mul3A_11, %dma_wait3A] : memref<2560x128xi32, #tpu.memory_space<hbm>> -> memref<80x128xi32, #tpu.memory_space<hbm>>
      %dma_wait3A_40 = arith.constant 0 : i32
      %dma_wait3A_41 = tpu.memref_slice %arg3[%mul3A_11, %dma_wait3A_40] : memref<2560x128xi32, #tpu.memory_space<hbm>> -> memref<80x128xi32, #tpu.memory_space<hbm>>
      tpu.wait_dma2 semaphore(%run_scoped3A : memref<!tpu.dma_semaphore, #tpu.memory_space<semaphore_mem>>) src(%dma_wait3A_41 : memref<80x128xi32, #tpu.memory_space<hbm>>) dst(%arg6 : memref<80x128xi32, #tpu.memory_space<vmem>>)
      tpu.yield
    }) : () -> ()
    %barrier3A = arith.constant 0 : index
    tpu.barrier barrier_id(%barrier3A)
    %dma_start3A = arith.constant 0 : i32
    %dma_start3A_12 = arith.constant 0 : i32
    %dma_start3A_13 = tpu.memref_slice %arg6[%dma_start3A, %dma_start3A_12] : memref<80x128xi32, #tpu.memory_space<vmem>> -> memref<1x128xi32, #tpu.memory_space<vmem>>
    %dma_start3A_14 = tpu.memref_squeeze %dma_start3A_13 : memref<1x128xi32, #tpu.memory_space<vmem>> -> memref<128xi32, #tpu.memory_space<vmem>>
    %dma_start3A_15 = arith.constant 0 : i32
    %dma_start3A_16 = arith.constant 0 : i32
    %dma_start3A_17 = tpu.memref_slice %arg2[%dma_start3A_15, %dma_start3A_16] : memref<10000x128xf32, #tpu.memory_space<hbm>> -> memref<10000x128xf32, #tpu.memory_space<hbm>>
    tpu.enqueue_indirect_dma source(%dma_start3A_17 : memref<10000x128xf32, #tpu.memory_space<hbm>>) target(%arg8 : memref<128x128xf32, #tpu.memory_space<vmem>>) offsets(%dma_start3A_14 : memref<128xi32, #tpu.memory_space<vmem>>) semaphore(%arg12 : memref<!tpu.dma_semaphore, #tpu.memory_space<semaphore_mem>>)
    %dma_start3A_18 = arith.constant 1 : i32
    %dma_start3A_19 = arith.constant 0 : i32
    %dma_start3A_20 = tpu.memref_slice %arg6[%dma_start3A_18, %dma_start3A_19] : memref<80x128xi32, #tpu.memory_space<vmem>> -> memref<1x128xi32, #tpu.memory_space<vmem>>
    %dma_start3A_21 = tpu.memref_squeeze %dma_start3A_20 : memref<1x128xi32, #tpu.memory_space<vmem>> -> memref<128xi32, #tpu.memory_space<vmem>>
    %dma_start3A_22 = arith.constant 0 : i32
    %dma_start3A_23 = arith.constant 0 : i32
    %dma_start3A_24 = tpu.memref_slice %arg2[%dma_start3A_22, %dma_start3A_23] : memref<10000x128xf32, #tpu.memory_space<hbm>> -> memref<10000x128xf32, #tpu.memory_space<hbm>>
    tpu.enqueue_indirect_dma source(%dma_start3A_24 : memref<10000x128xf32, #tpu.memory_space<hbm>>) target(%arg9 : memref<128x128xf32, #tpu.memory_space<vmem>>) offsets(%dma_start3A_21 : memref<128xi32, #tpu.memory_space<vmem>>) semaphore(%arg13 : memref<!tpu.dma_semaphore, #tpu.memory_space<semaphore_mem>>)
    %scan3A_25 = arith.constant 0 : i32
    %scan3A_26 = arith.constant 10 : i32
    %scan3A_27 = arith.addi %scan3A_25, %scan3A_26 : i32
    %scan3A_28 = arith.constant 1 : i32
    scf.for %scan3A_35 = %scan3A_25 to %scan3A_27 step %scan3A_28  : i32 {
      %mul3A_36 = arith.constant 8 : i32
      %mul3A_37 = arith.muli %scan3A_35, %mul3A_36 : i32
      %add3A_38 = arith.constant 0 : i32
      %add3A_39 = arith.addi %add3A_38, %mul3A_37 : i32
      %mul3A_40 = arith.constant 80 : i32
      %mul3A_41 = arith.muli %add3A, %mul3A_40 : i32
      %add3A_42 = arith.addi %mul3A_41, %add3A_39 : i32
      "tpu.region"() ({
        %run_scoped3A_166 = tpu.sem_alloc : memref<!tpu.dma_semaphore, #tpu.memory_space<semaphore_mem>>
        %dma_start3A_167 = arith.constant 0 : i32
        %dma_start3A_168 = tpu.memref_slice %arg4[%add3A_42, %dma_start3A_167] : memref<2560x128xi32, #tpu.memory_space<hbm>> -> memref<8x128xi32, #tpu.memory_space<hbm>>
        %dma_start3A_169 = arith.constant 0 : i32
        %dma_start3A_170 = tpu.memref_slice %arg4[%add3A_42, %dma_start3A_169] : memref<2560x128xi32, #tpu.memory_space<hbm>> -> memref<8x128xi32, #tpu.memory_space<hbm>>
        tpu.enqueue_dma source(%dma_start3A_170 : memref<8x128xi32, #tpu.memory_space<hbm>>) target(%arg7 : memref<8x128xi32, #tpu.memory_space<vmem>>) target_semaphore(%run_scoped3A_166 : memref<!tpu.dma_semaphore, #tpu.memory_space<semaphore_mem>>)
        %dma_wait3A_171 = arith.constant 0 : i32
        %dma_wait3A_172 = tpu.memref_slice %arg4[%add3A_42, %dma_wait3A_171] : memref<2560x128xi32, #tpu.memory_space<hbm>> -> memref<8x128xi32, #tpu.memory_space<hbm>>
        %dma_wait3A_173 = arith.constant 0 : i32
        %dma_wait3A_174 = tpu.memref_slice %arg4[%add3A_42, %dma_wait3A_173] : memref<2560x128xi32, #tpu.memory_space<hbm>> -> memref<8x128xi32, #tpu.memory_space<hbm>>
        tpu.wait_dma2 semaphore(%run_scoped3A_166 : memref<!tpu.dma_semaphore, #tpu.memory_space<semaphore_mem>>) src(%dma_wait3A_174 : memref<8x128xi32, #tpu.memory_space<hbm>>) dst(%arg7 : memref<8x128xi32, #tpu.memory_space<vmem>>)
        tpu.yield
      }) : () -> ()
      %add3A_43 = arith.constant 0 : i32
      %add3A_44 = arith.addi %add3A_39, %add3A_43 : i32
      %dma_wait3A = arith.constant 0 : i32
      %dma_wait3A_45 = tpu.memref_slice %arg6[%add3A_44, %dma_wait3A] : memref<80x128xi32, #tpu.memory_space<vmem>> -> memref<1x128xi32, #tpu.memory_space<vmem>>
      %dma_wait3A_46 = tpu.memref_squeeze %dma_wait3A_45 : memref<1x128xi32, #tpu.memory_space<vmem>> -> memref<128xi32, #tpu.memory_space<vmem>>
      %dma_wait3A_47 = arith.constant 0 : i32
      %dma_wait3A_48 = arith.constant 0 : i32
      %dma_wait3A_49 = tpu.memref_slice %arg2[%dma_wait3A_47, %dma_wait3A_48] : memref<10000x128xf32, #tpu.memory_space<hbm>> -> memref<10000x128xf32, #tpu.memory_space<hbm>>
      tpu.wait_indirect_dma semaphore(%arg12 : memref<!tpu.dma_semaphore, #tpu.memory_space<semaphore_mem>>) src(%dma_wait3A_49 : memref<10000x128xf32, #tpu.memory_space<hbm>>) dst(%arg8 : memref<128x128xf32, #tpu.memory_space<vmem>>)
      %run_scoped3A = arith.constant 0 : i32
      "tpu.region"() ({
        %run_scoped3A_166 = tpu.sem_alloc : memref<!tpu.dma_semaphore, #tpu.memory_space<semaphore_mem>>
        %dma_start3A_167 = arith.constant 0 : i32
        %dma_start3A_168 = tpu.memref_slice %arg7[%run_scoped3A, %dma_start3A_167] : memref<8x128xi32, #tpu.memory_space<vmem>> -> memref<1x128xi32, #tpu.memory_space<vmem>>
        %dma_start3A_169 = tpu.memref_squeeze %dma_start3A_168 : memref<1x128xi32, #tpu.memory_space<vmem>> -> memref<128xi32, #tpu.memory_space<vmem>>
        %dma_start3A_170 = arith.constant 0 : i32
        %dma_start3A_171 = arith.constant 0 : i32
        %dma_start3A_172 = tpu.memref_slice %arg11[%dma_start3A_170, %dma_start3A_171] : memref<10240x128xf32, #tpu.memory_space<vmem_shared>> -> memref<10240x128xf32, #tpu.memory_space<vmem_shared>>
        tpu.enqueue_indirect_dma source(%arg8 : memref<128x128xf32, #tpu.memory_space<vmem>>) target(%dma_start3A_172 : memref<10240x128xf32, #tpu.memory_space<vmem_shared>>) offsets(%dma_start3A_169 : memref<128xi32, #tpu.memory_space<vmem>>) semaphore(%run_scoped3A_166 : memref<!tpu.dma_semaphore, #tpu.memory_space<semaphore_mem>>) {add = true}
        %dma_wait3A_173 = arith.constant 0 : i32
        %dma_wait3A_174 = tpu.memref_slice %arg7[%run_scoped3A, %dma_wait3A_173] : memref<8x128xi32, #tpu.memory_space<vmem>> -> memref<1x128xi32, #tpu.memory_space<vmem>>
        %dma_wait3A_175 = tpu.memref_squeeze %dma_wait3A_174 : memref<1x128xi32, #tpu.memory_space<vmem>> -> memref<128xi32, #tpu.memory_space<vmem>>
        %dma_wait3A_176 = arith.constant 0 : i32
        %dma_wait3A_177 = arith.constant 0 : i32
        %dma_wait3A_178 = tpu.memref_slice %arg11[%dma_wait3A_176, %dma_wait3A_177] : memref<10240x128xf32, #tpu.memory_space<vmem_shared>> -> memref<10240x128xf32, #tpu.memory_space<vmem_shared>>
        tpu.wait_indirect_dma semaphore(%run_scoped3A_166 : memref<!tpu.dma_semaphore, #tpu.memory_space<semaphore_mem>>) src(%arg8 : memref<128x128xf32, #tpu.memory_space<vmem>>) dst(%dma_wait3A_178 : memref<10240x128xf32, #tpu.memory_space<vmem_shared>>)
        tpu.yield
      }) : () -> ()
      %add3A_50 = arith.constant 2 : i32
      %add3A_51 = arith.addi %add3A_44, %add3A_50 : i32
      %lt3A = arith.constant 80 : i32
      %lt3A_52 = arith.cmpi slt, %add3A_51, %lt3A : i32
      %convert_element_type3A = arith.extui %lt3A_52 : i1 to i32
      %cond3A = arith.constant 0 : i32
      %cond3A_53 = arith.cmpi ne, %convert_element_type3A, %cond3A : i32
      scf.if %cond3A_53 {
        %add3A_166 = arith.constant 2 : i32
        %add3A_167 = arith.addi %add3A_44, %add3A_166 : i32
        %dma_start3A_168 = arith.constant 0 : i32
        %dma_start3A_169 = tpu.memref_slice %arg6[%add3A_167, %dma_start3A_168] : memref<80x128xi32, #tpu.memory_space<vmem>> -> memref<1x128xi32, #tpu.memory_space<vmem>>
        %dma_start3A_170 = tpu.memref_squeeze %dma_start3A_169 : memref<1x128xi32, #tpu.memory_space<vmem>> -> memref<128xi32, #tpu.memory_space<vmem>>
        %dma_start3A_171 = arith.constant 0 : i32
        %dma_start3A_172 = arith.constant 0 : i32
        %dma_start3A_173 = tpu.memref_slice %arg2[%dma_start3A_171, %dma_start3A_172] : memref<10000x128xf32, #tpu.memory_space<hbm>> -> memref<10000x128xf32, #tpu.memory_space<hbm>>
        tpu.enqueue_indirect_dma source(%dma_start3A_173 : memref<10000x128xf32, #tpu.memory_space<hbm>>) target(%arg8 : memref<128x128xf32, #tpu.memory_space<vmem>>) offsets(%dma_start3A_170 : memref<128xi32, #tpu.memory_space<vmem>>) semaphore(%arg12 : memref<!tpu.dma_semaphore, #tpu.memory_space<semaphore_mem>>)
      } else {
      }
      %add3A_54 = arith.constant 1 : i32
      %add3A_55 = arith.addi %add3A_39, %add3A_54 : i32
      %dma_wait3A_56 = arith.constant 0 : i32
      %dma_wait3A_57 = tpu.memref_slice %arg6[%add3A_55, %dma_wait3A_56] : memref<80x128xi32, #tpu.memory_space<vmem>> -> memref<1x128xi32, #tpu.memory_space<vmem>>
      %dma_wait3A_58 = tpu.memref_squeeze %dma_wait3A_57 : memref<1x128xi32, #tpu.memory_space<vmem>> -> memref<128xi32, #tpu.memory_space<vmem>>
      %dma_wait3A_59 = arith.constant 0 : i32
      %dma_wait3A_60 = arith.constant 0 : i32
      %dma_wait3A_61 = tpu.memref_slice %arg2[%dma_wait3A_59, %dma_wait3A_60] : memref<10000x128xf32, #tpu.memory_space<hbm>> -> memref<10000x128xf32, #tpu.memory_space<hbm>>
      tpu.wait_indirect_dma semaphore(%arg13 : memref<!tpu.dma_semaphore, #tpu.memory_space<semaphore_mem>>) src(%dma_wait3A_61 : memref<10000x128xf32, #tpu.memory_space<hbm>>) dst(%arg9 : memref<128x128xf32, #tpu.memory_space<vmem>>)
      %run_scoped3A_62 = arith.constant 1 : i32
      "tpu.region"() ({
        %run_scoped3A_166 = tpu.sem_alloc : memref<!tpu.dma_semaphore, #tpu.memory_space<semaphore_mem>>
        %dma_start3A_167 = arith.constant 0 : i32
        %dma_start3A_168 = tpu.memref_slice %arg7[%run_scoped3A_62, %dma_start3A_167] : memref<8x128xi32, #tpu.memory_space<vmem>> -> memref<1x128xi32, #tpu.memory_space<vmem>>
        %dma_start3A_169 = tpu.memref_squeeze %dma_start3A_168 : memref<1x128xi32, #tpu.memory_space<vmem>> -> memref<128xi32, #tpu.memory_space<vmem>>
        %dma_start3A_170 = arith.constant 0 : i32
        %dma_start3A_171 = arith.constant 0 : i32
        %dma_start3A_172 = tpu.memref_slice %arg11[%dma_start3A_170, %dma_start3A_171] : memref<10240x128xf32, #tpu.memory_space<vmem_shared>> -> memref<10240x128xf32, #tpu.memory_space<vmem_shared>>
        tpu.enqueue_indirect_dma source(%arg9 : memref<128x128xf32, #tpu.memory_space<vmem>>) target(%dma_start3A_172 : memref<10240x128xf32, #tpu.memory_space<vmem_shared>>) offsets(%dma_start3A_169 : memref<128xi32, #tpu.memory_space<vmem>>) semaphore(%run_scoped3A_166 : memref<!tpu.dma_semaphore, #tpu.memory_space<semaphore_mem>>) {add = true}
        %dma_wait3A_173 = arith.constant 0 : i32
        %dma_wait3A_174 = tpu.memref_slice %arg7[%run_scoped3A_62, %dma_wait3A_173] : memref<8x128xi32, #tpu.memory_space<vmem>> -> memref<1x128xi32, #tpu.memory_space<vmem>>
        %dma_wait3A_175 = tpu.memref_squeeze %dma_wait3A_174 : memref<1x128xi32, #tpu.memory_space<vmem>> -> memref<128xi32, #tpu.memory_space<vmem>>
        %dma_wait3A_176 = arith.constant 0 : i32
        %dma_wait3A_177 = arith.constant 0 : i32
        %dma_wait3A_178 = tpu.memref_slice %arg11[%dma_wait3A_176, %dma_wait3A_177] : memref<10240x128xf32, #tpu.memory_space<vmem_shared>> -> memref<10240x128xf32, #tpu.memory_space<vmem_shared>>
        tpu.wait_indirect_dma semaphore(%run_scoped3A_166 : memref<!tpu.dma_semaphore, #tpu.memory_space<semaphore_mem>>) src(%arg9 : memref<128x128xf32, #tpu.memory_space<vmem>>) dst(%dma_wait3A_178 : memref<10240x128xf32, #tpu.memory_space<vmem_shared>>)
        tpu.yield
      }) : () -> ()
      %add3A_63 = arith.constant 2 : i32
      %add3A_64 = arith.addi %add3A_55, %add3A_63 : i32
      %lt3A_65 = arith.constant 80 : i32
      %lt3A_66 = arith.cmpi slt, %add3A_64, %lt3A_65 : i32
      %convert_element_type3A_67 = arith.extui %lt3A_66 : i1 to i32
      %cond3A_68 = arith.constant 0 : i32
      %cond3A_69 = arith.cmpi ne, %convert_element_type3A_67, %cond3A_68 : i32
      scf.if %cond3A_69 {
        %add3A_166 = arith.constant 2 : i32
        %add3A_167 = arith.addi %add3A_55, %add3A_166 : i32
        %dma_start3A_168 = arith.constant 0 : i32
        %dma_start3A_169 = tpu.memref_slice %arg6[%add3A_167, %dma_start3A_168] : memref<80x128xi32, #tpu.memory_space<vmem>> -> memref<1x128xi32, #tpu.memory_space<vmem>>
        %dma_start3A_170 = tpu.memref_squeeze %dma_start3A_169 : memref<1x128xi32, #tpu.memory_space<vmem>> -> memref<128xi32, #tpu.memory_space<vmem>>
        %dma_start3A_171 = arith.constant 0 : i32
        %dma_start3A_172 = arith.constant 0 : i32
        %dma_start3A_173 = tpu.memref_slice %arg2[%dma_start3A_171, %dma_start3A_172] : memref<10000x128xf32, #tpu.memory_space<hbm>> -> memref<10000x128xf32, #tpu.memory_space<hbm>>
        tpu.enqueue_indirect_dma source(%dma_start3A_173 : memref<10000x128xf32, #tpu.memory_space<hbm>>) target(%arg9 : memref<128x128xf32, #tpu.memory_space<vmem>>) offsets(%dma_start3A_170 : memref<128xi32, #tpu.memory_space<vmem>>) semaphore(%arg13 : memref<!tpu.dma_semaphore, #tpu.memory_space<semaphore_mem>>)
      } else {
      }
      %add3A_70 = arith.constant 2 : i32
      %add3A_71 = arith.addi %add3A_39, %add3A_70 : i32
      %dma_wait3A_72 = arith.constant 0 : i32
      %dma_wait3A_73 = tpu.memref_slice %arg6[%add3A_71, %dma_wait3A_72] : memref<80x128xi32, #tpu.memory_space<vmem>> -> memref<1x128xi32, #tpu.memory_space<vmem>>
      %dma_wait3A_74 = tpu.memref_squeeze %dma_wait3A_73 : memref<1x128xi32, #tpu.memory_space<vmem>> -> memref<128xi32, #tpu.memory_space<vmem>>
      %dma_wait3A_75 = arith.constant 0 : i32
      %dma_wait3A_76 = arith.constant 0 : i32
      %dma_wait3A_77 = tpu.memref_slice %arg2[%dma_wait3A_75, %dma_wait3A_76] : memref<10000x128xf32, #tpu.memory_space<hbm>> -> memref<10000x128xf32, #tpu.memory_space<hbm>>
      tpu.wait_indirect_dma semaphore(%arg12 : memref<!tpu.dma_semaphore, #tpu.memory_space<semaphore_mem>>) src(%dma_wait3A_77 : memref<10000x128xf32, #tpu.memory_space<hbm>>) dst(%arg8 : memref<128x128xf32, #tpu.memory_space<vmem>>)
      %run_scoped3A_78 = arith.constant 2 : i32
      "tpu.region"() ({
        %run_scoped3A_166 = tpu.sem_alloc : memref<!tpu.dma_semaphore, #tpu.memory_space<semaphore_mem>>
        %dma_start3A_167 = arith.constant 0 : i32
        %dma_start3A_168 = tpu.memref_slice %arg7[%run_scoped3A_78, %dma_start3A_167] : memref<8x128xi32, #tpu.memory_space<vmem>> -> memref<1x128xi32, #tpu.memory_space<vmem>>
        %dma_start3A_169 = tpu.memref_squeeze %dma_start3A_168 : memref<1x128xi32, #tpu.memory_space<vmem>> -> memref<128xi32, #tpu.memory_space<vmem>>
        %dma_start3A_170 = arith.constant 0 : i32
        %dma_start3A_171 = arith.constant 0 : i32
        %dma_start3A_172 = tpu.memref_slice %arg11[%dma_start3A_170, %dma_start3A_171] : memref<10240x128xf32, #tpu.memory_space<vmem_shared>> -> memref<10240x128xf32, #tpu.memory_space<vmem_shared>>
        tpu.enqueue_indirect_dma source(%arg8 : memref<128x128xf32, #tpu.memory_space<vmem>>) target(%dma_start3A_172 : memref<10240x128xf32, #tpu.memory_space<vmem_shared>>) offsets(%dma_start3A_169 : memref<128xi32, #tpu.memory_space<vmem>>) semaphore(%run_scoped3A_166 : memref<!tpu.dma_semaphore, #tpu.memory_space<semaphore_mem>>) {add = true}
        %dma_wait3A_173 = arith.constant 0 : i32
        %dma_wait3A_174 = tpu.memref_slice %arg7[%run_scoped3A_78, %dma_wait3A_173] : memref<8x128xi32, #tpu.memory_space<vmem>> -> memref<1x128xi32, #tpu.memory_space<vmem>>
        %dma_wait3A_175 = tpu.memref_squeeze %dma_wait3A_174 : memref<1x128xi32, #tpu.memory_space<vmem>> -> memref<128xi32, #tpu.memory_space<vmem>>
        %dma_wait3A_176 = arith.constant 0 : i32
        %dma_wait3A_177 = arith.constant 0 : i32
        %dma_wait3A_178 = tpu.memref_slice %arg11[%dma_wait3A_176, %dma_wait3A_177] : memref<10240x128xf32, #tpu.memory_space<vmem_shared>> -> memref<10240x128xf32, #tpu.memory_space<vmem_shared>>
        tpu.wait_indirect_dma semaphore(%run_scoped3A_166 : memref<!tpu.dma_semaphore, #tpu.memory_space<semaphore_mem>>) src(%arg8 : memref<128x128xf32, #tpu.memory_space<vmem>>) dst(%dma_wait3A_178 : memref<10240x128xf32, #tpu.memory_space<vmem_shared>>)
        tpu.yield
      }) : () -> ()
      %add3A_79 = arith.constant 2 : i32
      %add3A_80 = arith.addi %add3A_71, %add3A_79 : i32
      %lt3A_81 = arith.constant 80 : i32
      %lt3A_82 = arith.cmpi slt, %add3A_80, %lt3A_81 : i32
      %convert_element_type3A_83 = arith.extui %lt3A_82 : i1 to i32
      %cond3A_84 = arith.constant 0 : i32
      %cond3A_85 = arith.cmpi ne, %convert_element_type3A_83, %cond3A_84 : i32
      scf.if %cond3A_85 {
        %add3A_166 = arith.constant 2 : i32
        %add3A_167 = arith.addi %add3A_71, %add3A_166 : i32
        %dma_start3A_168 = arith.constant 0 : i32
        %dma_start3A_169 = tpu.memref_slice %arg6[%add3A_167, %dma_start3A_168] : memref<80x128xi32, #tpu.memory_space<vmem>> -> memref<1x128xi32, #tpu.memory_space<vmem>>
        %dma_start3A_170 = tpu.memref_squeeze %dma_start3A_169 : memref<1x128xi32, #tpu.memory_space<vmem>> -> memref<128xi32, #tpu.memory_space<vmem>>
        %dma_start3A_171 = arith.constant 0 : i32
        %dma_start3A_172 = arith.constant 0 : i32
        %dma_start3A_173 = tpu.memref_slice %arg2[%dma_start3A_171, %dma_start3A_172] : memref<10000x128xf32, #tpu.memory_space<hbm>> -> memref<10000x128xf32, #tpu.memory_space<hbm>>
        tpu.enqueue_indirect_dma source(%dma_start3A_173 : memref<10000x128xf32, #tpu.memory_space<hbm>>) target(%arg8 : memref<128x128xf32, #tpu.memory_space<vmem>>) offsets(%dma_start3A_170 : memref<128xi32, #tpu.memory_space<vmem>>) semaphore(%arg12 : memref<!tpu.dma_semaphore, #tpu.memory_space<semaphore_mem>>)
      } else {
      }
      %add3A_86 = arith.constant 3 : i32
      %add3A_87 = arith.addi %add3A_39, %add3A_86 : i32
      %dma_wait3A_88 = arith.constant 0 : i32
      %dma_wait3A_89 = tpu.memref_slice %arg6[%add3A_87, %dma_wait3A_88] : memref<80x128xi32, #tpu.memory_space<vmem>> -> memref<1x128xi32, #tpu.memory_space<vmem>>
      %dma_wait3A_90 = tpu.memref_squeeze %dma_wait3A_89 : memref<1x128xi32, #tpu.memory_space<vmem>> -> memref<128xi32, #tpu.memory_space<vmem>>
      %dma_wait3A_91 = arith.constant 0 : i32
      %dma_wait3A_92 = arith.constant 0 : i32
      %dma_wait3A_93 = tpu.memref_slice %arg2[%dma_wait3A_91, %dma_wait3A_92] : memref<10000x128xf32, #tpu.memory_space<hbm>> -> memref<10000x128xf32, #tpu.memory_space<hbm>>
      tpu.wait_indirect_dma semaphore(%arg13 : memref<!tpu.dma_semaphore, #tpu.memory_space<semaphore_mem>>) src(%dma_wait3A_93 : memref<10000x128xf32, #tpu.memory_space<hbm>>) dst(%arg9 : memref<128x128xf32, #tpu.memory_space<vmem>>)
      %run_scoped3A_94 = arith.constant 3 : i32
      "tpu.region"() ({
        %run_scoped3A_166 = tpu.sem_alloc : memref<!tpu.dma_semaphore, #tpu.memory_space<semaphore_mem>>
        %dma_start3A_167 = arith.constant 0 : i32
        %dma_start3A_168 = tpu.memref_slice %arg7[%run_scoped3A_94, %dma_start3A_167] : memref<8x128xi32, #tpu.memory_space<vmem>> -> memref<1x128xi32, #tpu.memory_space<vmem>>
        %dma_start3A_169 = tpu.memref_squeeze %dma_start3A_168 : memref<1x128xi32, #tpu.memory_space<vmem>> -> memref<128xi32, #tpu.memory_space<vmem>>
        %dma_start3A_170 = arith.constant 0 : i32
        %dma_start3A_171 = arith.constant 0 : i32
        %dma_start3A_172 = tpu.memref_slice %arg11[%dma_start3A_170, %dma_start3A_171] : memref<10240x128xf32, #tpu.memory_space<vmem_shared>> -> memref<10240x128xf32, #tpu.memory_space<vmem_shared>>
        tpu.enqueue_indirect_dma source(%arg9 : memref<128x128xf32, #tpu.memory_space<vmem>>) target(%dma_start3A_172 : memref<10240x128xf32, #tpu.memory_space<vmem_shared>>) offsets(%dma_start3A_169 : memref<128xi32, #tpu.memory_space<vmem>>) semaphore(%run_scoped3A_166 : memref<!tpu.dma_semaphore, #tpu.memory_space<semaphore_mem>>) {add = true}
        %dma_wait3A_173 = arith.constant 0 : i32
        %dma_wait3A_174 = tpu.memref_slice %arg7[%run_scoped3A_94, %dma_wait3A_173] : memref<8x128xi32, #tpu.memory_space<vmem>> -> memref<1x128xi32, #tpu.memory_space<vmem>>
        %dma_wait3A_175 = tpu.memref_squeeze %dma_wait3A_174 : memref<1x128xi32, #tpu.memory_space<vmem>> -> memref<128xi32, #tpu.memory_space<vmem>>
        %dma_wait3A_176 = arith.constant 0 : i32
        %dma_wait3A_177 = arith.constant 0 : i32
        %dma_wait3A_178 = tpu.memref_slice %arg11[%dma_wait3A_176, %dma_wait3A_177] : memref<10240x128xf32, #tpu.memory_space<vmem_shared>> -> memref<10240x128xf32, #tpu.memory_space<vmem_shared>>
        tpu.wait_indirect_dma semaphore(%run_scoped3A_166 : memref<!tpu.dma_semaphore, #tpu.memory_space<semaphore_mem>>) src(%arg9 : memref<128x128xf32, #tpu.memory_space<vmem>>) dst(%dma_wait3A_178 : memref<10240x128xf32, #tpu.memory_space<vmem_shared>>)
        tpu.yield
      }) : () -> ()
      %add3A_95 = arith.constant 2 : i32
      %add3A_96 = arith.addi %add3A_87, %add3A_95 : i32
      %lt3A_97 = arith.constant 80 : i32
      %lt3A_98 = arith.cmpi slt, %add3A_96, %lt3A_97 : i32
      %convert_element_type3A_99 = arith.extui %lt3A_98 : i1 to i32
      %cond3A_100 = arith.constant 0 : i32
      %cond3A_101 = arith.cmpi ne, %convert_element_type3A_99, %cond3A_100 : i32
      scf.if %cond3A_101 {
        %add3A_166 = arith.constant 2 : i32
        %add3A_167 = arith.addi %add3A_87, %add3A_166 : i32
        %dma_start3A_168 = arith.constant 0 : i32
        %dma_start3A_169 = tpu.memref_slice %arg6[%add3A_167, %dma_start3A_168] : memref<80x128xi32, #tpu.memory_space<vmem>> -> memref<1x128xi32, #tpu.memory_space<vmem>>
        %dma_start3A_170 = tpu.memref_squeeze %dma_start3A_169 : memref<1x128xi32, #tpu.memory_space<vmem>> -> memref<128xi32, #tpu.memory_space<vmem>>
        %dma_start3A_171 = arith.constant 0 : i32
        %dma_start3A_172 = arith.constant 0 : i32
        %dma_start3A_173 = tpu.memref_slice %arg2[%dma_start3A_171, %dma_start3A_172] : memref<10000x128xf32, #tpu.memory_space<hbm>> -> memref<10000x128xf32, #tpu.memory_space<hbm>>
        tpu.enqueue_indirect_dma source(%dma_start3A_173 : memref<10000x128xf32, #tpu.memory_space<hbm>>) target(%arg9 : memref<128x128xf32, #tpu.memory_space<vmem>>) offsets(%dma_start3A_170 : memref<128xi32, #tpu.memory_space<vmem>>) semaphore(%arg13 : memref<!tpu.dma_semaphore, #tpu.memory_space<semaphore_mem>>)
      } else {
      }
      %add3A_102 = arith.constant 4 : i32
      %add3A_103 = arith.addi %add3A_39, %add3A_102 : i32
      %dma_wait3A_104 = arith.constant 0 : i32
      %dma_wait3A_105 = tpu.memref_slice %arg6[%add3A_103, %dma_wait3A_104] : memref<80x128xi32, #tpu.memory_space<vmem>> -> memref<1x128xi32, #tpu.memory_space<vmem>>
      %dma_wait3A_106 = tpu.memref_squeeze %dma_wait3A_105 : memref<1x128xi32, #tpu.memory_space<vmem>> -> memref<128xi32, #tpu.memory_space<vmem>>
      %dma_wait3A_107 = arith.constant 0 : i32
      %dma_wait3A_108 = arith.constant 0 : i32
      %dma_wait3A_109 = tpu.memref_slice %arg2[%dma_wait3A_107, %dma_wait3A_108] : memref<10000x128xf32, #tpu.memory_space<hbm>> -> memref<10000x128xf32, #tpu.memory_space<hbm>>
      tpu.wait_indirect_dma semaphore(%arg12 : memref<!tpu.dma_semaphore, #tpu.memory_space<semaphore_mem>>) src(%dma_wait3A_109 : memref<10000x128xf32, #tpu.memory_space<hbm>>) dst(%arg8 : memref<128x128xf32, #tpu.memory_space<vmem>>)
      %run_scoped3A_110 = arith.constant 4 : i32
      "tpu.region"() ({
        %run_scoped3A_166 = tpu.sem_alloc : memref<!tpu.dma_semaphore, #tpu.memory_space<semaphore_mem>>
        %dma_start3A_167 = arith.constant 0 : i32
        %dma_start3A_168 = tpu.memref_slice %arg7[%run_scoped3A_110, %dma_start3A_167] : memref<8x128xi32, #tpu.memory_space<vmem>> -> memref<1x128xi32, #tpu.memory_space<vmem>>
        %dma_start3A_169 = tpu.memref_squeeze %dma_start3A_168 : memref<1x128xi32, #tpu.memory_space<vmem>> -> memref<128xi32, #tpu.memory_space<vmem>>
        %dma_start3A_170 = arith.constant 0 : i32
        %dma_start3A_171 = arith.constant 0 : i32
        %dma_start3A_172 = tpu.memref_slice %arg11[%dma_start3A_170, %dma_start3A_171] : memref<10240x128xf32, #tpu.memory_space<vmem_shared>> -> memref<10240x128xf32, #tpu.memory_space<vmem_shared>>
        tpu.enqueue_indirect_dma source(%arg8 : memref<128x128xf32, #tpu.memory_space<vmem>>) target(%dma_start3A_172 : memref<10240x128xf32, #tpu.memory_space<vmem_shared>>) offsets(%dma_start3A_169 : memref<128xi32, #tpu.memory_space<vmem>>) semaphore(%run_scoped3A_166 : memref<!tpu.dma_semaphore, #tpu.memory_space<semaphore_mem>>) {add = true}
        %dma_wait3A_173 = arith.constant 0 : i32
        %dma_wait3A_174 = tpu.memref_slice %arg7[%run_scoped3A_110, %dma_wait3A_173] : memref<8x128xi32, #tpu.memory_space<vmem>> -> memref<1x128xi32, #tpu.memory_space<vmem>>
        %dma_wait3A_175 = tpu.memref_squeeze %dma_wait3A_174 : memref<1x128xi32, #tpu.memory_space<vmem>> -> memref<128xi32, #tpu.memory_space<vmem>>
        %dma_wait3A_176 = arith.constant 0 : i32
        %dma_wait3A_177 = arith.constant 0 : i32
        %dma_wait3A_178 = tpu.memref_slice %arg11[%dma_wait3A_176, %dma_wait3A_177] : memref<10240x128xf32, #tpu.memory_space<vmem_shared>> -> memref<10240x128xf32, #tpu.memory_space<vmem_shared>>
        tpu.wait_indirect_dma semaphore(%run_scoped3A_166 : memref<!tpu.dma_semaphore, #tpu.memory_space<semaphore_mem>>) src(%arg8 : memref<128x128xf32, #tpu.memory_space<vmem>>) dst(%dma_wait3A_178 : memref<10240x128xf32, #tpu.memory_space<vmem_shared>>)
        tpu.yield
      }) : () -> ()
      %add3A_111 = arith.constant 2 : i32
      %add3A_112 = arith.addi %add3A_103, %add3A_111 : i32
      %lt3A_113 = arith.constant 80 : i32
      %lt3A_114 = arith.cmpi slt, %add3A_112, %lt3A_113 : i32
      %convert_element_type3A_115 = arith.extui %lt3A_114 : i1 to i32
      %cond3A_116 = arith.constant 0 : i32
      %cond3A_117 = arith.cmpi ne, %convert_element_type3A_115, %cond3A_116 : i32
      scf.if %cond3A_117 {
        %add3A_166 = arith.constant 2 : i32
        %add3A_167 = arith.addi %add3A_103, %add3A_166 : i32
        %dma_start3A_168 = arith.constant 0 : i32
        %dma_start3A_169 = tpu.memref_slice %arg6[%add3A_167, %dma_start3A_168] : memref<80x128xi32, #tpu.memory_space<vmem>> -> memref<1x128xi32, #tpu.memory_space<vmem>>
        %dma_start3A_170 = tpu.memref_squeeze %dma_start3A_169 : memref<1x128xi32, #tpu.memory_space<vmem>> -> memref<128xi32, #tpu.memory_space<vmem>>
        %dma_start3A_171 = arith.constant 0 : i32
        %dma_start3A_172 = arith.constant 0 : i32
        %dma_start3A_173 = tpu.memref_slice %arg2[%dma_start3A_171, %dma_start3A_172] : memref<10000x128xf32, #tpu.memory_space<hbm>> -> memref<10000x128xf32, #tpu.memory_space<hbm>>
        tpu.enqueue_indirect_dma source(%dma_start3A_173 : memref<10000x128xf32, #tpu.memory_space<hbm>>) target(%arg8 : memref<128x128xf32, #tpu.memory_space<vmem>>) offsets(%dma_start3A_170 : memref<128xi32, #tpu.memory_space<vmem>>) semaphore(%arg12 : memref<!tpu.dma_semaphore, #tpu.memory_space<semaphore_mem>>)
      } else {
      }
      %add3A_118 = arith.constant 5 : i32
      %add3A_119 = arith.addi %add3A_39, %add3A_118 : i32
      %dma_wait3A_120 = arith.constant 0 : i32
      %dma_wait3A_121 = tpu.memref_slice %arg6[%add3A_119, %dma_wait3A_120] : memref<80x128xi32, #tpu.memory_space<vmem>> -> memref<1x128xi32, #tpu.memory_space<vmem>>
      %dma_wait3A_122 = tpu.memref_squeeze %dma_wait3A_121 : memref<1x128xi32, #tpu.memory_space<vmem>> -> memref<128xi32, #tpu.memory_space<vmem>>
      %dma_wait3A_123 = arith.constant 0 : i32
      %dma_wait3A_124 = arith.constant 0 : i32
      %dma_wait3A_125 = tpu.memref_slice %arg2[%dma_wait3A_123, %dma_wait3A_124] : memref<10000x128xf32, #tpu.memory_space<hbm>> -> memref<10000x128xf32, #tpu.memory_space<hbm>>
      tpu.wait_indirect_dma semaphore(%arg13 : memref<!tpu.dma_semaphore, #tpu.memory_space<semaphore_mem>>) src(%dma_wait3A_125 : memref<10000x128xf32, #tpu.memory_space<hbm>>) dst(%arg9 : memref<128x128xf32, #tpu.memory_space<vmem>>)
      %run_scoped3A_126 = arith.constant 5 : i32
      "tpu.region"() ({
        %run_scoped3A_166 = tpu.sem_alloc : memref<!tpu.dma_semaphore, #tpu.memory_space<semaphore_mem>>
        %dma_start3A_167 = arith.constant 0 : i32
        %dma_start3A_168 = tpu.memref_slice %arg7[%run_scoped3A_126, %dma_start3A_167] : memref<8x128xi32, #tpu.memory_space<vmem>> -> memref<1x128xi32, #tpu.memory_space<vmem>>
        %dma_start3A_169 = tpu.memref_squeeze %dma_start3A_168 : memref<1x128xi32, #tpu.memory_space<vmem>> -> memref<128xi32, #tpu.memory_space<vmem>>
        %dma_start3A_170 = arith.constant 0 : i32
        %dma_start3A_171 = arith.constant 0 : i32
        %dma_start3A_172 = tpu.memref_slice %arg11[%dma_start3A_170, %dma_start3A_171] : memref<10240x128xf32, #tpu.memory_space<vmem_shared>> -> memref<10240x128xf32, #tpu.memory_space<vmem_shared>>
        tpu.enqueue_indirect_dma source(%arg9 : memref<128x128xf32, #tpu.memory_space<vmem>>) target(%dma_start3A_172 : memref<10240x128xf32, #tpu.memory_space<vmem_shared>>) offsets(%dma_start3A_169 : memref<128xi32, #tpu.memory_space<vmem>>) semaphore(%run_scoped3A_166 : memref<!tpu.dma_semaphore, #tpu.memory_space<semaphore_mem>>) {add = true}
        %dma_wait3A_173 = arith.constant 0 : i32
        %dma_wait3A_174 = tpu.memref_slice %arg7[%run_scoped3A_126, %dma_wait3A_173] : memref<8x128xi32, #tpu.memory_space<vmem>> -> memref<1x128xi32, #tpu.memory_space<vmem>>
        %dma_wait3A_175 = tpu.memref_squeeze %dma_wait3A_174 : memref<1x128xi32, #tpu.memory_space<vmem>> -> memref<128xi32, #tpu.memory_space<vmem>>
        %dma_wait3A_176 = arith.constant 0 : i32
        %dma_wait3A_177 = arith.constant 0 : i32
        %dma_wait3A_178 = tpu.memref_slice %arg11[%dma_wait3A_176, %dma_wait3A_177] : memref<10240x128xf32, #tpu.memory_space<vmem_shared>> -> memref<10240x128xf32, #tpu.memory_space<vmem_shared>>
        tpu.wait_indirect_dma semaphore(%run_scoped3A_166 : memref<!tpu.dma_semaphore, #tpu.memory_space<semaphore_mem>>) src(%arg9 : memref<128x128xf32, #tpu.memory_space<vmem>>) dst(%dma_wait3A_178 : memref<10240x128xf32, #tpu.memory_space<vmem_shared>>)
        tpu.yield
      }) : () -> ()
      %add3A_127 = arith.constant 2 : i32
      %add3A_128 = arith.addi %add3A_119, %add3A_127 : i32
      %lt3A_129 = arith.constant 80 : i32
      %lt3A_130 = arith.cmpi slt, %add3A_128, %lt3A_129 : i32
      %convert_element_type3A_131 = arith.extui %lt3A_130 : i1 to i32
      %cond3A_132 = arith.constant 0 : i32
      %cond3A_133 = arith.cmpi ne, %convert_element_type3A_131, %cond3A_132 : i32
      scf.if %cond3A_133 {
        %add3A_166 = arith.constant 2 : i32
        %add3A_167 = arith.addi %add3A_119, %add3A_166 : i32
        %dma_start3A_168 = arith.constant 0 : i32
        %dma_start3A_169 = tpu.memref_slice %arg6[%add3A_167, %dma_start3A_168] : memref<80x128xi32, #tpu.memory_space<vmem>> -> memref<1x128xi32, #tpu.memory_space<vmem>>
        %dma_start3A_170 = tpu.memref_squeeze %dma_start3A_169 : memref<1x128xi32, #tpu.memory_space<vmem>> -> memref<128xi32, #tpu.memory_space<vmem>>
        %dma_start3A_171 = arith.constant 0 : i32
        %dma_start3A_172 = arith.constant 0 : i32
        %dma_start3A_173 = tpu.memref_slice %arg2[%dma_start3A_171, %dma_start3A_172] : memref<10000x128xf32, #tpu.memory_space<hbm>> -> memref<10000x128xf32, #tpu.memory_space<hbm>>
        tpu.enqueue_indirect_dma source(%dma_start3A_173 : memref<10000x128xf32, #tpu.memory_space<hbm>>) target(%arg9 : memref<128x128xf32, #tpu.memory_space<vmem>>) offsets(%dma_start3A_170 : memref<128xi32, #tpu.memory_space<vmem>>) semaphore(%arg13 : memref<!tpu.dma_semaphore, #tpu.memory_space<semaphore_mem>>)
      } else {
      }
      %add3A_134 = arith.constant 6 : i32
      %add3A_135 = arith.addi %add3A_39, %add3A_134 : i32
      %dma_wait3A_136 = arith.constant 0 : i32
      %dma_wait3A_137 = tpu.memref_slice %arg6[%add3A_135, %dma_wait3A_136] : memref<80x128xi32, #tpu.memory_space<vmem>> -> memref<1x128xi32, #tpu.memory_space<vmem>>
      %dma_wait3A_138 = tpu.memref_squeeze %dma_wait3A_137 : memref<1x128xi32, #tpu.memory_space<vmem>> -> memref<128xi32, #tpu.memory_space<vmem>>
      %dma_wait3A_139 = arith.constant 0 : i32
      %dma_wait3A_140 = arith.constant 0 : i32
      %dma_wait3A_141 = tpu.memref_slice %arg2[%dma_wait3A_139, %dma_wait3A_140] : memref<10000x128xf32, #tpu.memory_space<hbm>> -> memref<10000x128xf32, #tpu.memory_space<hbm>>
      tpu.wait_indirect_dma semaphore(%arg12 : memref<!tpu.dma_semaphore, #tpu.memory_space<semaphore_mem>>) src(%dma_wait3A_141 : memref<10000x128xf32, #tpu.memory_space<hbm>>) dst(%arg8 : memref<128x128xf32, #tpu.memory_space<vmem>>)
      %run_scoped3A_142 = arith.constant 6 : i32
      "tpu.region"() ({
        %run_scoped3A_166 = tpu.sem_alloc : memref<!tpu.dma_semaphore, #tpu.memory_space<semaphore_mem>>
        %dma_start3A_167 = arith.constant 0 : i32
        %dma_start3A_168 = tpu.memref_slice %arg7[%run_scoped3A_142, %dma_start3A_167] : memref<8x128xi32, #tpu.memory_space<vmem>> -> memref<1x128xi32, #tpu.memory_space<vmem>>
        %dma_start3A_169 = tpu.memref_squeeze %dma_start3A_168 : memref<1x128xi32, #tpu.memory_space<vmem>> -> memref<128xi32, #tpu.memory_space<vmem>>
        %dma_start3A_170 = arith.constant 0 : i32
        %dma_start3A_171 = arith.constant 0 : i32
        %dma_start3A_172 = tpu.memref_slice %arg11[%dma_start3A_170, %dma_start3A_171] : memref<10240x128xf32, #tpu.memory_space<vmem_shared>> -> memref<10240x128xf32, #tpu.memory_space<vmem_shared>>
        tpu.enqueue_indirect_dma source(%arg8 : memref<128x128xf32, #tpu.memory_space<vmem>>) target(%dma_start3A_172 : memref<10240x128xf32, #tpu.memory_space<vmem_shared>>) offsets(%dma_start3A_169 : memref<128xi32, #tpu.memory_space<vmem>>) semaphore(%run_scoped3A_166 : memref<!tpu.dma_semaphore, #tpu.memory_space<semaphore_mem>>) {add = true}
        %dma_wait3A_173 = arith.constant 0 : i32
        %dma_wait3A_174 = tpu.memref_slice %arg7[%run_scoped3A_142, %dma_wait3A_173] : memref<8x128xi32, #tpu.memory_space<vmem>> -> memref<1x128xi32, #tpu.memory_space<vmem>>
        %dma_wait3A_175 = tpu.memref_squeeze %dma_wait3A_174 : memref<1x128xi32, #tpu.memory_space<vmem>> -> memref<128xi32, #tpu.memory_space<vmem>>
        %dma_wait3A_176 = arith.constant 0 : i32
        %dma_wait3A_177 = arith.constant 0 : i32
        %dma_wait3A_178 = tpu.memref_slice %arg11[%dma_wait3A_176, %dma_wait3A_177] : memref<10240x128xf32, #tpu.memory_space<vmem_shared>> -> memref<10240x128xf32, #tpu.memory_space<vmem_shared>>
        tpu.wait_indirect_dma semaphore(%run_scoped3A_166 : memref<!tpu.dma_semaphore, #tpu.memory_space<semaphore_mem>>) src(%arg8 : memref<128x128xf32, #tpu.memory_space<vmem>>) dst(%dma_wait3A_178 : memref<10240x128xf32, #tpu.memory_space<vmem_shared>>)
        tpu.yield
      }) : () -> ()
      %add3A_143 = arith.constant 2 : i32
      %add3A_144 = arith.addi %add3A_135, %add3A_143 : i32
      %lt3A_145 = arith.constant 80 : i32
      %lt3A_146 = arith.cmpi slt, %add3A_144, %lt3A_145 : i32
      %convert_element_type3A_147 = arith.extui %lt3A_146 : i1 to i32
      %cond3A_148 = arith.constant 0 : i32
      %cond3A_149 = arith.cmpi ne, %convert_element_type3A_147, %cond3A_148 : i32
      scf.if %cond3A_149 {
        %add3A_166 = arith.constant 2 : i32
        %add3A_167 = arith.addi %add3A_135, %add3A_166 : i32
        %dma_start3A_168 = arith.constant 0 : i32
        %dma_start3A_169 = tpu.memref_slice %arg6[%add3A_167, %dma_start3A_168] : memref<80x128xi32, #tpu.memory_space<vmem>> -> memref<1x128xi32, #tpu.memory_space<vmem>>
        %dma_start3A_170 = tpu.memref_squeeze %dma_start3A_169 : memref<1x128xi32, #tpu.memory_space<vmem>> -> memref<128xi32, #tpu.memory_space<vmem>>
        %dma_start3A_171 = arith.constant 0 : i32
        %dma_start3A_172 = arith.constant 0 : i32
        %dma_start3A_173 = tpu.memref_slice %arg2[%dma_start3A_171, %dma_start3A_172] : memref<10000x128xf32, #tpu.memory_space<hbm>> -> memref<10000x128xf32, #tpu.memory_space<hbm>>
        tpu.enqueue_indirect_dma source(%dma_start3A_173 : memref<10000x128xf32, #tpu.memory_space<hbm>>) target(%arg8 : memref<128x128xf32, #tpu.memory_space<vmem>>) offsets(%dma_start3A_170 : memref<128xi32, #tpu.memory_space<vmem>>) semaphore(%arg12 : memref<!tpu.dma_semaphore, #tpu.memory_space<semaphore_mem>>)
      } else {
      }
      %add3A_150 = arith.constant 7 : i32
      %add3A_151 = arith.addi %add3A_39, %add3A_150 : i32
      %dma_wait3A_152 = arith.constant 0 : i32
      %dma_wait3A_153 = tpu.memref_slice %arg6[%add3A_151, %dma_wait3A_152] : memref<80x128xi32, #tpu.memory_space<vmem>> -> memref<1x128xi32, #tpu.memory_space<vmem>>
      %dma_wait3A_154 = tpu.memref_squeeze %dma_wait3A_153 : memref<1x128xi32, #tpu.memory_space<vmem>> -> memref<128xi32, #tpu.memory_space<vmem>>
      %dma_wait3A_155 = arith.constant 0 : i32
      %dma_wait3A_156 = arith.constant 0 : i32
      %dma_wait3A_157 = tpu.memref_slice %arg2[%dma_wait3A_155, %dma_wait3A_156] : memref<10000x128xf32, #tpu.memory_space<hbm>> -> memref<10000x128xf32, #tpu.memory_space<hbm>>
      tpu.wait_indirect_dma semaphore(%arg13 : memref<!tpu.dma_semaphore, #tpu.memory_space<semaphore_mem>>) src(%dma_wait3A_157 : memref<10000x128xf32, #tpu.memory_space<hbm>>) dst(%arg9 : memref<128x128xf32, #tpu.memory_space<vmem>>)
      %run_scoped3A_158 = arith.constant 7 : i32
      "tpu.region"() ({
        %run_scoped3A_166 = tpu.sem_alloc : memref<!tpu.dma_semaphore, #tpu.memory_space<semaphore_mem>>
        %dma_start3A_167 = arith.constant 0 : i32
        %dma_start3A_168 = tpu.memref_slice %arg7[%run_scoped3A_158, %dma_start3A_167] : memref<8x128xi32, #tpu.memory_space<vmem>> -> memref<1x128xi32, #tpu.memory_space<vmem>>
        %dma_start3A_169 = tpu.memref_squeeze %dma_start3A_168 : memref<1x128xi32, #tpu.memory_space<vmem>> -> memref<128xi32, #tpu.memory_space<vmem>>
        %dma_start3A_170 = arith.constant 0 : i32
        %dma_start3A_171 = arith.constant 0 : i32
        %dma_start3A_172 = tpu.memref_slice %arg11[%dma_start3A_170, %dma_start3A_171] : memref<10240x128xf32, #tpu.memory_space<vmem_shared>> -> memref<10240x128xf32, #tpu.memory_space<vmem_shared>>
        tpu.enqueue_indirect_dma source(%arg9 : memref<128x128xf32, #tpu.memory_space<vmem>>) target(%dma_start3A_172 : memref<10240x128xf32, #tpu.memory_space<vmem_shared>>) offsets(%dma_start3A_169 : memref<128xi32, #tpu.memory_space<vmem>>) semaphore(%run_scoped3A_166 : memref<!tpu.dma_semaphore, #tpu.memory_space<semaphore_mem>>) {add = true}
        %dma_wait3A_173 = arith.constant 0 : i32
        %dma_wait3A_174 = tpu.memref_slice %arg7[%run_scoped3A_158, %dma_wait3A_173] : memref<8x128xi32, #tpu.memory_space<vmem>> -> memref<1x128xi32, #tpu.memory_space<vmem>>
        %dma_wait3A_175 = tpu.memref_squeeze %dma_wait3A_174 : memref<1x128xi32, #tpu.memory_space<vmem>> -> memref<128xi32, #tpu.memory_space<vmem>>
        %dma_wait3A_176 = arith.constant 0 : i32
        %dma_wait3A_177 = arith.constant 0 : i32
        %dma_wait3A_178 = tpu.memref_slice %arg11[%dma_wait3A_176, %dma_wait3A_177] : memref<10240x128xf32, #tpu.memory_space<vmem_shared>> -> memref<10240x128xf32, #tpu.memory_space<vmem_shared>>
        tpu.wait_indirect_dma semaphore(%run_scoped3A_166 : memref<!tpu.dma_semaphore, #tpu.memory_space<semaphore_mem>>) src(%arg9 : memref<128x128xf32, #tpu.memory_space<vmem>>) dst(%dma_wait3A_178 : memref<10240x128xf32, #tpu.memory_space<vmem_shared>>)
        tpu.yield
      }) : () -> ()
      %add3A_159 = arith.constant 2 : i32
      %add3A_160 = arith.addi %add3A_151, %add3A_159 : i32
      %lt3A_161 = arith.constant 80 : i32
      %lt3A_162 = arith.cmpi slt, %add3A_160, %lt3A_161 : i32
      %convert_element_type3A_163 = arith.extui %lt3A_162 : i1 to i32
      %cond3A_164 = arith.constant 0 : i32
      %cond3A_165 = arith.cmpi ne, %convert_element_type3A_163, %cond3A_164 : i32
      scf.if %cond3A_165 {
        %add3A_166 = arith.constant 2 : i32
        %add3A_167 = arith.addi %add3A_151, %add3A_166 : i32
        %dma_start3A_168 = arith.constant 0 : i32
        %dma_start3A_169 = tpu.memref_slice %arg6[%add3A_167, %dma_start3A_168] : memref<80x128xi32, #tpu.memory_space<vmem>> -> memref<1x128xi32, #tpu.memory_space<vmem>>
        %dma_start3A_170 = tpu.memref_squeeze %dma_start3A_169 : memref<1x128xi32, #tpu.memory_space<vmem>> -> memref<128xi32, #tpu.memory_space<vmem>>
        %dma_start3A_171 = arith.constant 0 : i32
        %dma_start3A_172 = arith.constant 0 : i32
        %dma_start3A_173 = tpu.memref_slice %arg2[%dma_start3A_171, %dma_start3A_172] : memref<10000x128xf32, #tpu.memory_space<hbm>> -> memref<10000x128xf32, #tpu.memory_space<hbm>>
        tpu.enqueue_indirect_dma source(%dma_start3A_173 : memref<10000x128xf32, #tpu.memory_space<hbm>>) target(%arg9 : memref<128x128xf32, #tpu.memory_space<vmem>>) offsets(%dma_start3A_170 : memref<128xi32, #tpu.memory_space<vmem>>) semaphore(%arg13 : memref<!tpu.dma_semaphore, #tpu.memory_space<semaphore_mem>>)
      } else {
      }
    }
    %scan3A_29 = arith.constant 10 : i32
    %barrier3A_30 = arith.constant 0 : index
    tpu.barrier barrier_id(%barrier3A_30)
    %mul3A_31 = arith.constant 640 : i32
    %mul3A_32 = arith.muli %arg1, %mul3A_31 : i32
    %mul3A_33 = arith.constant 640 : i32
    %mul3A_34 = arith.muli %arg1, %mul3A_33 : i32
    "tpu.region"() ({
      %run_scoped3A = tpu.sem_alloc : memref<!tpu.dma_semaphore, #tpu.memory_space<semaphore_mem>>
      %dma_start3A_35 = arith.constant 0 : i32
      %dma_start3A_36 = tpu.memref_slice %arg5[%arg0, %mul3A_34, %dma_start3A_35] : memref<2x10240x128xf32, #tpu.memory_space<hbm>> -> memref<1x640x128xf32, #tpu.memory_space<hbm>>
      %dma_start3A_37 = tpu.memref_squeeze %dma_start3A_36 : memref<1x640x128xf32, #tpu.memory_space<hbm>> -> memref<640x128xf32, #tpu.memory_space<hbm>>
      %dma_start3A_38 = arith.constant 0 : i32
      %dma_start3A_39 = tpu.memref_slice %arg11[%mul3A_32, %dma_start3A_38] : memref<10240x128xf32, #tpu.memory_space<vmem_shared>> -> memref<640x128xf32, #tpu.memory_space<vmem_shared>>
      tpu.enqueue_dma source(%dma_start3A_39 : memref<640x128xf32, #tpu.memory_space<vmem_shared>>) target(%dma_start3A_37 : memref<640x128xf32, #tpu.memory_space<hbm>>) target_semaphore(%run_scoped3A : memref<!tpu.dma_semaphore, #tpu.memory_space<semaphore_mem>>)
      %dma_wait3A = arith.constant 0 : i32
      %dma_wait3A_40 = tpu.memref_slice %arg5[%arg0, %mul3A_34, %dma_wait3A] : memref<2x10240x128xf32, #tpu.memory_space<hbm>> -> memref<1x640x128xf32, #tpu.memory_space<hbm>>
      %dma_wait3A_41 = tpu.memref_squeeze %dma_wait3A_40 : memref<1x640x128xf32, #tpu.memory_space<hbm>> -> memref<640x128xf32, #tpu.memory_space<hbm>>
      %dma_wait3A_42 = arith.constant 0 : i32
      %dma_wait3A_43 = tpu.memref_slice %arg11[%mul3A_32, %dma_wait3A_42] : memref<10240x128xf32, #tpu.memory_space<vmem_shared>> -> memref<640x128xf32, #tpu.memory_space<vmem_shared>>
      tpu.wait_dma2 semaphore(%run_scoped3A : memref<!tpu.dma_semaphore, #tpu.memory_space<semaphore_mem>>) src(%dma_wait3A_43 : memref<640x128xf32, #tpu.memory_space<vmem_shared>>) dst(%dma_wait3A_41 : memref<640x128xf32, #tpu.memory_space<hbm>>)
      tpu.yield
    }) : () -> ()
    return
  }
}

#map = affine_map<(d0, d1) -> (0, 0)>
#map1 = affine_map<(d0, d1) -> (0, 0, 0)>
module attributes {stable_mosaic.version = 14 : i64} {
  func.func @_deg_sc_body(%arg0: i32, %arg1: i32, %arg2: memref<2560x128xi32, #tpu.memory_space<hbm>>, %arg3: memref<2x10240x128xf32, #tpu.memory_space<hbm>>, %arg4: memref<80x128xi32, #tpu.memory_space<vmem>>, %arg5: memref<128x128xf32, #tpu.memory_space<vmem>>, %arg6: memref<64x128xf32, #tpu.memory_space<vmem>>, %arg7: memref<10240x128xf32, #tpu.memory_space<vmem_shared>>, %arg8: memref<!tpu.dma_semaphore, #tpu.memory_space<semaphore_mem>>) attributes {dimension_semantics = [#tpu.dimension_semantics<core_parallel>, #tpu.dimension_semantics<subcore_parallel>], iteration_bounds = array<i64: 2, 16>, scalar_prefetch = 0 : i64, scratch_operands = 5 : i64, tpu.core_type = #tpu.core_type<sc_vector_subcore>, window_params = [{transform_indices = #map}, {transform_indices = #map1}]} {
    %mul3A = arith.constant 16 : i32
    %mul3A_0 = arith.muli %arg0, %mul3A : i32
    %add3A = arith.addi %mul3A_0, %arg1 : i32
    %scan3A = arith.constant 0 : i32
    %scan3A_1 = arith.constant 64 : i32
    %scan3A_2 = arith.addi %scan3A, %scan3A_1 : i32
    %scan3A_3 = arith.constant 1 : i32
    scf.for %scan3A_27 = %scan3A to %scan3A_2 step %scan3A_3  : i32 {
      %scan3A_28 = arith.constant 0 : i32
      %scan3A_29 = arith.constant 8 : i32
      %scan3A_30 = arith.addi %scan3A_28, %scan3A_29 : i32
      %scan3A_31 = arith.constant 1 : i32
      scf.for %scan3A_33 = %scan3A_28 to %scan3A_30 step %scan3A_31  : i32 {
        %broadcast_in_dim3A = arith.constant 0.000000e+00 : f32
        %broadcast_in_dim3A_34 = vector.broadcast %broadcast_in_dim3A : f32 to vector<16xf32>
        %mul3A_35 = arith.constant 16 : i32
        %mul3A_36 = arith.muli %scan3A_33, %mul3A_35 : i32
        %swap3A = arith.index_cast %scan3A_27 : i32 to index
        %swap3A_37 = arith.index_cast %mul3A_36 : i32 to index
        %swap3A_38 = tpu.vector_load %arg6[%swap3A, %swap3A_37] {strides = array<i32>} : memref<64x128xf32, #tpu.memory_space<vmem>>, vector<1x16xf32>,
        %swap3A_39 = vector.shape_cast %swap3A_38 : vector<1x16xf32> to vector<16xf32>
        %swap3A_40 = vector.shape_cast %broadcast_in_dim3A_34 : vector<16xf32> to vector<1x16xf32>
        tpu.vector_store %arg6[%swap3A, %swap3A_37], %swap3A_40 {strides = array<i32>} : memref<64x128xf32, #tpu.memory_space<vmem>>, vector<1x16xf32>,
      }
      %scan3A_32 = arith.constant 8 : i32
    }
    %scan3A_4 = arith.constant 64 : i32
    %scan3A_5 = arith.constant 0 : i32
    %scan3A_6 = arith.constant 128 : i32
    %scan3A_7 = arith.addi %scan3A_5, %scan3A_6 : i32
    %scan3A_8 = arith.constant 1 : i32
    scf.for %scan3A_27 = %scan3A_5 to %scan3A_7 step %scan3A_8  : i32 {
      %scan3A_28 = arith.constant 0 : i32
      %scan3A_29 = arith.constant 8 : i32
      %scan3A_30 = arith.addi %scan3A_28, %scan3A_29 : i32
      %scan3A_31 = arith.constant 1 : i32
      scf.for %scan3A_33 = %scan3A_28 to %scan3A_30 step %scan3A_31  : i32 {
        %broadcast_in_dim3A = arith.constant 1.000000e+00 : f32
        %broadcast_in_dim3A_34 = vector.broadcast %broadcast_in_dim3A : f32 to vector<16xf32>
        %mul3A_35 = arith.constant 16 : i32
        %mul3A_36 = arith.muli %scan3A_33, %mul3A_35 : i32
        %swap3A = arith.index_cast %scan3A_27 : i32 to index
        %swap3A_37 = arith.index_cast %mul3A_36 : i32 to index
        %swap3A_38 = tpu.vector_load %arg5[%swap3A, %swap3A_37] {strides = array<i32>} : memref<128x128xf32, #tpu.memory_space<vmem>>, vector<1x16xf32>,
        %swap3A_39 = vector.shape_cast %swap3A_38 : vector<1x16xf32> to vector<16xf32>
        %swap3A_40 = vector.shape_cast %broadcast_in_dim3A_34 : vector<16xf32> to vector<1x16xf32>
        tpu.vector_store %arg5[%swap3A, %swap3A_37], %swap3A_40 {strides = array<i32>} : memref<128x128xf32, #tpu.memory_space<vmem>>, vector<1x16xf32>,
      }
      %scan3A_32 = arith.constant 8 : i32
    }
    %scan3A_9 = arith.constant 128 : i32
    %scan3A_10 = arith.constant 0 : i32
    %scan3A_11 = arith.constant 10 : i32
    %scan3A_12 = arith.addi %scan3A_10, %scan3A_11 : i32
    %scan3A_13 = arith.constant 1 : i32
    scf.for %scan3A_27 = %scan3A_10 to %scan3A_12 step %scan3A_13  : i32 {
      %mul3A_28 = arith.constant 640 : i32
      %mul3A_29 = arith.muli %arg1, %mul3A_28 : i32
      %mul3A_30 = arith.constant 64 : i32
      %mul3A_31 = arith.muli %scan3A_27, %mul3A_30 : i32
      %add3A_32 = arith.addi %mul3A_29, %mul3A_31 : i32
      "tpu.region"() ({
        %run_scoped3A = tpu.sem_alloc : memref<!tpu.dma_semaphore, #tpu.memory_space<semaphore_mem>>
        %dma_start3A = arith.constant 0 : i32
        %dma_start3A_33 = tpu.memref_slice %arg7[%add3A_32, %dma_start3A] : memref<10240x128xf32, #tpu.memory_space<vmem_shared>> -> memref<64x128xf32, #tpu.memory_space<vmem_shared>>
        %dma_start3A_34 = arith.constant 0 : i32
        %dma_start3A_35 = tpu.memref_slice %arg7[%add3A_32, %dma_start3A_34] : memref<10240x128xf32, #tpu.memory_space<vmem_shared>> -> memref<64x128xf32, #tpu.memory_space<vmem_shared>>
        tpu.enqueue_dma source(%arg6 : memref<64x128xf32, #tpu.memory_space<vmem>>) target(%dma_start3A_35 : memref<64x128xf32, #tpu.memory_space<vmem_shared>>) target_semaphore(%run_scoped3A : memref<!tpu.dma_semaphore, #tpu.memory_space<semaphore_mem>>)
        %dma_wait3A = arith.constant 0 : i32
        %dma_wait3A_36 = tpu.memref_slice %arg7[%add3A_32, %dma_wait3A] : memref<10240x128xf32, #tpu.memory_space<vmem_shared>> -> memref<64x128xf32, #tpu.memory_space<vmem_shared>>
        %dma_wait3A_37 = arith.constant 0 : i32
        %dma_wait3A_38 = tpu.memref_slice %arg7[%add3A_32, %dma_wait3A_37] : memref<10240x128xf32, #tpu.memory_space<vmem_shared>> -> memref<64x128xf32, #tpu.memory_space<vmem_shared>>
        tpu.wait_dma2 semaphore(%run_scoped3A : memref<!tpu.dma_semaphore, #tpu.memory_space<semaphore_mem>>) src(%arg6 : memref<64x128xf32, #tpu.memory_space<vmem>>) dst(%dma_wait3A_38 : memref<64x128xf32, #tpu.memory_space<vmem_shared>>)
        tpu.yield
      }) : () -> ()
    }
    %scan3A_14 = arith.constant 10 : i32
    %mul3A_15 = arith.constant 80 : i32
    %mul3A_16 = arith.muli %add3A, %mul3A_15 : i32
    "tpu.region"() ({
      %run_scoped3A = tpu.sem_alloc : memref<!tpu.dma_semaphore, #tpu.memory_space<semaphore_mem>>
      %dma_start3A = arith.constant 0 : i32
      %dma_start3A_27 = tpu.memref_slice %arg2[%mul3A_16, %dma_start3A] : memref<2560x128xi32, #tpu.memory_space<hbm>> -> memref<80x128xi32, #tpu.memory_space<hbm>>
      %dma_start3A_28 = arith.constant 0 : i32
      %dma_start3A_29 = tpu.memref_slice %arg2[%mul3A_16, %dma_start3A_28] : memref<2560x128xi32, #tpu.memory_space<hbm>> -> memref<80x128xi32, #tpu.memory_space<hbm>>
      tpu.enqueue_dma source(%dma_start3A_29 : memref<80x128xi32, #tpu.memory_space<hbm>>) target(%arg4 : memref<80x128xi32, #tpu.memory_space<vmem>>) target_semaphore(%run_scoped3A : memref<!tpu.dma_semaphore, #tpu.memory_space<semaphore_mem>>)
      %dma_wait3A = arith.constant 0 : i32
      %dma_wait3A_30 = tpu.memref_slice %arg2[%mul3A_16, %dma_wait3A] : memref<2560x128xi32, #tpu.memory_space<hbm>> -> memref<80x128xi32, #tpu.memory_space<hbm>>
      %dma_wait3A_31 = arith.constant 0 : i32
      %dma_wait3A_32 = tpu.memref_slice %arg2[%mul3A_16, %dma_wait3A_31] : memref<2560x128xi32, #tpu.memory_space<hbm>> -> memref<80x128xi32, #tpu.memory_space<hbm>>
      tpu.wait_dma2 semaphore(%run_scoped3A : memref<!tpu.dma_semaphore, #tpu.memory_space<semaphore_mem>>) src(%dma_wait3A_32 : memref<80x128xi32, #tpu.memory_space<hbm>>) dst(%arg4 : memref<80x128xi32, #tpu.memory_space<vmem>>)
      tpu.yield
    }) : () -> ()
    %barrier3A = arith.constant 0 : index
    tpu.barrier barrier_id(%barrier3A)
    %scan3A_17 = arith.constant 0 : i32
    %scan3A_18 = arith.constant 10 : i32
    %scan3A_19 = arith.addi %scan3A_17, %scan3A_18 : i32
    %scan3A_20 = arith.constant 1 : i32
    scf.for %scan3A_27 = %scan3A_17 to %scan3A_19 step %scan3A_20  : i32 {
      %mul3A_28 = arith.constant 8 : i32
      %mul3A_29 = arith.muli %scan3A_27, %mul3A_28 : i32
      %add3A_30 = arith.constant 0 : i32
      %add3A_31 = arith.addi %add3A_30, %mul3A_29 : i32
      %add3A_32 = arith.constant 0 : i32
      %add3A_33 = arith.addi %add3A_31, %add3A_32 : i32
      %dma_start3A = arith.constant 0 : i32
      %dma_start3A_34 = tpu.memref_slice %arg4[%add3A_33, %dma_start3A] : memref<80x128xi32, #tpu.memory_space<vmem>> -> memref<1x128xi32, #tpu.memory_space<vmem>>
      %dma_start3A_35 = tpu.memref_squeeze %dma_start3A_34 : memref<1x128xi32, #tpu.memory_space<vmem>> -> memref<128xi32, #tpu.memory_space<vmem>>
      %dma_start3A_36 = arith.constant 0 : i32
      %dma_start3A_37 = arith.constant 0 : i32
      %dma_start3A_38 = tpu.memref_slice %arg7[%dma_start3A_36, %dma_start3A_37] : memref<10240x128xf32, #tpu.memory_space<vmem_shared>> -> memref<10240x128xf32, #tpu.memory_space<vmem_shared>>
      tpu.enqueue_indirect_dma source(%arg5 : memref<128x128xf32, #tpu.memory_space<vmem>>) target(%dma_start3A_38 : memref<10240x128xf32, #tpu.memory_space<vmem_shared>>) offsets(%dma_start3A_35 : memref<128xi32, #tpu.memory_space<vmem>>) semaphore(%arg8 : memref<!tpu.dma_semaphore, #tpu.memory_space<semaphore_mem>>) {add = true}
      %add3A_39 = arith.constant 1 : i32
      %add3A_40 = arith.addi %add3A_31, %add3A_39 : i32
      %dma_start3A_41 = arith.constant 0 : i32
      %dma_start3A_42 = tpu.memref_slice %arg4[%add3A_40, %dma_start3A_41] : memref<80x128xi32, #tpu.memory_space<vmem>> -> memref<1x128xi32, #tpu.memory_space<vmem>>
      %dma_start3A_43 = tpu.memref_squeeze %dma_start3A_42 : memref<1x128xi32, #tpu.memory_space<vmem>> -> memref<128xi32, #tpu.memory_space<vmem>>
      %dma_start3A_44 = arith.constant 0 : i32
      %dma_start3A_45 = arith.constant 0 : i32
      %dma_start3A_46 = tpu.memref_slice %arg7[%dma_start3A_44, %dma_start3A_45] : memref<10240x128xf32, #tpu.memory_space<vmem_shared>> -> memref<10240x128xf32, #tpu.memory_space<vmem_shared>>
      tpu.enqueue_indirect_dma source(%arg5 : memref<128x128xf32, #tpu.memory_space<vmem>>) target(%dma_start3A_46 : memref<10240x128xf32, #tpu.memory_space<vmem_shared>>) offsets(%dma_start3A_43 : memref<128xi32, #tpu.memory_space<vmem>>) semaphore(%arg8 : memref<!tpu.dma_semaphore, #tpu.memory_space<semaphore_mem>>) {add = true}
      %add3A_47 = arith.constant 2 : i32
      %add3A_48 = arith.addi %add3A_31, %add3A_47 : i32
      %dma_start3A_49 = arith.constant 0 : i32
      %dma_start3A_50 = tpu.memref_slice %arg4[%add3A_48, %dma_start3A_49] : memref<80x128xi32, #tpu.memory_space<vmem>> -> memref<1x128xi32, #tpu.memory_space<vmem>>
      %dma_start3A_51 = tpu.memref_squeeze %dma_start3A_50 : memref<1x128xi32, #tpu.memory_space<vmem>> -> memref<128xi32, #tpu.memory_space<vmem>>
      %dma_start3A_52 = arith.constant 0 : i32
      %dma_start3A_53 = arith.constant 0 : i32
      %dma_start3A_54 = tpu.memref_slice %arg7[%dma_start3A_52, %dma_start3A_53] : memref<10240x128xf32, #tpu.memory_space<vmem_shared>> -> memref<10240x128xf32, #tpu.memory_space<vmem_shared>>
      tpu.enqueue_indirect_dma source(%arg5 : memref<128x128xf32, #tpu.memory_space<vmem>>) target(%dma_start3A_54 : memref<10240x128xf32, #tpu.memory_space<vmem_shared>>) offsets(%dma_start3A_51 : memref<128xi32, #tpu.memory_space<vmem>>) semaphore(%arg8 : memref<!tpu.dma_semaphore, #tpu.memory_space<semaphore_mem>>) {add = true}
      %add3A_55 = arith.constant 3 : i32
      %add3A_56 = arith.addi %add3A_31, %add3A_55 : i32
      %dma_start3A_57 = arith.constant 0 : i32
      %dma_start3A_58 = tpu.memref_slice %arg4[%add3A_56, %dma_start3A_57] : memref<80x128xi32, #tpu.memory_space<vmem>> -> memref<1x128xi32, #tpu.memory_space<vmem>>
      %dma_start3A_59 = tpu.memref_squeeze %dma_start3A_58 : memref<1x128xi32, #tpu.memory_space<vmem>> -> memref<128xi32, #tpu.memory_space<vmem>>
      %dma_start3A_60 = arith.constant 0 : i32
      %dma_start3A_61 = arith.constant 0 : i32
      %dma_start3A_62 = tpu.memref_slice %arg7[%dma_start3A_60, %dma_start3A_61] : memref<10240x128xf32, #tpu.memory_space<vmem_shared>> -> memref<10240x128xf32, #tpu.memory_space<vmem_shared>>
      tpu.enqueue_indirect_dma source(%arg5 : memref<128x128xf32, #tpu.memory_space<vmem>>) target(%dma_start3A_62 : memref<10240x128xf32, #tpu.memory_space<vmem_shared>>) offsets(%dma_start3A_59 : memref<128xi32, #tpu.memory_space<vmem>>) semaphore(%arg8 : memref<!tpu.dma_semaphore, #tpu.memory_space<semaphore_mem>>) {add = true}
      %add3A_63 = arith.constant 4 : i32
      %add3A_64 = arith.addi %add3A_31, %add3A_63 : i32
      %dma_start3A_65 = arith.constant 0 : i32
      %dma_start3A_66 = tpu.memref_slice %arg4[%add3A_64, %dma_start3A_65] : memref<80x128xi32, #tpu.memory_space<vmem>> -> memref<1x128xi32, #tpu.memory_space<vmem>>
      %dma_start3A_67 = tpu.memref_squeeze %dma_start3A_66 : memref<1x128xi32, #tpu.memory_space<vmem>> -> memref<128xi32, #tpu.memory_space<vmem>>
      %dma_start3A_68 = arith.constant 0 : i32
      %dma_start3A_69 = arith.constant 0 : i32
      %dma_start3A_70 = tpu.memref_slice %arg7[%dma_start3A_68, %dma_start3A_69] : memref<10240x128xf32, #tpu.memory_space<vmem_shared>> -> memref<10240x128xf32, #tpu.memory_space<vmem_shared>>
      tpu.enqueue_indirect_dma source(%arg5 : memref<128x128xf32, #tpu.memory_space<vmem>>) target(%dma_start3A_70 : memref<10240x128xf32, #tpu.memory_space<vmem_shared>>) offsets(%dma_start3A_67 : memref<128xi32, #tpu.memory_space<vmem>>) semaphore(%arg8 : memref<!tpu.dma_semaphore, #tpu.memory_space<semaphore_mem>>) {add = true}
      %add3A_71 = arith.constant 5 : i32
      %add3A_72 = arith.addi %add3A_31, %add3A_71 : i32
      %dma_start3A_73 = arith.constant 0 : i32
      %dma_start3A_74 = tpu.memref_slice %arg4[%add3A_72, %dma_start3A_73] : memref<80x128xi32, #tpu.memory_space<vmem>> -> memref<1x128xi32, #tpu.memory_space<vmem>>
      %dma_start3A_75 = tpu.memref_squeeze %dma_start3A_74 : memref<1x128xi32, #tpu.memory_space<vmem>> -> memref<128xi32, #tpu.memory_space<vmem>>
      %dma_start3A_76 = arith.constant 0 : i32
      %dma_start3A_77 = arith.constant 0 : i32
      %dma_start3A_78 = tpu.memref_slice %arg7[%dma_start3A_76, %dma_start3A_77] : memref<10240x128xf32, #tpu.memory_space<vmem_shared>> -> memref<10240x128xf32, #tpu.memory_space<vmem_shared>>
      tpu.enqueue_indirect_dma source(%arg5 : memref<128x128xf32, #tpu.memory_space<vmem>>) target(%dma_start3A_78 : memref<10240x128xf32, #tpu.memory_space<vmem_shared>>) offsets(%dma_start3A_75 : memref<128xi32, #tpu.memory_space<vmem>>) semaphore(%arg8 : memref<!tpu.dma_semaphore, #tpu.memory_space<semaphore_mem>>) {add = true}
      %add3A_79 = arith.constant 6 : i32
      %add3A_80 = arith.addi %add3A_31, %add3A_79 : i32
      %dma_start3A_81 = arith.constant 0 : i32
      %dma_start3A_82 = tpu.memref_slice %arg4[%add3A_80, %dma_start3A_81] : memref<80x128xi32, #tpu.memory_space<vmem>> -> memref<1x128xi32, #tpu.memory_space<vmem>>
      %dma_start3A_83 = tpu.memref_squeeze %dma_start3A_82 : memref<1x128xi32, #tpu.memory_space<vmem>> -> memref<128xi32, #tpu.memory_space<vmem>>
      %dma_start3A_84 = arith.constant 0 : i32
      %dma_start3A_85 = arith.constant 0 : i32
      %dma_start3A_86 = tpu.memref_slice %arg7[%dma_start3A_84, %dma_start3A_85] : memref<10240x128xf32, #tpu.memory_space<vmem_shared>> -> memref<10240x128xf32, #tpu.memory_space<vmem_shared>>
      tpu.enqueue_indirect_dma source(%arg5 : memref<128x128xf32, #tpu.memory_space<vmem>>) target(%dma_start3A_86 : memref<10240x128xf32, #tpu.memory_space<vmem_shared>>) offsets(%dma_start3A_83 : memref<128xi32, #tpu.memory_space<vmem>>) semaphore(%arg8 : memref<!tpu.dma_semaphore, #tpu.memory_space<semaphore_mem>>) {add = true}
      %add3A_87 = arith.constant 7 : i32
      %add3A_88 = arith.addi %add3A_31, %add3A_87 : i32
      %dma_start3A_89 = arith.constant 0 : i32
      %dma_start3A_90 = tpu.memref_slice %arg4[%add3A_88, %dma_start3A_89] : memref<80x128xi32, #tpu.memory_space<vmem>> -> memref<1x128xi32, #tpu.memory_space<vmem>>
      %dma_start3A_91 = tpu.memref_squeeze %dma_start3A_90 : memref<1x128xi32, #tpu.memory_space<vmem>> -> memref<128xi32, #tpu.memory_space<vmem>>
      %dma_start3A_92 = arith.constant 0 : i32
      %dma_start3A_93 = arith.constant 0 : i32
      %dma_start3A_94 = tpu.memref_slice %arg7[%dma_start3A_92, %dma_start3A_93] : memref<10240x128xf32, #tpu.memory_space<vmem_shared>> -> memref<10240x128xf32, #tpu.memory_space<vmem_shared>>
      tpu.enqueue_indirect_dma source(%arg5 : memref<128x128xf32, #tpu.memory_space<vmem>>) target(%dma_start3A_94 : memref<10240x128xf32, #tpu.memory_space<vmem_shared>>) offsets(%dma_start3A_91 : memref<128xi32, #tpu.memory_space<vmem>>) semaphore(%arg8 : memref<!tpu.dma_semaphore, #tpu.memory_space<semaphore_mem>>) {add = true}
      %dma_wait3A = arith.constant 0 : i32
      %dma_wait3A_95 = tpu.memref_slice %arg4[%add3A_33, %dma_wait3A] : memref<80x128xi32, #tpu.memory_space<vmem>> -> memref<1x128xi32, #tpu.memory_space<vmem>>
      %dma_wait3A_96 = tpu.memref_squeeze %dma_wait3A_95 : memref<1x128xi32, #tpu.memory_space<vmem>> -> memref<128xi32, #tpu.memory_space<vmem>>
      %dma_wait3A_97 = arith.constant 0 : i32
      %dma_wait3A_98 = arith.constant 0 : i32
      %dma_wait3A_99 = tpu.memref_slice %arg7[%dma_wait3A_97, %dma_wait3A_98] : memref<10240x128xf32, #tpu.memory_space<vmem_shared>> -> memref<10240x128xf32, #tpu.memory_space<vmem_shared>>
      tpu.wait_indirect_dma semaphore(%arg8 : memref<!tpu.dma_semaphore, #tpu.memory_space<semaphore_mem>>) src(%arg5 : memref<128x128xf32, #tpu.memory_space<vmem>>) dst(%dma_wait3A_99 : memref<10240x128xf32, #tpu.memory_space<vmem_shared>>)
      %dma_wait3A_100 = arith.constant 0 : i32
      %dma_wait3A_101 = tpu.memref_slice %arg4[%add3A_40, %dma_wait3A_100] : memref<80x128xi32, #tpu.memory_space<vmem>> -> memref<1x128xi32, #tpu.memory_space<vmem>>
      %dma_wait3A_102 = tpu.memref_squeeze %dma_wait3A_101 : memref<1x128xi32, #tpu.memory_space<vmem>> -> memref<128xi32, #tpu.memory_space<vmem>>
      %dma_wait3A_103 = arith.constant 0 : i32
      %dma_wait3A_104 = arith.constant 0 : i32
      %dma_wait3A_105 = tpu.memref_slice %arg7[%dma_wait3A_103, %dma_wait3A_104] : memref<10240x128xf32, #tpu.memory_space<vmem_shared>> -> memref<10240x128xf32, #tpu.memory_space<vmem_shared>>
      tpu.wait_indirect_dma semaphore(%arg8 : memref<!tpu.dma_semaphore, #tpu.memory_space<semaphore_mem>>) src(%arg5 : memref<128x128xf32, #tpu.memory_space<vmem>>) dst(%dma_wait3A_105 : memref<10240x128xf32, #tpu.memory_space<vmem_shared>>)
      %dma_wait3A_106 = arith.constant 0 : i32
      %dma_wait3A_107 = tpu.memref_slice %arg4[%add3A_48, %dma_wait3A_106] : memref<80x128xi32, #tpu.memory_space<vmem>> -> memref<1x128xi32, #tpu.memory_space<vmem>>
      %dma_wait3A_108 = tpu.memref_squeeze %dma_wait3A_107 : memref<1x128xi32, #tpu.memory_space<vmem>> -> memref<128xi32, #tpu.memory_space<vmem>>
      %dma_wait3A_109 = arith.constant 0 : i32
      %dma_wait3A_110 = arith.constant 0 : i32
      %dma_wait3A_111 = tpu.memref_slice %arg7[%dma_wait3A_109, %dma_wait3A_110] : memref<10240x128xf32, #tpu.memory_space<vmem_shared>> -> memref<10240x128xf32, #tpu.memory_space<vmem_shared>>
      tpu.wait_indirect_dma semaphore(%arg8 : memref<!tpu.dma_semaphore, #tpu.memory_space<semaphore_mem>>) src(%arg5 : memref<128x128xf32, #tpu.memory_space<vmem>>) dst(%dma_wait3A_111 : memref<10240x128xf32, #tpu.memory_space<vmem_shared>>)
      %dma_wait3A_112 = arith.constant 0 : i32
      %dma_wait3A_113 = tpu.memref_slice %arg4[%add3A_56, %dma_wait3A_112] : memref<80x128xi32, #tpu.memory_space<vmem>> -> memref<1x128xi32, #tpu.memory_space<vmem>>
      %dma_wait3A_114 = tpu.memref_squeeze %dma_wait3A_113 : memref<1x128xi32, #tpu.memory_space<vmem>> -> memref<128xi32, #tpu.memory_space<vmem>>
      %dma_wait3A_115 = arith.constant 0 : i32
      %dma_wait3A_116 = arith.constant 0 : i32
      %dma_wait3A_117 = tpu.memref_slice %arg7[%dma_wait3A_115, %dma_wait3A_116] : memref<10240x128xf32, #tpu.memory_space<vmem_shared>> -> memref<10240x128xf32, #tpu.memory_space<vmem_shared>>
      tpu.wait_indirect_dma semaphore(%arg8 : memref<!tpu.dma_semaphore, #tpu.memory_space<semaphore_mem>>) src(%arg5 : memref<128x128xf32, #tpu.memory_space<vmem>>) dst(%dma_wait3A_117 : memref<10240x128xf32, #tpu.memory_space<vmem_shared>>)
      %dma_wait3A_118 = arith.constant 0 : i32
      %dma_wait3A_119 = tpu.memref_slice %arg4[%add3A_64, %dma_wait3A_118] : memref<80x128xi32, #tpu.memory_space<vmem>> -> memref<1x128xi32, #tpu.memory_space<vmem>>
      %dma_wait3A_120 = tpu.memref_squeeze %dma_wait3A_119 : memref<1x128xi32, #tpu.memory_space<vmem>> -> memref<128xi32, #tpu.memory_space<vmem>>
      %dma_wait3A_121 = arith.constant 0 : i32
      %dma_wait3A_122 = arith.constant 0 : i32
      %dma_wait3A_123 = tpu.memref_slice %arg7[%dma_wait3A_121, %dma_wait3A_122] : memref<10240x128xf32, #tpu.memory_space<vmem_shared>> -> memref<10240x128xf32, #tpu.memory_space<vmem_shared>>
      tpu.wait_indirect_dma semaphore(%arg8 : memref<!tpu.dma_semaphore, #tpu.memory_space<semaphore_mem>>) src(%arg5 : memref<128x128xf32, #tpu.memory_space<vmem>>) dst(%dma_wait3A_123 : memref<10240x128xf32, #tpu.memory_space<vmem_shared>>)
      %dma_wait3A_124 = arith.constant 0 : i32
      %dma_wait3A_125 = tpu.memref_slice %arg4[%add3A_72, %dma_wait3A_124] : memref<80x128xi32, #tpu.memory_space<vmem>> -> memref<1x128xi32, #tpu.memory_space<vmem>>
      %dma_wait3A_126 = tpu.memref_squeeze %dma_wait3A_125 : memref<1x128xi32, #tpu.memory_space<vmem>> -> memref<128xi32, #tpu.memory_space<vmem>>
      %dma_wait3A_127 = arith.constant 0 : i32
      %dma_wait3A_128 = arith.constant 0 : i32
      %dma_wait3A_129 = tpu.memref_slice %arg7[%dma_wait3A_127, %dma_wait3A_128] : memref<10240x128xf32, #tpu.memory_space<vmem_shared>> -> memref<10240x128xf32, #tpu.memory_space<vmem_shared>>
      tpu.wait_indirect_dma semaphore(%arg8 : memref<!tpu.dma_semaphore, #tpu.memory_space<semaphore_mem>>) src(%arg5 : memref<128x128xf32, #tpu.memory_space<vmem>>) dst(%dma_wait3A_129 : memref<10240x128xf32, #tpu.memory_space<vmem_shared>>)
      %dma_wait3A_130 = arith.constant 0 : i32
      %dma_wait3A_131 = tpu.memref_slice %arg4[%add3A_80, %dma_wait3A_130] : memref<80x128xi32, #tpu.memory_space<vmem>> -> memref<1x128xi32, #tpu.memory_space<vmem>>
      %dma_wait3A_132 = tpu.memref_squeeze %dma_wait3A_131 : memref<1x128xi32, #tpu.memory_space<vmem>> -> memref<128xi32, #tpu.memory_space<vmem>>
      %dma_wait3A_133 = arith.constant 0 : i32
      %dma_wait3A_134 = arith.constant 0 : i32
      %dma_wait3A_135 = tpu.memref_slice %arg7[%dma_wait3A_133, %dma_wait3A_134] : memref<10240x128xf32, #tpu.memory_space<vmem_shared>> -> memref<10240x128xf32, #tpu.memory_space<vmem_shared>>
      tpu.wait_indirect_dma semaphore(%arg8 : memref<!tpu.dma_semaphore, #tpu.memory_space<semaphore_mem>>) src(%arg5 : memref<128x128xf32, #tpu.memory_space<vmem>>) dst(%dma_wait3A_135 : memref<10240x128xf32, #tpu.memory_space<vmem_shared>>)
      %dma_wait3A_136 = arith.constant 0 : i32
      %dma_wait3A_137 = tpu.memref_slice %arg4[%add3A_88, %dma_wait3A_136] : memref<80x128xi32, #tpu.memory_space<vmem>> -> memref<1x128xi32, #tpu.memory_space<vmem>>
      %dma_wait3A_138 = tpu.memref_squeeze %dma_wait3A_137 : memref<1x128xi32, #tpu.memory_space<vmem>> -> memref<128xi32, #tpu.memory_space<vmem>>
      %dma_wait3A_139 = arith.constant 0 : i32
      %dma_wait3A_140 = arith.constant 0 : i32
      %dma_wait3A_141 = tpu.memref_slice %arg7[%dma_wait3A_139, %dma_wait3A_140] : memref<10240x128xf32, #tpu.memory_space<vmem_shared>> -> memref<10240x128xf32, #tpu.memory_space<vmem_shared>>
      tpu.wait_indirect_dma semaphore(%arg8 : memref<!tpu.dma_semaphore, #tpu.memory_space<semaphore_mem>>) src(%arg5 : memref<128x128xf32, #tpu.memory_space<vmem>>) dst(%dma_wait3A_141 : memref<10240x128xf32, #tpu.memory_space<vmem_shared>>)
    }
    %scan3A_21 = arith.constant 10 : i32
    %barrier3A_22 = arith.constant 0 : index
    tpu.barrier barrier_id(%barrier3A_22)
    %mul3A_23 = arith.constant 640 : i32
    %mul3A_24 = arith.muli %arg1, %mul3A_23 : i32
    %mul3A_25 = arith.constant 640 : i32
    %mul3A_26 = arith.muli %arg1, %mul3A_25 : i32
    "tpu.region"() ({
      %run_scoped3A = tpu.sem_alloc : memref<!tpu.dma_semaphore, #tpu.memory_space<semaphore_mem>>
      %dma_start3A = arith.constant 0 : i32
      %dma_start3A_27 = tpu.memref_slice %arg3[%arg0, %mul3A_26, %dma_start3A] : memref<2x10240x128xf32, #tpu.memory_space<hbm>> -> memref<1x640x128xf32, #tpu.memory_space<hbm>>
      %dma_start3A_28 = tpu.memref_squeeze %dma_start3A_27 : memref<1x640x128xf32, #tpu.memory_space<hbm>> -> memref<640x128xf32, #tpu.memory_space<hbm>>
      %dma_start3A_29 = arith.constant 0 : i32
      %dma_start3A_30 = tpu.memref_slice %arg7[%mul3A_24, %dma_start3A_29] : memref<10240x128xf32, #tpu.memory_space<vmem_shared>> -> memref<640x128xf32, #tpu.memory_space<vmem_shared>>
      tpu.enqueue_dma source(%dma_start3A_30 : memref<640x128xf32, #tpu.memory_space<vmem_shared>>) target(%dma_start3A_28 : memref<640x128xf32, #tpu.memory_space<hbm>>) target_semaphore(%run_scoped3A : memref<!tpu.dma_semaphore, #tpu.memory_space<semaphore_mem>>)
      %dma_wait3A = arith.constant 0 : i32
      %dma_wait3A_31 = tpu.memref_slice %arg3[%arg0, %mul3A_26, %dma_wait3A] : memref<2x10240x128xf32, #tpu.memory_space<hbm>> -> memref<1x640x128xf32, #tpu.memory_space<hbm>>
      %dma_wait3A_32 = tpu.memref_squeeze %dma_wait3A_31 : memref<1x640x128xf32, #tpu.memory_space<hbm>> -> memref<640x128xf32, #tpu.memory_space<hbm>>
      %dma_wait3A_33 = arith.constant 0 : i32
      %dma_wait3A_34 = tpu.memref_slice %arg7[%mul3A_24, %dma_wait3A_33] : memref<10240x128xf32, #tpu.memory_space<vmem_shared>> -> memref<640x128xf32, #tpu.memory_space<vmem_shared>>
      tpu.wait_dma2 semaphore(%run_scoped3A : memref<!tpu.dma_semaphore, #tpu.memory_space<semaphore_mem>>) src(%dma_wait3A_34 : memref<640x128xf32, #tpu.memory_space<vmem_shared>>) dst(%dma_wait3A_32 : memref<640x128xf32, #tpu.memory_space<hbm>>)
      tpu.yield
    }) : () -> ()
    return
  }
}

#map = affine_map<(d0, d1) -> (0, 0)>
#map1 = affine_map<(d0, d1) -> (0, 0, 0)>
module attributes {stable_mosaic.version = 14 : i64} {
  func.func @_agg_sc_body(%arg0: i32, %arg1: i32, %arg2: memref<10000x128xf32, #tpu.memory_space<hbm>>, %arg3: memref<2560x128xi32, #tpu.memory_space<hbm>>, %arg4: memref<2560x128xi32, #tpu.memory_space<hbm>>, %arg5: memref<2x10240x128xf32, #tpu.memory_space<hbm>>, %arg6: memref<80x128xi32, #tpu.memory_space<vmem>>, %arg7: memref<8x128xi32, #tpu.memory_space<vmem>>, %arg8: memref<128x128xf32, #tpu.memory_space<vmem>>, %arg9: memref<128x128xf32, #tpu.memory_space<vmem>>, %arg10: memref<32x128xf32, #tpu.memory_space<vmem>>, %arg11: memref<10240x128xf32, #tpu.memory_space<vmem_shared>>, %arg12: memref<!tpu.dma_semaphore, #tpu.memory_space<semaphore_mem>>, %arg13: memref<!tpu.dma_semaphore, #tpu.memory_space<semaphore_mem>>, %arg14: memref<!tpu.dma_semaphore, #tpu.memory_space<semaphore_mem>>) attributes {dimension_semantics = [#tpu.dimension_semantics<core_parallel>, #tpu.dimension_semantics<subcore_parallel>], iteration_bounds = array<i64: 2, 16>, scalar_prefetch = 0 : i64, scratch_operands = 9 : i64, tpu.core_type = #tpu.core_type<sc_vector_subcore>, window_params = [{transform_indices = #map}, {transform_indices = #map}, {transform_indices = #map}, {transform_indices = #map1}]} {
    %mul3A = arith.constant 16 : i32
    %mul3A_0 = arith.muli %arg0, %mul3A : i32
    %add3A = arith.addi %mul3A_0, %arg1 : i32
    %scan3A = arith.constant 0 : i32
    %scan3A_1 = arith.constant 32 : i32
    %scan3A_2 = arith.addi %scan3A, %scan3A_1 : i32
    %scan3A_3 = arith.constant 1 : i32
    scf.for %scan3A_35 = %scan3A to %scan3A_2 step %scan3A_3  : i32 {
      %scan3A_36 = arith.constant 0 : i32
      %scan3A_37 = arith.constant 8 : i32
      %scan3A_38 = arith.addi %scan3A_36, %scan3A_37 : i32
      %scan3A_39 = arith.constant 1 : i32
      scf.for %scan3A_41 = %scan3A_36 to %scan3A_38 step %scan3A_39  : i32 {
        %broadcast_in_dim3A = arith.constant 0.000000e+00 : f32
        %broadcast_in_dim3A_42 = vector.broadcast %broadcast_in_dim3A : f32 to vector<16xf32>
        %mul3A_43 = arith.constant 16 : i32
        %mul3A_44 = arith.muli %scan3A_41, %mul3A_43 : i32
        %swap3A = arith.index_cast %scan3A_35 : i32 to index
        %swap3A_45 = arith.index_cast %mul3A_44 : i32 to index
        %swap3A_46 = tpu.vector_load %arg10[%swap3A, %swap3A_45] {strides = array<i32>} : memref<32x128xf32, #tpu.memory_space<vmem>>, vector<1x16xf32>,
        %swap3A_47 = vector.shape_cast %swap3A_46 : vector<1x16xf32> to vector<16xf32>
        %swap3A_48 = vector.shape_cast %broadcast_in_dim3A_42 : vector<16xf32> to vector<1x16xf32>
        tpu.vector_store %arg10[%swap3A, %swap3A_45], %swap3A_48 {strides = array<i32>} : memref<32x128xf32, #tpu.memory_space<vmem>>, vector<1x16xf32>,
      }
      %scan3A_40 = arith.constant 8 : i32
    }
    %scan3A_4 = arith.constant 32 : i32
    %scan3A_5 = arith.constant 0 : i32
    %scan3A_6 = arith.constant 20 : i32
    %scan3A_7 = arith.addi %scan3A_5, %scan3A_6 : i32
    %scan3A_8 = arith.constant 1 : i32
    scf.for %scan3A_35 = %scan3A_5 to %scan3A_7 step %scan3A_8  : i32 {
      %mul3A_36 = arith.constant 640 : i32
      %mul3A_37 = arith.muli %arg1, %mul3A_36 : i32
      %mul3A_38 = arith.constant 32 : i32
      %mul3A_39 = arith.muli %scan3A_35, %mul3A_38 : i32
      %add3A_40 = arith.addi %mul3A_37, %mul3A_39 : i32
      "tpu.region"() ({
        %run_scoped3A = tpu.sem_alloc : memref<!tpu.dma_semaphore, #tpu.memory_space<semaphore_mem>>
        %dma_start3A_41 = arith.constant 0 : i32
        %dma_start3A_42 = tpu.memref_slice %arg11[%add3A_40, %dma_start3A_41] : memref<10240x128xf32, #tpu.memory_space<vmem_shared>> -> memref<32x128xf32, #tpu.memory_space<vmem_shared>>
        %dma_start3A_43 = arith.constant 0 : i32
        %dma_start3A_44 = tpu.memref_slice %arg11[%add3A_40, %dma_start3A_43] : memref<10240x128xf32, #tpu.memory_space<vmem_shared>> -> memref<32x128xf32, #tpu.memory_space<vmem_shared>>
        tpu.enqueue_dma source(%arg10 : memref<32x128xf32, #tpu.memory_space<vmem>>) target(%dma_start3A_44 : memref<32x128xf32, #tpu.memory_space<vmem_shared>>) target_semaphore(%run_scoped3A : memref<!tpu.dma_semaphore, #tpu.memory_space<semaphore_mem>>)
        %dma_wait3A = arith.constant 0 : i32
        %dma_wait3A_45 = tpu.memref_slice %arg11[%add3A_40, %dma_wait3A] : memref<10240x128xf32, #tpu.memory_space<vmem_shared>> -> memref<32x128xf32, #tpu.memory_space<vmem_shared>>
        %dma_wait3A_46 = arith.constant 0 : i32
        %dma_wait3A_47 = tpu.memref_slice %arg11[%add3A_40, %dma_wait3A_46] : memref<10240x128xf32, #tpu.memory_space<vmem_shared>> -> memref<32x128xf32, #tpu.memory_space<vmem_shared>>
        tpu.wait_dma2 semaphore(%run_scoped3A : memref<!tpu.dma_semaphore, #tpu.memory_space<semaphore_mem>>) src(%arg10 : memref<32x128xf32, #tpu.memory_space<vmem>>) dst(%dma_wait3A_47 : memref<32x128xf32, #tpu.memory_space<vmem_shared>>)
        tpu.yield
      }) : () -> ()
    }
    %scan3A_9 = arith.constant 20 : i32
    %mul3A_10 = arith.constant 80 : i32
    %mul3A_11 = arith.muli %add3A, %mul3A_10 : i32
    "tpu.region"() ({
      %run_scoped3A = tpu.sem_alloc : memref<!tpu.dma_semaphore, #tpu.memory_space<semaphore_mem>>
      %dma_start3A_35 = arith.constant 0 : i32
      %dma_start3A_36 = tpu.memref_slice %arg3[%mul3A_11, %dma_start3A_35] : memref<2560x128xi32, #tpu.memory_space<hbm>> -> memref<80x128xi32, #tpu.memory_space<hbm>>
      %dma_start3A_37 = arith.constant 0 : i32
      %dma_start3A_38 = tpu.memref_slice %arg3[%mul3A_11, %dma_start3A_37] : memref<2560x128xi32, #tpu.memory_space<hbm>> -> memref<80x128xi32, #tpu.memory_space<hbm>>
      tpu.enqueue_dma source(%dma_start3A_38 : memref<80x128xi32, #tpu.memory_space<hbm>>) target(%arg6 : memref<80x128xi32, #tpu.memory_space<vmem>>) target_semaphore(%run_scoped3A : memref<!tpu.dma_semaphore, #tpu.memory_space<semaphore_mem>>)
      %dma_wait3A = arith.constant 0 : i32
      %dma_wait3A_39 = tpu.memref_slice %arg3[%mul3A_11, %dma_wait3A] : memref<2560x128xi32, #tpu.memory_space<hbm>> -> memref<80x128xi32, #tpu.memory_space<hbm>>
      %dma_wait3A_40 = arith.constant 0 : i32
      %dma_wait3A_41 = tpu.memref_slice %arg3[%mul3A_11, %dma_wait3A_40] : memref<2560x128xi32, #tpu.memory_space<hbm>> -> memref<80x128xi32, #tpu.memory_space<hbm>>
      tpu.wait_dma2 semaphore(%run_scoped3A : memref<!tpu.dma_semaphore, #tpu.memory_space<semaphore_mem>>) src(%dma_wait3A_41 : memref<80x128xi32, #tpu.memory_space<hbm>>) dst(%arg6 : memref<80x128xi32, #tpu.memory_space<vmem>>)
      tpu.yield
    }) : () -> ()
    %barrier3A = arith.constant 0 : index
    tpu.barrier barrier_id(%barrier3A)
    %dma_start3A = arith.constant 0 : i32
    %dma_start3A_12 = arith.constant 0 : i32
    %dma_start3A_13 = tpu.memref_slice %arg6[%dma_start3A, %dma_start3A_12] : memref<80x128xi32, #tpu.memory_space<vmem>> -> memref<1x128xi32, #tpu.memory_space<vmem>>
    %dma_start3A_14 = tpu.memref_squeeze %dma_start3A_13 : memref<1x128xi32, #tpu.memory_space<vmem>> -> memref<128xi32, #tpu.memory_space<vmem>>
    %dma_start3A_15 = arith.constant 0 : i32
    %dma_start3A_16 = arith.constant 0 : i32
    %dma_start3A_17 = tpu.memref_slice %arg2[%dma_start3A_15, %dma_start3A_16] : memref<10000x128xf32, #tpu.memory_space<hbm>> -> memref<10000x128xf32, #tpu.memory_space<hbm>>
    tpu.enqueue_indirect_dma source(%dma_start3A_17 : memref<10000x128xf32, #tpu.memory_space<hbm>>) target(%arg8 : memref<128x128xf32, #tpu.memory_space<vmem>>) offsets(%dma_start3A_14 : memref<128xi32, #tpu.memory_space<vmem>>) semaphore(%arg12 : memref<!tpu.dma_semaphore, #tpu.memory_space<semaphore_mem>>)
    %dma_start3A_18 = arith.constant 1 : i32
    %dma_start3A_19 = arith.constant 0 : i32
    %dma_start3A_20 = tpu.memref_slice %arg6[%dma_start3A_18, %dma_start3A_19] : memref<80x128xi32, #tpu.memory_space<vmem>> -> memref<1x128xi32, #tpu.memory_space<vmem>>
    %dma_start3A_21 = tpu.memref_squeeze %dma_start3A_20 : memref<1x128xi32, #tpu.memory_space<vmem>> -> memref<128xi32, #tpu.memory_space<vmem>>
    %dma_start3A_22 = arith.constant 0 : i32
    %dma_start3A_23 = arith.constant 0 : i32
    %dma_start3A_24 = tpu.memref_slice %arg2[%dma_start3A_22, %dma_start3A_23] : memref<10000x128xf32, #tpu.memory_space<hbm>> -> memref<10000x128xf32, #tpu.memory_space<hbm>>
    tpu.enqueue_indirect_dma source(%dma_start3A_24 : memref<10000x128xf32, #tpu.memory_space<hbm>>) target(%arg9 : memref<128x128xf32, #tpu.memory_space<vmem>>) offsets(%dma_start3A_21 : memref<128xi32, #tpu.memory_space<vmem>>) semaphore(%arg13 : memref<!tpu.dma_semaphore, #tpu.memory_space<semaphore_mem>>)
    %scan3A_25 = arith.constant 0 : i32
    %scan3A_26 = arith.constant 10 : i32
    %scan3A_27 = arith.addi %scan3A_25, %scan3A_26 : i32
    %scan3A_28 = arith.constant 1 : i32
    scf.for %scan3A_35 = %scan3A_25 to %scan3A_27 step %scan3A_28  : i32 {
      %mul3A_36 = arith.constant 8 : i32
      %mul3A_37 = arith.muli %scan3A_35, %mul3A_36 : i32
      %add3A_38 = arith.constant 0 : i32
      %add3A_39 = arith.addi %add3A_38, %mul3A_37 : i32
      %mul3A_40 = arith.constant 80 : i32
      %mul3A_41 = arith.muli %add3A, %mul3A_40 : i32
      %add3A_42 = arith.addi %mul3A_41, %add3A_39 : i32
      "tpu.region"() ({
        %run_scoped3A_166 = tpu.sem_alloc : memref<!tpu.dma_semaphore, #tpu.memory_space<semaphore_mem>>
        %dma_start3A_167 = arith.constant 0 : i32
        %dma_start3A_168 = tpu.memref_slice %arg4[%add3A_42, %dma_start3A_167] : memref<2560x128xi32, #tpu.memory_space<hbm>> -> memref<8x128xi32, #tpu.memory_space<hbm>>
        %dma_start3A_169 = arith.constant 0 : i32
        %dma_start3A_170 = tpu.memref_slice %arg4[%add3A_42, %dma_start3A_169] : memref<2560x128xi32, #tpu.memory_space<hbm>> -> memref<8x128xi32, #tpu.memory_space<hbm>>
        tpu.enqueue_dma source(%dma_start3A_170 : memref<8x128xi32, #tpu.memory_space<hbm>>) target(%arg7 : memref<8x128xi32, #tpu.memory_space<vmem>>) target_semaphore(%run_scoped3A_166 : memref<!tpu.dma_semaphore, #tpu.memory_space<semaphore_mem>>)
        %dma_wait3A_171 = arith.constant 0 : i32
        %dma_wait3A_172 = tpu.memref_slice %arg4[%add3A_42, %dma_wait3A_171] : memref<2560x128xi32, #tpu.memory_space<hbm>> -> memref<8x128xi32, #tpu.memory_space<hbm>>
        %dma_wait3A_173 = arith.constant 0 : i32
        %dma_wait3A_174 = tpu.memref_slice %arg4[%add3A_42, %dma_wait3A_173] : memref<2560x128xi32, #tpu.memory_space<hbm>> -> memref<8x128xi32, #tpu.memory_space<hbm>>
        tpu.wait_dma2 semaphore(%run_scoped3A_166 : memref<!tpu.dma_semaphore, #tpu.memory_space<semaphore_mem>>) src(%dma_wait3A_174 : memref<8x128xi32, #tpu.memory_space<hbm>>) dst(%arg7 : memref<8x128xi32, #tpu.memory_space<vmem>>)
        tpu.yield
      }) : () -> ()
      %add3A_43 = arith.constant 0 : i32
      %add3A_44 = arith.addi %add3A_39, %add3A_43 : i32
      %dma_wait3A = arith.constant 0 : i32
      %dma_wait3A_45 = tpu.memref_slice %arg6[%add3A_44, %dma_wait3A] : memref<80x128xi32, #tpu.memory_space<vmem>> -> memref<1x128xi32, #tpu.memory_space<vmem>>
      %dma_wait3A_46 = tpu.memref_squeeze %dma_wait3A_45 : memref<1x128xi32, #tpu.memory_space<vmem>> -> memref<128xi32, #tpu.memory_space<vmem>>
      %dma_wait3A_47 = arith.constant 0 : i32
      %dma_wait3A_48 = arith.constant 0 : i32
      %dma_wait3A_49 = tpu.memref_slice %arg2[%dma_wait3A_47, %dma_wait3A_48] : memref<10000x128xf32, #tpu.memory_space<hbm>> -> memref<10000x128xf32, #tpu.memory_space<hbm>>
      tpu.wait_indirect_dma semaphore(%arg12 : memref<!tpu.dma_semaphore, #tpu.memory_space<semaphore_mem>>) src(%dma_wait3A_49 : memref<10000x128xf32, #tpu.memory_space<hbm>>) dst(%arg8 : memref<128x128xf32, #tpu.memory_space<vmem>>)
      %run_scoped3A = arith.constant 0 : i32
      "tpu.region"() ({
        %run_scoped3A_166 = tpu.sem_alloc : memref<!tpu.dma_semaphore, #tpu.memory_space<semaphore_mem>>
        %dma_start3A_167 = arith.constant 0 : i32
        %dma_start3A_168 = tpu.memref_slice %arg7[%run_scoped3A, %dma_start3A_167] : memref<8x128xi32, #tpu.memory_space<vmem>> -> memref<1x128xi32, #tpu.memory_space<vmem>>
        %dma_start3A_169 = tpu.memref_squeeze %dma_start3A_168 : memref<1x128xi32, #tpu.memory_space<vmem>> -> memref<128xi32, #tpu.memory_space<vmem>>
        %dma_start3A_170 = arith.constant 0 : i32
        %dma_start3A_171 = arith.constant 0 : i32
        %dma_start3A_172 = tpu.memref_slice %arg11[%dma_start3A_170, %dma_start3A_171] : memref<10240x128xf32, #tpu.memory_space<vmem_shared>> -> memref<10240x128xf32, #tpu.memory_space<vmem_shared>>
        tpu.enqueue_indirect_dma source(%arg8 : memref<128x128xf32, #tpu.memory_space<vmem>>) target(%dma_start3A_172 : memref<10240x128xf32, #tpu.memory_space<vmem_shared>>) offsets(%dma_start3A_169 : memref<128xi32, #tpu.memory_space<vmem>>) semaphore(%run_scoped3A_166 : memref<!tpu.dma_semaphore, #tpu.memory_space<semaphore_mem>>) {add = true}
        %dma_wait3A_173 = arith.constant 0 : i32
        %dma_wait3A_174 = tpu.memref_slice %arg7[%run_scoped3A, %dma_wait3A_173] : memref<8x128xi32, #tpu.memory_space<vmem>> -> memref<1x128xi32, #tpu.memory_space<vmem>>
        %dma_wait3A_175 = tpu.memref_squeeze %dma_wait3A_174 : memref<1x128xi32, #tpu.memory_space<vmem>> -> memref<128xi32, #tpu.memory_space<vmem>>
        %dma_wait3A_176 = arith.constant 0 : i32
        %dma_wait3A_177 = arith.constant 0 : i32
        %dma_wait3A_178 = tpu.memref_slice %arg11[%dma_wait3A_176, %dma_wait3A_177] : memref<10240x128xf32, #tpu.memory_space<vmem_shared>> -> memref<10240x128xf32, #tpu.memory_space<vmem_shared>>
        tpu.wait_indirect_dma semaphore(%run_scoped3A_166 : memref<!tpu.dma_semaphore, #tpu.memory_space<semaphore_mem>>) src(%arg8 : memref<128x128xf32, #tpu.memory_space<vmem>>) dst(%dma_wait3A_178 : memref<10240x128xf32, #tpu.memory_space<vmem_shared>>)
        tpu.yield
      }) : () -> ()
      %add3A_50 = arith.constant 2 : i32
      %add3A_51 = arith.addi %add3A_44, %add3A_50 : i32
      %lt3A = arith.constant 80 : i32
      %lt3A_52 = arith.cmpi slt, %add3A_51, %lt3A : i32
      %convert_element_type3A = arith.extui %lt3A_52 : i1 to i32
      %cond3A = arith.constant 0 : i32
      %cond3A_53 = arith.cmpi ne, %convert_element_type3A, %cond3A : i32
      scf.if %cond3A_53 {
        %add3A_166 = arith.constant 2 : i32
        %add3A_167 = arith.addi %add3A_44, %add3A_166 : i32
        %dma_start3A_168 = arith.constant 0 : i32
        %dma_start3A_169 = tpu.memref_slice %arg6[%add3A_167, %dma_start3A_168] : memref<80x128xi32, #tpu.memory_space<vmem>> -> memref<1x128xi32, #tpu.memory_space<vmem>>
        %dma_start3A_170 = tpu.memref_squeeze %dma_start3A_169 : memref<1x128xi32, #tpu.memory_space<vmem>> -> memref<128xi32, #tpu.memory_space<vmem>>
        %dma_start3A_171 = arith.constant 0 : i32
        %dma_start3A_172 = arith.constant 0 : i32
        %dma_start3A_173 = tpu.memref_slice %arg2[%dma_start3A_171, %dma_start3A_172] : memref<10000x128xf32, #tpu.memory_space<hbm>> -> memref<10000x128xf32, #tpu.memory_space<hbm>>
        tpu.enqueue_indirect_dma source(%dma_start3A_173 : memref<10000x128xf32, #tpu.memory_space<hbm>>) target(%arg8 : memref<128x128xf32, #tpu.memory_space<vmem>>) offsets(%dma_start3A_170 : memref<128xi32, #tpu.memory_space<vmem>>) semaphore(%arg12 : memref<!tpu.dma_semaphore, #tpu.memory_space<semaphore_mem>>)
      } else {
      }
      %add3A_54 = arith.constant 1 : i32
      %add3A_55 = arith.addi %add3A_39, %add3A_54 : i32
      %dma_wait3A_56 = arith.constant 0 : i32
      %dma_wait3A_57 = tpu.memref_slice %arg6[%add3A_55, %dma_wait3A_56] : memref<80x128xi32, #tpu.memory_space<vmem>> -> memref<1x128xi32, #tpu.memory_space<vmem>>
      %dma_wait3A_58 = tpu.memref_squeeze %dma_wait3A_57 : memref<1x128xi32, #tpu.memory_space<vmem>> -> memref<128xi32, #tpu.memory_space<vmem>>
      %dma_wait3A_59 = arith.constant 0 : i32
      %dma_wait3A_60 = arith.constant 0 : i32
      %dma_wait3A_61 = tpu.memref_slice %arg2[%dma_wait3A_59, %dma_wait3A_60] : memref<10000x128xf32, #tpu.memory_space<hbm>> -> memref<10000x128xf32, #tpu.memory_space<hbm>>
      tpu.wait_indirect_dma semaphore(%arg13 : memref<!tpu.dma_semaphore, #tpu.memory_space<semaphore_mem>>) src(%dma_wait3A_61 : memref<10000x128xf32, #tpu.memory_space<hbm>>) dst(%arg9 : memref<128x128xf32, #tpu.memory_space<vmem>>)
      %run_scoped3A_62 = arith.constant 1 : i32
      "tpu.region"() ({
        %run_scoped3A_166 = tpu.sem_alloc : memref<!tpu.dma_semaphore, #tpu.memory_space<semaphore_mem>>
        %dma_start3A_167 = arith.constant 0 : i32
        %dma_start3A_168 = tpu.memref_slice %arg7[%run_scoped3A_62, %dma_start3A_167] : memref<8x128xi32, #tpu.memory_space<vmem>> -> memref<1x128xi32, #tpu.memory_space<vmem>>
        %dma_start3A_169 = tpu.memref_squeeze %dma_start3A_168 : memref<1x128xi32, #tpu.memory_space<vmem>> -> memref<128xi32, #tpu.memory_space<vmem>>
        %dma_start3A_170 = arith.constant 0 : i32
        %dma_start3A_171 = arith.constant 0 : i32
        %dma_start3A_172 = tpu.memref_slice %arg11[%dma_start3A_170, %dma_start3A_171] : memref<10240x128xf32, #tpu.memory_space<vmem_shared>> -> memref<10240x128xf32, #tpu.memory_space<vmem_shared>>
        tpu.enqueue_indirect_dma source(%arg9 : memref<128x128xf32, #tpu.memory_space<vmem>>) target(%dma_start3A_172 : memref<10240x128xf32, #tpu.memory_space<vmem_shared>>) offsets(%dma_start3A_169 : memref<128xi32, #tpu.memory_space<vmem>>) semaphore(%run_scoped3A_166 : memref<!tpu.dma_semaphore, #tpu.memory_space<semaphore_mem>>) {add = true}
        %dma_wait3A_173 = arith.constant 0 : i32
        %dma_wait3A_174 = tpu.memref_slice %arg7[%run_scoped3A_62, %dma_wait3A_173] : memref<8x128xi32, #tpu.memory_space<vmem>> -> memref<1x128xi32, #tpu.memory_space<vmem>>
        %dma_wait3A_175 = tpu.memref_squeeze %dma_wait3A_174 : memref<1x128xi32, #tpu.memory_space<vmem>> -> memref<128xi32, #tpu.memory_space<vmem>>
        %dma_wait3A_176 = arith.constant 0 : i32
        %dma_wait3A_177 = arith.constant 0 : i32
        %dma_wait3A_178 = tpu.memref_slice %arg11[%dma_wait3A_176, %dma_wait3A_177] : memref<10240x128xf32, #tpu.memory_space<vmem_shared>> -> memref<10240x128xf32, #tpu.memory_space<vmem_shared>>
        tpu.wait_indirect_dma semaphore(%run_scoped3A_166 : memref<!tpu.dma_semaphore, #tpu.memory_space<semaphore_mem>>) src(%arg9 : memref<128x128xf32, #tpu.memory_space<vmem>>) dst(%dma_wait3A_178 : memref<10240x128xf32, #tpu.memory_space<vmem_shared>>)
        tpu.yield
      }) : () -> ()
      %add3A_63 = arith.constant 2 : i32
      %add3A_64 = arith.addi %add3A_55, %add3A_63 : i32
      %lt3A_65 = arith.constant 80 : i32
      %lt3A_66 = arith.cmpi slt, %add3A_64, %lt3A_65 : i32
      %convert_element_type3A_67 = arith.extui %lt3A_66 : i1 to i32
      %cond3A_68 = arith.constant 0 : i32
      %cond3A_69 = arith.cmpi ne, %convert_element_type3A_67, %cond3A_68 : i32
      scf.if %cond3A_69 {
        %add3A_166 = arith.constant 2 : i32
        %add3A_167 = arith.addi %add3A_55, %add3A_166 : i32
        %dma_start3A_168 = arith.constant 0 : i32
        %dma_start3A_169 = tpu.memref_slice %arg6[%add3A_167, %dma_start3A_168] : memref<80x128xi32, #tpu.memory_space<vmem>> -> memref<1x128xi32, #tpu.memory_space<vmem>>
        %dma_start3A_170 = tpu.memref_squeeze %dma_start3A_169 : memref<1x128xi32, #tpu.memory_space<vmem>> -> memref<128xi32, #tpu.memory_space<vmem>>
        %dma_start3A_171 = arith.constant 0 : i32
        %dma_start3A_172 = arith.constant 0 : i32
        %dma_start3A_173 = tpu.memref_slice %arg2[%dma_start3A_171, %dma_start3A_172] : memref<10000x128xf32, #tpu.memory_space<hbm>> -> memref<10000x128xf32, #tpu.memory_space<hbm>>
        tpu.enqueue_indirect_dma source(%dma_start3A_173 : memref<10000x128xf32, #tpu.memory_space<hbm>>) target(%arg9 : memref<128x128xf32, #tpu.memory_space<vmem>>) offsets(%dma_start3A_170 : memref<128xi32, #tpu.memory_space<vmem>>) semaphore(%arg13 : memref<!tpu.dma_semaphore, #tpu.memory_space<semaphore_mem>>)
      } else {
      }
      %add3A_70 = arith.constant 2 : i32
      %add3A_71 = arith.addi %add3A_39, %add3A_70 : i32
      %dma_wait3A_72 = arith.constant 0 : i32
      %dma_wait3A_73 = tpu.memref_slice %arg6[%add3A_71, %dma_wait3A_72] : memref<80x128xi32, #tpu.memory_space<vmem>> -> memref<1x128xi32, #tpu.memory_space<vmem>>
      %dma_wait3A_74 = tpu.memref_squeeze %dma_wait3A_73 : memref<1x128xi32, #tpu.memory_space<vmem>> -> memref<128xi32, #tpu.memory_space<vmem>>
      %dma_wait3A_75 = arith.constant 0 : i32
      %dma_wait3A_76 = arith.constant 0 : i32
      %dma_wait3A_77 = tpu.memref_slice %arg2[%dma_wait3A_75, %dma_wait3A_76] : memref<10000x128xf32, #tpu.memory_space<hbm>> -> memref<10000x128xf32, #tpu.memory_space<hbm>>
      tpu.wait_indirect_dma semaphore(%arg12 : memref<!tpu.dma_semaphore, #tpu.memory_space<semaphore_mem>>) src(%dma_wait3A_77 : memref<10000x128xf32, #tpu.memory_space<hbm>>) dst(%arg8 : memref<128x128xf32, #tpu.memory_space<vmem>>)
      %run_scoped3A_78 = arith.constant 2 : i32
      "tpu.region"() ({
        %run_scoped3A_166 = tpu.sem_alloc : memref<!tpu.dma_semaphore, #tpu.memory_space<semaphore_mem>>
        %dma_start3A_167 = arith.constant 0 : i32
        %dma_start3A_168 = tpu.memref_slice %arg7[%run_scoped3A_78, %dma_start3A_167] : memref<8x128xi32, #tpu.memory_space<vmem>> -> memref<1x128xi32, #tpu.memory_space<vmem>>
        %dma_start3A_169 = tpu.memref_squeeze %dma_start3A_168 : memref<1x128xi32, #tpu.memory_space<vmem>> -> memref<128xi32, #tpu.memory_space<vmem>>
        %dma_start3A_170 = arith.constant 0 : i32
        %dma_start3A_171 = arith.constant 0 : i32
        %dma_start3A_172 = tpu.memref_slice %arg11[%dma_start3A_170, %dma_start3A_171] : memref<10240x128xf32, #tpu.memory_space<vmem_shared>> -> memref<10240x128xf32, #tpu.memory_space<vmem_shared>>
        tpu.enqueue_indirect_dma source(%arg8 : memref<128x128xf32, #tpu.memory_space<vmem>>) target(%dma_start3A_172 : memref<10240x128xf32, #tpu.memory_space<vmem_shared>>) offsets(%dma_start3A_169 : memref<128xi32, #tpu.memory_space<vmem>>) semaphore(%run_scoped3A_166 : memref<!tpu.dma_semaphore, #tpu.memory_space<semaphore_mem>>) {add = true}
        %dma_wait3A_173 = arith.constant 0 : i32
        %dma_wait3A_174 = tpu.memref_slice %arg7[%run_scoped3A_78, %dma_wait3A_173] : memref<8x128xi32, #tpu.memory_space<vmem>> -> memref<1x128xi32, #tpu.memory_space<vmem>>
        %dma_wait3A_175 = tpu.memref_squeeze %dma_wait3A_174 : memref<1x128xi32, #tpu.memory_space<vmem>> -> memref<128xi32, #tpu.memory_space<vmem>>
        %dma_wait3A_176 = arith.constant 0 : i32
        %dma_wait3A_177 = arith.constant 0 : i32
        %dma_wait3A_178 = tpu.memref_slice %arg11[%dma_wait3A_176, %dma_wait3A_177] : memref<10240x128xf32, #tpu.memory_space<vmem_shared>> -> memref<10240x128xf32, #tpu.memory_space<vmem_shared>>
        tpu.wait_indirect_dma semaphore(%run_scoped3A_166 : memref<!tpu.dma_semaphore, #tpu.memory_space<semaphore_mem>>) src(%arg8 : memref<128x128xf32, #tpu.memory_space<vmem>>) dst(%dma_wait3A_178 : memref<10240x128xf32, #tpu.memory_space<vmem_shared>>)
        tpu.yield
      }) : () -> ()
      %add3A_79 = arith.constant 2 : i32
      %add3A_80 = arith.addi %add3A_71, %add3A_79 : i32
      %lt3A_81 = arith.constant 80 : i32
      %lt3A_82 = arith.cmpi slt, %add3A_80, %lt3A_81 : i32
      %convert_element_type3A_83 = arith.extui %lt3A_82 : i1 to i32
      %cond3A_84 = arith.constant 0 : i32
      %cond3A_85 = arith.cmpi ne, %convert_element_type3A_83, %cond3A_84 : i32
      scf.if %cond3A_85 {
        %add3A_166 = arith.constant 2 : i32
        %add3A_167 = arith.addi %add3A_71, %add3A_166 : i32
        %dma_start3A_168 = arith.constant 0 : i32
        %dma_start3A_169 = tpu.memref_slice %arg6[%add3A_167, %dma_start3A_168] : memref<80x128xi32, #tpu.memory_space<vmem>> -> memref<1x128xi32, #tpu.memory_space<vmem>>
        %dma_start3A_170 = tpu.memref_squeeze %dma_start3A_169 : memref<1x128xi32, #tpu.memory_space<vmem>> -> memref<128xi32, #tpu.memory_space<vmem>>
        %dma_start3A_171 = arith.constant 0 : i32
        %dma_start3A_172 = arith.constant 0 : i32
        %dma_start3A_173 = tpu.memref_slice %arg2[%dma_start3A_171, %dma_start3A_172] : memref<10000x128xf32, #tpu.memory_space<hbm>> -> memref<10000x128xf32, #tpu.memory_space<hbm>>
        tpu.enqueue_indirect_dma source(%dma_start3A_173 : memref<10000x128xf32, #tpu.memory_space<hbm>>) target(%arg8 : memref<128x128xf32, #tpu.memory_space<vmem>>) offsets(%dma_start3A_170 : memref<128xi32, #tpu.memory_space<vmem>>) semaphore(%arg12 : memref<!tpu.dma_semaphore, #tpu.memory_space<semaphore_mem>>)
      } else {
      }
      %add3A_86 = arith.constant 3 : i32
      %add3A_87 = arith.addi %add3A_39, %add3A_86 : i32
      %dma_wait3A_88 = arith.constant 0 : i32
      %dma_wait3A_89 = tpu.memref_slice %arg6[%add3A_87, %dma_wait3A_88] : memref<80x128xi32, #tpu.memory_space<vmem>> -> memref<1x128xi32, #tpu.memory_space<vmem>>
      %dma_wait3A_90 = tpu.memref_squeeze %dma_wait3A_89 : memref<1x128xi32, #tpu.memory_space<vmem>> -> memref<128xi32, #tpu.memory_space<vmem>>
      %dma_wait3A_91 = arith.constant 0 : i32
      %dma_wait3A_92 = arith.constant 0 : i32
      %dma_wait3A_93 = tpu.memref_slice %arg2[%dma_wait3A_91, %dma_wait3A_92] : memref<10000x128xf32, #tpu.memory_space<hbm>> -> memref<10000x128xf32, #tpu.memory_space<hbm>>
      tpu.wait_indirect_dma semaphore(%arg13 : memref<!tpu.dma_semaphore, #tpu.memory_space<semaphore_mem>>) src(%dma_wait3A_93 : memref<10000x128xf32, #tpu.memory_space<hbm>>) dst(%arg9 : memref<128x128xf32, #tpu.memory_space<vmem>>)
      %run_scoped3A_94 = arith.constant 3 : i32
      "tpu.region"() ({
        %run_scoped3A_166 = tpu.sem_alloc : memref<!tpu.dma_semaphore, #tpu.memory_space<semaphore_mem>>
        %dma_start3A_167 = arith.constant 0 : i32
        %dma_start3A_168 = tpu.memref_slice %arg7[%run_scoped3A_94, %dma_start3A_167] : memref<8x128xi32, #tpu.memory_space<vmem>> -> memref<1x128xi32, #tpu.memory_space<vmem>>
        %dma_start3A_169 = tpu.memref_squeeze %dma_start3A_168 : memref<1x128xi32, #tpu.memory_space<vmem>> -> memref<128xi32, #tpu.memory_space<vmem>>
        %dma_start3A_170 = arith.constant 0 : i32
        %dma_start3A_171 = arith.constant 0 : i32
        %dma_start3A_172 = tpu.memref_slice %arg11[%dma_start3A_170, %dma_start3A_171] : memref<10240x128xf32, #tpu.memory_space<vmem_shared>> -> memref<10240x128xf32, #tpu.memory_space<vmem_shared>>
        tpu.enqueue_indirect_dma source(%arg9 : memref<128x128xf32, #tpu.memory_space<vmem>>) target(%dma_start3A_172 : memref<10240x128xf32, #tpu.memory_space<vmem_shared>>) offsets(%dma_start3A_169 : memref<128xi32, #tpu.memory_space<vmem>>) semaphore(%run_scoped3A_166 : memref<!tpu.dma_semaphore, #tpu.memory_space<semaphore_mem>>) {add = true}
        %dma_wait3A_173 = arith.constant 0 : i32
        %dma_wait3A_174 = tpu.memref_slice %arg7[%run_scoped3A_94, %dma_wait3A_173] : memref<8x128xi32, #tpu.memory_space<vmem>> -> memref<1x128xi32, #tpu.memory_space<vmem>>
        %dma_wait3A_175 = tpu.memref_squeeze %dma_wait3A_174 : memref<1x128xi32, #tpu.memory_space<vmem>> -> memref<128xi32, #tpu.memory_space<vmem>>
        %dma_wait3A_176 = arith.constant 0 : i32
        %dma_wait3A_177 = arith.constant 0 : i32
        %dma_wait3A_178 = tpu.memref_slice %arg11[%dma_wait3A_176, %dma_wait3A_177] : memref<10240x128xf32, #tpu.memory_space<vmem_shared>> -> memref<10240x128xf32, #tpu.memory_space<vmem_shared>>
        tpu.wait_indirect_dma semaphore(%run_scoped3A_166 : memref<!tpu.dma_semaphore, #tpu.memory_space<semaphore_mem>>) src(%arg9 : memref<128x128xf32, #tpu.memory_space<vmem>>) dst(%dma_wait3A_178 : memref<10240x128xf32, #tpu.memory_space<vmem_shared>>)
        tpu.yield
      }) : () -> ()
      %add3A_95 = arith.constant 2 : i32
      %add3A_96 = arith.addi %add3A_87, %add3A_95 : i32
      %lt3A_97 = arith.constant 80 : i32
      %lt3A_98 = arith.cmpi slt, %add3A_96, %lt3A_97 : i32
      %convert_element_type3A_99 = arith.extui %lt3A_98 : i1 to i32
      %cond3A_100 = arith.constant 0 : i32
      %cond3A_101 = arith.cmpi ne, %convert_element_type3A_99, %cond3A_100 : i32
      scf.if %cond3A_101 {
        %add3A_166 = arith.constant 2 : i32
        %add3A_167 = arith.addi %add3A_87, %add3A_166 : i32
        %dma_start3A_168 = arith.constant 0 : i32
        %dma_start3A_169 = tpu.memref_slice %arg6[%add3A_167, %dma_start3A_168] : memref<80x128xi32, #tpu.memory_space<vmem>> -> memref<1x128xi32, #tpu.memory_space<vmem>>
        %dma_start3A_170 = tpu.memref_squeeze %dma_start3A_169 : memref<1x128xi32, #tpu.memory_space<vmem>> -> memref<128xi32, #tpu.memory_space<vmem>>
        %dma_start3A_171 = arith.constant 0 : i32
        %dma_start3A_172 = arith.constant 0 : i32
        %dma_start3A_173 = tpu.memref_slice %arg2[%dma_start3A_171, %dma_start3A_172] : memref<10000x128xf32, #tpu.memory_space<hbm>> -> memref<10000x128xf32, #tpu.memory_space<hbm>>
        tpu.enqueue_indirect_dma source(%dma_start3A_173 : memref<10000x128xf32, #tpu.memory_space<hbm>>) target(%arg9 : memref<128x128xf32, #tpu.memory_space<vmem>>) offsets(%dma_start3A_170 : memref<128xi32, #tpu.memory_space<vmem>>) semaphore(%arg13 : memref<!tpu.dma_semaphore, #tpu.memory_space<semaphore_mem>>)
      } else {
      }
      %add3A_102 = arith.constant 4 : i32
      %add3A_103 = arith.addi %add3A_39, %add3A_102 : i32
      %dma_wait3A_104 = arith.constant 0 : i32
      %dma_wait3A_105 = tpu.memref_slice %arg6[%add3A_103, %dma_wait3A_104] : memref<80x128xi32, #tpu.memory_space<vmem>> -> memref<1x128xi32, #tpu.memory_space<vmem>>
      %dma_wait3A_106 = tpu.memref_squeeze %dma_wait3A_105 : memref<1x128xi32, #tpu.memory_space<vmem>> -> memref<128xi32, #tpu.memory_space<vmem>>
      %dma_wait3A_107 = arith.constant 0 : i32
      %dma_wait3A_108 = arith.constant 0 : i32
      %dma_wait3A_109 = tpu.memref_slice %arg2[%dma_wait3A_107, %dma_wait3A_108] : memref<10000x128xf32, #tpu.memory_space<hbm>> -> memref<10000x128xf32, #tpu.memory_space<hbm>>
      tpu.wait_indirect_dma semaphore(%arg12 : memref<!tpu.dma_semaphore, #tpu.memory_space<semaphore_mem>>) src(%dma_wait3A_109 : memref<10000x128xf32, #tpu.memory_space<hbm>>) dst(%arg8 : memref<128x128xf32, #tpu.memory_space<vmem>>)
      %run_scoped3A_110 = arith.constant 4 : i32
      "tpu.region"() ({
        %run_scoped3A_166 = tpu.sem_alloc : memref<!tpu.dma_semaphore, #tpu.memory_space<semaphore_mem>>
        %dma_start3A_167 = arith.constant 0 : i32
        %dma_start3A_168 = tpu.memref_slice %arg7[%run_scoped3A_110, %dma_start3A_167] : memref<8x128xi32, #tpu.memory_space<vmem>> -> memref<1x128xi32, #tpu.memory_space<vmem>>
        %dma_start3A_169 = tpu.memref_squeeze %dma_start3A_168 : memref<1x128xi32, #tpu.memory_space<vmem>> -> memref<128xi32, #tpu.memory_space<vmem>>
        %dma_start3A_170 = arith.constant 0 : i32
        %dma_start3A_171 = arith.constant 0 : i32
        %dma_start3A_172 = tpu.memref_slice %arg11[%dma_start3A_170, %dma_start3A_171] : memref<10240x128xf32, #tpu.memory_space<vmem_shared>> -> memref<10240x128xf32, #tpu.memory_space<vmem_shared>>
        tpu.enqueue_indirect_dma source(%arg8 : memref<128x128xf32, #tpu.memory_space<vmem>>) target(%dma_start3A_172 : memref<10240x128xf32, #tpu.memory_space<vmem_shared>>) offsets(%dma_start3A_169 : memref<128xi32, #tpu.memory_space<vmem>>) semaphore(%run_scoped3A_166 : memref<!tpu.dma_semaphore, #tpu.memory_space<semaphore_mem>>) {add = true}
        %dma_wait3A_173 = arith.constant 0 : i32
        %dma_wait3A_174 = tpu.memref_slice %arg7[%run_scoped3A_110, %dma_wait3A_173] : memref<8x128xi32, #tpu.memory_space<vmem>> -> memref<1x128xi32, #tpu.memory_space<vmem>>
        %dma_wait3A_175 = tpu.memref_squeeze %dma_wait3A_174 : memref<1x128xi32, #tpu.memory_space<vmem>> -> memref<128xi32, #tpu.memory_space<vmem>>
        %dma_wait3A_176 = arith.constant 0 : i32
        %dma_wait3A_177 = arith.constant 0 : i32
        %dma_wait3A_178 = tpu.memref_slice %arg11[%dma_wait3A_176, %dma_wait3A_177] : memref<10240x128xf32, #tpu.memory_space<vmem_shared>> -> memref<10240x128xf32, #tpu.memory_space<vmem_shared>>
        tpu.wait_indirect_dma semaphore(%run_scoped3A_166 : memref<!tpu.dma_semaphore, #tpu.memory_space<semaphore_mem>>) src(%arg8 : memref<128x128xf32, #tpu.memory_space<vmem>>) dst(%dma_wait3A_178 : memref<10240x128xf32, #tpu.memory_space<vmem_shared>>)
        tpu.yield
      }) : () -> ()
      %add3A_111 = arith.constant 2 : i32
      %add3A_112 = arith.addi %add3A_103, %add3A_111 : i32
      %lt3A_113 = arith.constant 80 : i32
      %lt3A_114 = arith.cmpi slt, %add3A_112, %lt3A_113 : i32
      %convert_element_type3A_115 = arith.extui %lt3A_114 : i1 to i32
      %cond3A_116 = arith.constant 0 : i32
      %cond3A_117 = arith.cmpi ne, %convert_element_type3A_115, %cond3A_116 : i32
      scf.if %cond3A_117 {
        %add3A_166 = arith.constant 2 : i32
        %add3A_167 = arith.addi %add3A_103, %add3A_166 : i32
        %dma_start3A_168 = arith.constant 0 : i32
        %dma_start3A_169 = tpu.memref_slice %arg6[%add3A_167, %dma_start3A_168] : memref<80x128xi32, #tpu.memory_space<vmem>> -> memref<1x128xi32, #tpu.memory_space<vmem>>
        %dma_start3A_170 = tpu.memref_squeeze %dma_start3A_169 : memref<1x128xi32, #tpu.memory_space<vmem>> -> memref<128xi32, #tpu.memory_space<vmem>>
        %dma_start3A_171 = arith.constant 0 : i32
        %dma_start3A_172 = arith.constant 0 : i32
        %dma_start3A_173 = tpu.memref_slice %arg2[%dma_start3A_171, %dma_start3A_172] : memref<10000x128xf32, #tpu.memory_space<hbm>> -> memref<10000x128xf32, #tpu.memory_space<hbm>>
        tpu.enqueue_indirect_dma source(%dma_start3A_173 : memref<10000x128xf32, #tpu.memory_space<hbm>>) target(%arg8 : memref<128x128xf32, #tpu.memory_space<vmem>>) offsets(%dma_start3A_170 : memref<128xi32, #tpu.memory_space<vmem>>) semaphore(%arg12 : memref<!tpu.dma_semaphore, #tpu.memory_space<semaphore_mem>>)
      } else {
      }
      %add3A_118 = arith.constant 5 : i32
      %add3A_119 = arith.addi %add3A_39, %add3A_118 : i32
      %dma_wait3A_120 = arith.constant 0 : i32
      %dma_wait3A_121 = tpu.memref_slice %arg6[%add3A_119, %dma_wait3A_120] : memref<80x128xi32, #tpu.memory_space<vmem>> -> memref<1x128xi32, #tpu.memory_space<vmem>>
      %dma_wait3A_122 = tpu.memref_squeeze %dma_wait3A_121 : memref<1x128xi32, #tpu.memory_space<vmem>> -> memref<128xi32, #tpu.memory_space<vmem>>
      %dma_wait3A_123 = arith.constant 0 : i32
      %dma_wait3A_124 = arith.constant 0 : i32
      %dma_wait3A_125 = tpu.memref_slice %arg2[%dma_wait3A_123, %dma_wait3A_124] : memref<10000x128xf32, #tpu.memory_space<hbm>> -> memref<10000x128xf32, #tpu.memory_space<hbm>>
      tpu.wait_indirect_dma semaphore(%arg13 : memref<!tpu.dma_semaphore, #tpu.memory_space<semaphore_mem>>) src(%dma_wait3A_125 : memref<10000x128xf32, #tpu.memory_space<hbm>>) dst(%arg9 : memref<128x128xf32, #tpu.memory_space<vmem>>)
      %run_scoped3A_126 = arith.constant 5 : i32
      "tpu.region"() ({
        %run_scoped3A_166 = tpu.sem_alloc : memref<!tpu.dma_semaphore, #tpu.memory_space<semaphore_mem>>
        %dma_start3A_167 = arith.constant 0 : i32
        %dma_start3A_168 = tpu.memref_slice %arg7[%run_scoped3A_126, %dma_start3A_167] : memref<8x128xi32, #tpu.memory_space<vmem>> -> memref<1x128xi32, #tpu.memory_space<vmem>>
        %dma_start3A_169 = tpu.memref_squeeze %dma_start3A_168 : memref<1x128xi32, #tpu.memory_space<vmem>> -> memref<128xi32, #tpu.memory_space<vmem>>
        %dma_start3A_170 = arith.constant 0 : i32
        %dma_start3A_171 = arith.constant 0 : i32
        %dma_start3A_172 = tpu.memref_slice %arg11[%dma_start3A_170, %dma_start3A_171] : memref<10240x128xf32, #tpu.memory_space<vmem_shared>> -> memref<10240x128xf32, #tpu.memory_space<vmem_shared>>
        tpu.enqueue_indirect_dma source(%arg9 : memref<128x128xf32, #tpu.memory_space<vmem>>) target(%dma_start3A_172 : memref<10240x128xf32, #tpu.memory_space<vmem_shared>>) offsets(%dma_start3A_169 : memref<128xi32, #tpu.memory_space<vmem>>) semaphore(%run_scoped3A_166 : memref<!tpu.dma_semaphore, #tpu.memory_space<semaphore_mem>>) {add = true}
        %dma_wait3A_173 = arith.constant 0 : i32
        %dma_wait3A_174 = tpu.memref_slice %arg7[%run_scoped3A_126, %dma_wait3A_173] : memref<8x128xi32, #tpu.memory_space<vmem>> -> memref<1x128xi32, #tpu.memory_space<vmem>>
        %dma_wait3A_175 = tpu.memref_squeeze %dma_wait3A_174 : memref<1x128xi32, #tpu.memory_space<vmem>> -> memref<128xi32, #tpu.memory_space<vmem>>
        %dma_wait3A_176 = arith.constant 0 : i32
        %dma_wait3A_177 = arith.constant 0 : i32
        %dma_wait3A_178 = tpu.memref_slice %arg11[%dma_wait3A_176, %dma_wait3A_177] : memref<10240x128xf32, #tpu.memory_space<vmem_shared>> -> memref<10240x128xf32, #tpu.memory_space<vmem_shared>>
        tpu.wait_indirect_dma semaphore(%run_scoped3A_166 : memref<!tpu.dma_semaphore, #tpu.memory_space<semaphore_mem>>) src(%arg9 : memref<128x128xf32, #tpu.memory_space<vmem>>) dst(%dma_wait3A_178 : memref<10240x128xf32, #tpu.memory_space<vmem_shared>>)
        tpu.yield
      }) : () -> ()
      %add3A_127 = arith.constant 2 : i32
      %add3A_128 = arith.addi %add3A_119, %add3A_127 : i32
      %lt3A_129 = arith.constant 80 : i32
      %lt3A_130 = arith.cmpi slt, %add3A_128, %lt3A_129 : i32
      %convert_element_type3A_131 = arith.extui %lt3A_130 : i1 to i32
      %cond3A_132 = arith.constant 0 : i32
      %cond3A_133 = arith.cmpi ne, %convert_element_type3A_131, %cond3A_132 : i32
      scf.if %cond3A_133 {
        %add3A_166 = arith.constant 2 : i32
        %add3A_167 = arith.addi %add3A_119, %add3A_166 : i32
        %dma_start3A_168 = arith.constant 0 : i32
        %dma_start3A_169 = tpu.memref_slice %arg6[%add3A_167, %dma_start3A_168] : memref<80x128xi32, #tpu.memory_space<vmem>> -> memref<1x128xi32, #tpu.memory_space<vmem>>
        %dma_start3A_170 = tpu.memref_squeeze %dma_start3A_169 : memref<1x128xi32, #tpu.memory_space<vmem>> -> memref<128xi32, #tpu.memory_space<vmem>>
        %dma_start3A_171 = arith.constant 0 : i32
        %dma_start3A_172 = arith.constant 0 : i32
        %dma_start3A_173 = tpu.memref_slice %arg2[%dma_start3A_171, %dma_start3A_172] : memref<10000x128xf32, #tpu.memory_space<hbm>> -> memref<10000x128xf32, #tpu.memory_space<hbm>>
        tpu.enqueue_indirect_dma source(%dma_start3A_173 : memref<10000x128xf32, #tpu.memory_space<hbm>>) target(%arg9 : memref<128x128xf32, #tpu.memory_space<vmem>>) offsets(%dma_start3A_170 : memref<128xi32, #tpu.memory_space<vmem>>) semaphore(%arg13 : memref<!tpu.dma_semaphore, #tpu.memory_space<semaphore_mem>>)
      } else {
      }
      %add3A_134 = arith.constant 6 : i32
      %add3A_135 = arith.addi %add3A_39, %add3A_134 : i32
      %dma_wait3A_136 = arith.constant 0 : i32
      %dma_wait3A_137 = tpu.memref_slice %arg6[%add3A_135, %dma_wait3A_136] : memref<80x128xi32, #tpu.memory_space<vmem>> -> memref<1x128xi32, #tpu.memory_space<vmem>>
      %dma_wait3A_138 = tpu.memref_squeeze %dma_wait3A_137 : memref<1x128xi32, #tpu.memory_space<vmem>> -> memref<128xi32, #tpu.memory_space<vmem>>
      %dma_wait3A_139 = arith.constant 0 : i32
      %dma_wait3A_140 = arith.constant 0 : i32
      %dma_wait3A_141 = tpu.memref_slice %arg2[%dma_wait3A_139, %dma_wait3A_140] : memref<10000x128xf32, #tpu.memory_space<hbm>> -> memref<10000x128xf32, #tpu.memory_space<hbm>>
      tpu.wait_indirect_dma semaphore(%arg12 : memref<!tpu.dma_semaphore, #tpu.memory_space<semaphore_mem>>) src(%dma_wait3A_141 : memref<10000x128xf32, #tpu.memory_space<hbm>>) dst(%arg8 : memref<128x128xf32, #tpu.memory_space<vmem>>)
      %run_scoped3A_142 = arith.constant 6 : i32
      "tpu.region"() ({
        %run_scoped3A_166 = tpu.sem_alloc : memref<!tpu.dma_semaphore, #tpu.memory_space<semaphore_mem>>
        %dma_start3A_167 = arith.constant 0 : i32
        %dma_start3A_168 = tpu.memref_slice %arg7[%run_scoped3A_142, %dma_start3A_167] : memref<8x128xi32, #tpu.memory_space<vmem>> -> memref<1x128xi32, #tpu.memory_space<vmem>>
        %dma_start3A_169 = tpu.memref_squeeze %dma_start3A_168 : memref<1x128xi32, #tpu.memory_space<vmem>> -> memref<128xi32, #tpu.memory_space<vmem>>
        %dma_start3A_170 = arith.constant 0 : i32
        %dma_start3A_171 = arith.constant 0 : i32
        %dma_start3A_172 = tpu.memref_slice %arg11[%dma_start3A_170, %dma_start3A_171] : memref<10240x128xf32, #tpu.memory_space<vmem_shared>> -> memref<10240x128xf32, #tpu.memory_space<vmem_shared>>
        tpu.enqueue_indirect_dma source(%arg8 : memref<128x128xf32, #tpu.memory_space<vmem>>) target(%dma_start3A_172 : memref<10240x128xf32, #tpu.memory_space<vmem_shared>>) offsets(%dma_start3A_169 : memref<128xi32, #tpu.memory_space<vmem>>) semaphore(%run_scoped3A_166 : memref<!tpu.dma_semaphore, #tpu.memory_space<semaphore_mem>>) {add = true}
        %dma_wait3A_173 = arith.constant 0 : i32
        %dma_wait3A_174 = tpu.memref_slice %arg7[%run_scoped3A_142, %dma_wait3A_173] : memref<8x128xi32, #tpu.memory_space<vmem>> -> memref<1x128xi32, #tpu.memory_space<vmem>>
        %dma_wait3A_175 = tpu.memref_squeeze %dma_wait3A_174 : memref<1x128xi32, #tpu.memory_space<vmem>> -> memref<128xi32, #tpu.memory_space<vmem>>
        %dma_wait3A_176 = arith.constant 0 : i32
        %dma_wait3A_177 = arith.constant 0 : i32
        %dma_wait3A_178 = tpu.memref_slice %arg11[%dma_wait3A_176, %dma_wait3A_177] : memref<10240x128xf32, #tpu.memory_space<vmem_shared>> -> memref<10240x128xf32, #tpu.memory_space<vmem_shared>>
        tpu.wait_indirect_dma semaphore(%run_scoped3A_166 : memref<!tpu.dma_semaphore, #tpu.memory_space<semaphore_mem>>) src(%arg8 : memref<128x128xf32, #tpu.memory_space<vmem>>) dst(%dma_wait3A_178 : memref<10240x128xf32, #tpu.memory_space<vmem_shared>>)
        tpu.yield
      }) : () -> ()
      %add3A_143 = arith.constant 2 : i32
      %add3A_144 = arith.addi %add3A_135, %add3A_143 : i32
      %lt3A_145 = arith.constant 80 : i32
      %lt3A_146 = arith.cmpi slt, %add3A_144, %lt3A_145 : i32
      %convert_element_type3A_147 = arith.extui %lt3A_146 : i1 to i32
      %cond3A_148 = arith.constant 0 : i32
      %cond3A_149 = arith.cmpi ne, %convert_element_type3A_147, %cond3A_148 : i32
      scf.if %cond3A_149 {
        %add3A_166 = arith.constant 2 : i32
        %add3A_167 = arith.addi %add3A_135, %add3A_166 : i32
        %dma_start3A_168 = arith.constant 0 : i32
        %dma_start3A_169 = tpu.memref_slice %arg6[%add3A_167, %dma_start3A_168] : memref<80x128xi32, #tpu.memory_space<vmem>> -> memref<1x128xi32, #tpu.memory_space<vmem>>
        %dma_start3A_170 = tpu.memref_squeeze %dma_start3A_169 : memref<1x128xi32, #tpu.memory_space<vmem>> -> memref<128xi32, #tpu.memory_space<vmem>>
        %dma_start3A_171 = arith.constant 0 : i32
        %dma_start3A_172 = arith.constant 0 : i32
        %dma_start3A_173 = tpu.memref_slice %arg2[%dma_start3A_171, %dma_start3A_172] : memref<10000x128xf32, #tpu.memory_space<hbm>> -> memref<10000x128xf32, #tpu.memory_space<hbm>>
        tpu.enqueue_indirect_dma source(%dma_start3A_173 : memref<10000x128xf32, #tpu.memory_space<hbm>>) target(%arg8 : memref<128x128xf32, #tpu.memory_space<vmem>>) offsets(%dma_start3A_170 : memref<128xi32, #tpu.memory_space<vmem>>) semaphore(%arg12 : memref<!tpu.dma_semaphore, #tpu.memory_space<semaphore_mem>>)
      } else {
      }
      %add3A_150 = arith.constant 7 : i32
      %add3A_151 = arith.addi %add3A_39, %add3A_150 : i32
      %dma_wait3A_152 = arith.constant 0 : i32
      %dma_wait3A_153 = tpu.memref_slice %arg6[%add3A_151, %dma_wait3A_152] : memref<80x128xi32, #tpu.memory_space<vmem>> -> memref<1x128xi32, #tpu.memory_space<vmem>>
      %dma_wait3A_154 = tpu.memref_squeeze %dma_wait3A_153 : memref<1x128xi32, #tpu.memory_space<vmem>> -> memref<128xi32, #tpu.memory_space<vmem>>
      %dma_wait3A_155 = arith.constant 0 : i32
      %dma_wait3A_156 = arith.constant 0 : i32
      %dma_wait3A_157 = tpu.memref_slice %arg2[%dma_wait3A_155, %dma_wait3A_156] : memref<10000x128xf32, #tpu.memory_space<hbm>> -> memref<10000x128xf32, #tpu.memory_space<hbm>>
      tpu.wait_indirect_dma semaphore(%arg13 : memref<!tpu.dma_semaphore, #tpu.memory_space<semaphore_mem>>) src(%dma_wait3A_157 : memref<10000x128xf32, #tpu.memory_space<hbm>>) dst(%arg9 : memref<128x128xf32, #tpu.memory_space<vmem>>)
      %run_scoped3A_158 = arith.constant 7 : i32
      "tpu.region"() ({
        %run_scoped3A_166 = tpu.sem_alloc : memref<!tpu.dma_semaphore, #tpu.memory_space<semaphore_mem>>
        %dma_start3A_167 = arith.constant 0 : i32
        %dma_start3A_168 = tpu.memref_slice %arg7[%run_scoped3A_158, %dma_start3A_167] : memref<8x128xi32, #tpu.memory_space<vmem>> -> memref<1x128xi32, #tpu.memory_space<vmem>>
        %dma_start3A_169 = tpu.memref_squeeze %dma_start3A_168 : memref<1x128xi32, #tpu.memory_space<vmem>> -> memref<128xi32, #tpu.memory_space<vmem>>
        %dma_start3A_170 = arith.constant 0 : i32
        %dma_start3A_171 = arith.constant 0 : i32
        %dma_start3A_172 = tpu.memref_slice %arg11[%dma_start3A_170, %dma_start3A_171] : memref<10240x128xf32, #tpu.memory_space<vmem_shared>> -> memref<10240x128xf32, #tpu.memory_space<vmem_shared>>
        tpu.enqueue_indirect_dma source(%arg9 : memref<128x128xf32, #tpu.memory_space<vmem>>) target(%dma_start3A_172 : memref<10240x128xf32, #tpu.memory_space<vmem_shared>>) offsets(%dma_start3A_169 : memref<128xi32, #tpu.memory_space<vmem>>) semaphore(%run_scoped3A_166 : memref<!tpu.dma_semaphore, #tpu.memory_space<semaphore_mem>>) {add = true}
        %dma_wait3A_173 = arith.constant 0 : i32
        %dma_wait3A_174 = tpu.memref_slice %arg7[%run_scoped3A_158, %dma_wait3A_173] : memref<8x128xi32, #tpu.memory_space<vmem>> -> memref<1x128xi32, #tpu.memory_space<vmem>>
        %dma_wait3A_175 = tpu.memref_squeeze %dma_wait3A_174 : memref<1x128xi32, #tpu.memory_space<vmem>> -> memref<128xi32, #tpu.memory_space<vmem>>
        %dma_wait3A_176 = arith.constant 0 : i32
        %dma_wait3A_177 = arith.constant 0 : i32
        %dma_wait3A_178 = tpu.memref_slice %arg11[%dma_wait3A_176, %dma_wait3A_177] : memref<10240x128xf32, #tpu.memory_space<vmem_shared>> -> memref<10240x128xf32, #tpu.memory_space<vmem_shared>>
        tpu.wait_indirect_dma semaphore(%run_scoped3A_166 : memref<!tpu.dma_semaphore, #tpu.memory_space<semaphore_mem>>) src(%arg9 : memref<128x128xf32, #tpu.memory_space<vmem>>) dst(%dma_wait3A_178 : memref<10240x128xf32, #tpu.memory_space<vmem_shared>>)
        tpu.yield
      }) : () -> ()
      %add3A_159 = arith.constant 2 : i32
      %add3A_160 = arith.addi %add3A_151, %add3A_159 : i32
      %lt3A_161 = arith.constant 80 : i32
      %lt3A_162 = arith.cmpi slt, %add3A_160, %lt3A_161 : i32
      %convert_element_type3A_163 = arith.extui %lt3A_162 : i1 to i32
      %cond3A_164 = arith.constant 0 : i32
      %cond3A_165 = arith.cmpi ne, %convert_element_type3A_163, %cond3A_164 : i32
      scf.if %cond3A_165 {
        %add3A_166 = arith.constant 2 : i32
        %add3A_167 = arith.addi %add3A_151, %add3A_166 : i32
        %dma_start3A_168 = arith.constant 0 : i32
        %dma_start3A_169 = tpu.memref_slice %arg6[%add3A_167, %dma_start3A_168] : memref<80x128xi32, #tpu.memory_space<vmem>> -> memref<1x128xi32, #tpu.memory_space<vmem>>
        %dma_start3A_170 = tpu.memref_squeeze %dma_start3A_169 : memref<1x128xi32, #tpu.memory_space<vmem>> -> memref<128xi32, #tpu.memory_space<vmem>>
        %dma_start3A_171 = arith.constant 0 : i32
        %dma_start3A_172 = arith.constant 0 : i32
        %dma_start3A_173 = tpu.memref_slice %arg2[%dma_start3A_171, %dma_start3A_172] : memref<10000x128xf32, #tpu.memory_space<hbm>> -> memref<10000x128xf32, #tpu.memory_space<hbm>>
        tpu.enqueue_indirect_dma source(%dma_start3A_173 : memref<10000x128xf32, #tpu.memory_space<hbm>>) target(%arg9 : memref<128x128xf32, #tpu.memory_space<vmem>>) offsets(%dma_start3A_170 : memref<128xi32, #tpu.memory_space<vmem>>) semaphore(%arg13 : memref<!tpu.dma_semaphore, #tpu.memory_space<semaphore_mem>>)
      } else {
      }
    }
    %scan3A_29 = arith.constant 10 : i32
    %barrier3A_30 = arith.constant 0 : index
    tpu.barrier barrier_id(%barrier3A_30)
    %mul3A_31 = arith.constant 640 : i32
    %mul3A_32 = arith.muli %arg1, %mul3A_31 : i32
    %mul3A_33 = arith.constant 640 : i32
    %mul3A_34 = arith.muli %arg1, %mul3A_33 : i32
    "tpu.region"() ({
      %run_scoped3A = tpu.sem_alloc : memref<!tpu.dma_semaphore, #tpu.memory_space<semaphore_mem>>
      %dma_start3A_35 = arith.constant 0 : i32
      %dma_start3A_36 = tpu.memref_slice %arg5[%arg0, %mul3A_34, %dma_start3A_35] : memref<2x10240x128xf32, #tpu.memory_space<hbm>> -> memref<1x640x128xf32, #tpu.memory_space<hbm>>
      %dma_start3A_37 = tpu.memref_squeeze %dma_start3A_36 : memref<1x640x128xf32, #tpu.memory_space<hbm>> -> memref<640x128xf32, #tpu.memory_space<hbm>>
      %dma_start3A_38 = arith.constant 0 : i32
      %dma_start3A_39 = tpu.memref_slice %arg11[%mul3A_32, %dma_start3A_38] : memref<10240x128xf32, #tpu.memory_space<vmem_shared>> -> memref<640x128xf32, #tpu.memory_space<vmem_shared>>
      tpu.enqueue_dma source(%dma_start3A_39 : memref<640x128xf32, #tpu.memory_space<vmem_shared>>) target(%dma_start3A_37 : memref<640x128xf32, #tpu.memory_space<hbm>>) target_semaphore(%run_scoped3A : memref<!tpu.dma_semaphore, #tpu.memory_space<semaphore_mem>>)
      %dma_wait3A = arith.constant 0 : i32
      %dma_wait3A_40 = tpu.memref_slice %arg5[%arg0, %mul3A_34, %dma_wait3A] : memref<2x10240x128xf32, #tpu.memory_space<hbm>> -> memref<1x640x128xf32, #tpu.memory_space<hbm>>
      %dma_wait3A_41 = tpu.memref_squeeze %dma_wait3A_40 : memref<1x640x128xf32, #tpu.memory_space<hbm>> -> memref<640x128xf32, #tpu.memory_space<hbm>>
      %dma_wait3A_42 = arith.constant 0 : i32
      %dma_wait3A_43 = tpu.memref_slice %arg11[%mul3A_32, %dma_wait3A_42] : memref<10240x128xf32, #tpu.memory_space<vmem_shared>> -> memref<640x128xf32, #tpu.memory_space<vmem_shared>>
      tpu.wait_dma2 semaphore(%run_scoped3A : memref<!tpu.dma_semaphore, #tpu.memory_space<semaphore_mem>>) src(%dma_wait3A_43 : memref<640x128xf32, #tpu.memory_space<vmem_shared>>) dst(%dma_wait3A_41 : memref<640x128xf32, #tpu.memory_space<hbm>>)
      tpu.yield
    }) : () -> ()
    return
  }
}

module attributes {stable_mosaic.version = 14 : i64} {
  func.func @_mm_body(%arg0: memref<10000x128xf32, #tpu.memory_space<vmem>>, %arg1: memref<128x128xf32, #tpu.memory_space<vmem>>, %arg2: memref<10000x128xf32, #tpu.memory_space<vmem>>) attributes {dimension_semantics = [], scalar_prefetch = 0 : i64, scratch_operands = 0 : i64, tpu.core_type = #tpu.core_type<tc>} {
    %get3A = arith.constant 0 : index
    %get3A_0 = arith.constant 0 : index
    %get3A_1 = vector.load %arg0[%get3A, %get3A_0] : memref<10000x128xf32, #tpu.memory_space<vmem>>, vector<10000x128xf32>
    %get3A_2 = arith.constant 0 : index
    %get3A_3 = arith.constant 0 : index
    %get3A_4 = vector.load %arg1[%get3A_2, %get3A_3] : memref<128x128xf32, #tpu.memory_space<vmem>>, vector<128x128xf32>
    %dot_general3A = arith.constant dense<0.000000e+00> : vector<10000x128xf32>
    %dot_general3A_5 = tpu.matmul %get3A_1, %get3A_4, %dot_general3A {dimension_numbers = #tpu.dot_dimension_numbers<[1], [0], [0], [1], [0, 0, 1, 1], [], []>, transpose_lhs_hint = false} : vector<10000x128xf32>, vector<128x128xf32>, vector<10000x128xf32> -> vector<10000x128xf32>
    %swap3A = arith.constant 0 : index
    %swap3A_6 = arith.constant 0 : index
    %swap3A_7 = vector.load %arg2[%swap3A, %swap3A_6] : memref<10000x128xf32, #tpu.memory_space<vmem>>, vector<10000x128xf32>
    tpu.vector_store %arg2[%swap3A, %swap3A_6], %dot_general3A_5 {strides = array<i32>} : memref<10000x128xf32, #tpu.memory_space<vmem>>, vector<10000x128xf32>,
    return
  }
}

module attributes {stable_mosaic.version = 14 : i64} {
  func.func @_scale_body(%arg0: memref<10000x128xf32, #tpu.memory_space<vmem>>, %arg1: memref<10000x1xf32, #tpu.memory_space<vmem>>, %arg2: memref<10000x1xf32, #tpu.memory_space<vmem>>, %arg3: memref<10000x1xf32, #tpu.memory_space<vmem>>, %arg4: memref<10000x128xf32, #tpu.memory_space<vmem>>) attributes {dimension_semantics = [], scalar_prefetch = 0 : i64, scratch_operands = 0 : i64, tpu.core_type = #tpu.core_type<tc>} {
    %get3A = arith.constant 0 : index
    %get3A_0 = arith.constant 0 : index
    %get3A_1 = vector.load %arg1[%get3A, %get3A_0] : memref<10000x1xf32, #tpu.memory_space<vmem>>, vector<10000x1xf32>
    %get3A_2 = arith.constant 0 : index
    %get3A_3 = arith.constant 0 : index
    %get3A_4 = vector.load %arg2[%get3A_2, %get3A_3] : memref<10000x1xf32, #tpu.memory_space<vmem>>, vector<10000x1xf32>
    %add3A = arith.addf %get3A_1, %get3A_4 : vector<10000x1xf32>
    %add3A_5 = arith.constant 1.000000e+00 : f32
    %add3A_6 = vector.broadcast %add3A_5 : f32 to vector<10000x1xf32>
    %add3A_7 = arith.addf %add3A, %add3A_6 : vector<10000x1xf32>
    %rsqrt3A = math.rsqrt %add3A_7 : vector<10000x1xf32>
    %swap3A = arith.constant 0 : index
    %swap3A_8 = arith.constant 0 : index
    %swap3A_9 = vector.load %arg3[%swap3A, %swap3A_8] : memref<10000x1xf32, #tpu.memory_space<vmem>>, vector<10000x1xf32>
    tpu.vector_store %arg3[%swap3A, %swap3A_8], %rsqrt3A {strides = array<i32>} : memref<10000x1xf32, #tpu.memory_space<vmem>>, vector<10000x1xf32>,
    %get3A_10 = arith.constant 0 : index
    %get3A_11 = arith.constant 0 : index
    %get3A_12 = vector.load %arg0[%get3A_10, %get3A_11] : memref<10000x128xf32, #tpu.memory_space<vmem>>, vector<10000x128xf32>
    %mul3A = vector.broadcast %rsqrt3A : vector<10000x1xf32> to vector<10000x128xf32>
    %mul3A_13 = arith.mulf %get3A_12, %mul3A : vector<10000x128xf32>
    %swap3A_14 = arith.constant 0 : index
    %swap3A_15 = arith.constant 0 : index
    %swap3A_16 = vector.load %arg4[%swap3A_14, %swap3A_15] : memref<10000x128xf32, #tpu.memory_space<vmem>>, vector<10000x128xf32>
    tpu.vector_store %arg4[%swap3A_14, %swap3A_15], %mul3A_13 {strides = array<i32>} : memref<10000x128xf32, #tpu.memory_space<vmem>>, vector<10000x128xf32>,
    return
  }
}

module attributes {stable_mosaic.version = 14 : i64} {
  func.func @_mid_body(%arg0: memref<2x10240x128xf32, #tpu.memory_space<vmem>>, %arg1: memref<10000x128xf32, #tpu.memory_space<vmem>>, %arg2: memref<10000x1xf32, #tpu.memory_space<vmem>>, %arg3: memref<1x128xf32, #tpu.memory_space<vmem>>, %arg4: memref<1x128xf32, #tpu.memory_space<vmem>>, %arg5: memref<1x128xf32, #tpu.memory_space<vmem>>, %arg6: memref<128x128xf32, #tpu.memory_space<vmem>>, %arg7: memref<10000x128xf32, #tpu.memory_space<vmem>>) attributes {dimension_semantics = [], scalar_prefetch = 0 : i64, scratch_operands = 0 : i64, tpu.core_type = #tpu.core_type<tc>} {
    %get3A = arith.constant 0 : index
    %get3A_0 = arith.constant 0 : index
    %get3A_1 = arith.constant 0 : index
    %get3A_2 = vector.load %arg0[%get3A, %get3A_0, %get3A_1] : memref<2x10240x128xf32, #tpu.memory_space<vmem>>, vector<1x10000x128xf32>
    %get3A_3 = vector.shape_cast %get3A_2 : vector<1x10000x128xf32> to vector<10000x128xf32>
    %get3A_4 = arith.constant 1 : index
    %get3A_5 = arith.constant 0 : index
    %get3A_6 = arith.constant 0 : index
    %get3A_7 = vector.load %arg0[%get3A_4, %get3A_5, %get3A_6] : memref<2x10240x128xf32, #tpu.memory_space<vmem>>, vector<1x10000x128xf32>
    %get3A_8 = vector.shape_cast %get3A_7 : vector<1x10000x128xf32> to vector<10000x128xf32>
    %add3A = arith.addf %get3A_3, %get3A_8 : vector<10000x128xf32>
    %get3A_9 = arith.constant 0 : index
    %get3A_10 = arith.constant 0 : index
    %get3A_11 = vector.load %arg2[%get3A_9, %get3A_10] : memref<10000x1xf32, #tpu.memory_space<vmem>>, vector<10000x1xf32>
    %get3A_12 = arith.constant 0 : index
    %get3A_13 = arith.constant 0 : index
    %get3A_14 = vector.load %arg1[%get3A_12, %get3A_13] : memref<10000x128xf32, #tpu.memory_space<vmem>>, vector<10000x128xf32>
    %add3A_15 = arith.addf %add3A, %get3A_14 : vector<10000x128xf32>
    %mul3A = vector.broadcast %get3A_11 : vector<10000x1xf32> to vector<10000x128xf32>
    %mul3A_16 = arith.mulf %mul3A, %add3A_15 : vector<10000x128xf32>
    %get3A_17 = arith.constant 0 : index
    %get3A_18 = arith.constant 0 : index
    %get3A_19 = vector.load %arg3[%get3A_17, %get3A_18] : memref<1x128xf32, #tpu.memory_space<vmem>>, vector<1x128xf32>
    %add3A_20 = vector.broadcast %get3A_19 : vector<1x128xf32> to vector<10000x128xf32>
    %add3A_21 = arith.addf %mul3A_16, %add3A_20 : vector<10000x128xf32>
    %get3A_22 = arith.constant 0 : index
    %get3A_23 = arith.constant 0 : index
    %get3A_24 = vector.load %arg4[%get3A_22, %get3A_23] : memref<1x128xf32, #tpu.memory_space<vmem>>, vector<1x128xf32>
    %get3A_25 = arith.constant 0 : index
    %get3A_26 = arith.constant 0 : index
    %get3A_27 = vector.load %arg5[%get3A_25, %get3A_26] : memref<1x128xf32, #tpu.memory_space<vmem>>, vector<1x128xf32>
    %reduce_sum3A = arith.constant dense<0.000000e+00> : vector<128xf32>
    %reduce_sum3A_28 = vector.multi_reduction <add>, %add3A_21, %reduce_sum3A [0] : vector<10000x128xf32> to vector<128xf32>
    %broadcast_in_dim3A = vector.shape_cast %reduce_sum3A_28 : vector<128xf32> to vector<1x128xf32>
    %div3A = arith.constant 1.000000e+04 : f32
    %div3A_29 = vector.broadcast %div3A : f32 to vector<1x128xf32>
    %div3A_30 = arith.divf %broadcast_in_dim3A, %div3A_29 : vector<1x128xf32>
    %sub3A = vector.broadcast %div3A_30 : vector<1x128xf32> to vector<10000x128xf32>
    %sub3A_31 = arith.subf %add3A_21, %sub3A : vector<10000x128xf32>
    %integer_pow3A = arith.mulf %sub3A_31, %sub3A_31 : vector<10000x128xf32>
    %reduce_sum3A_32 = arith.constant dense<0.000000e+00> : vector<128xf32>
    %reduce_sum3A_33 = vector.multi_reduction <add>, %integer_pow3A, %reduce_sum3A_32 [0] : vector<10000x128xf32> to vector<128xf32>
    %broadcast_in_dim3A_34 = vector.shape_cast %reduce_sum3A_33 : vector<128xf32> to vector<1x128xf32>
    %div3A_35 = arith.constant 1.000000e+04 : f32
    %div3A_36 = vector.broadcast %div3A_35 : f32 to vector<1x128xf32>
    %div3A_37 = arith.divf %broadcast_in_dim3A_34, %div3A_36 : vector<1x128xf32>
    %sub3A_38 = vector.broadcast %div3A_30 : vector<1x128xf32> to vector<10000x128xf32>
    %sub3A_39 = arith.subf %add3A_21, %sub3A_38 : vector<10000x128xf32>
    %mul3A_40 = vector.broadcast %get3A_24 : vector<1x128xf32> to vector<10000x128xf32>
    %mul3A_41 = arith.mulf %mul3A_40, %sub3A_39 : vector<10000x128xf32>
    %add3A_42 = arith.constant 9.99999974E-6 : f32
    %add3A_43 = vector.broadcast %add3A_42 : f32 to vector<1x128xf32>
    %add3A_44 = arith.addf %div3A_37, %add3A_43 : vector<1x128xf32>
    %rsqrt3A = math.rsqrt %add3A_44 : vector<1x128xf32>
    %mul3A_45 = vector.broadcast %rsqrt3A : vector<1x128xf32> to vector<10000x128xf32>
    %mul3A_46 = arith.mulf %mul3A_41, %mul3A_45 : vector<10000x128xf32>
    %add3A_47 = vector.broadcast %get3A_27 : vector<1x128xf32> to vector<10000x128xf32>
    %add3A_48 = arith.addf %mul3A_46, %add3A_47 : vector<10000x128xf32>
    %max3A = arith.constant 0.000000e+00 : f32
    %max3A_49 = vector.broadcast %max3A : f32 to vector<10000x128xf32>
    %max3A_50 = arith.maximumf %add3A_48, %max3A_49 : vector<10000x128xf32>
    %get3A_51 = arith.constant 0 : index
    %get3A_52 = arith.constant 0 : index
    %get3A_53 = vector.load %arg6[%get3A_51, %get3A_52] : memref<128x128xf32, #tpu.memory_space<vmem>>, vector<128x128xf32>
    %dot_general3A = arith.constant dense<0.000000e+00> : vector<10000x128xf32>
    %dot_general3A_54 = tpu.matmul %max3A_50, %get3A_53, %dot_general3A {dimension_numbers = #tpu.dot_dimension_numbers<[1], [0], [0], [1], [0, 0, 1, 1], [], []>, transpose_lhs_hint = false} : vector<10000x128xf32>, vector<128x128xf32>, vector<10000x128xf32> -> vector<10000x128xf32>
    %get3A_55 = arith.constant 0 : index
    %get3A_56 = arith.constant 0 : index
    %get3A_57 = vector.load %arg2[%get3A_55, %get3A_56] : memref<10000x1xf32, #tpu.memory_space<vmem>>, vector<10000x1xf32>
    %mul3A_58 = vector.broadcast %get3A_57 : vector<10000x1xf32> to vector<10000x128xf32>
    %mul3A_59 = arith.mulf %dot_general3A_54, %mul3A_58 : vector<10000x128xf32>
    %swap3A = arith.constant 0 : index
    %swap3A_60 = arith.constant 0 : index
    %swap3A_61 = vector.load %arg7[%swap3A, %swap3A_60] : memref<10000x128xf32, #tpu.memory_space<vmem>>, vector<10000x128xf32>
    tpu.vector_store %arg7[%swap3A, %swap3A_60], %mul3A_59 {strides = array<i32>} : memref<10000x128xf32, #tpu.memory_space<vmem>>, vector<10000x128xf32>,
    return
  }
}

module attributes {stable_mosaic.version = 14 : i64} {
  func.func @_final_body(%arg0: memref<2x10240x128xf32, #tpu.memory_space<vmem>>, %arg1: memref<10000x128xf32, #tpu.memory_space<vmem>>, %arg2: memref<10000x1xf32, #tpu.memory_space<vmem>>, %arg3: memref<1x128xf32, #tpu.memory_space<vmem>>, %arg4: memref<1x128xf32, #tpu.memory_space<vmem>>, %arg5: memref<1x128xf32, #tpu.memory_space<vmem>>, %arg6: memref<10000x128xf32, #tpu.memory_space<vmem>>, %arg7: memref<10000x128xf32, #tpu.memory_space<vmem>>) attributes {dimension_semantics = [], scalar_prefetch = 0 : i64, scratch_operands = 0 : i64, tpu.core_type = #tpu.core_type<tc>} {
    %get3A = arith.constant 0 : index
    %get3A_0 = arith.constant 0 : index
    %get3A_1 = arith.constant 0 : index
    %get3A_2 = vector.load %arg0[%get3A, %get3A_0, %get3A_1] : memref<2x10240x128xf32, #tpu.memory_space<vmem>>, vector<1x10000x128xf32>
    %get3A_3 = vector.shape_cast %get3A_2 : vector<1x10000x128xf32> to vector<10000x128xf32>
    %get3A_4 = arith.constant 1 : index
    %get3A_5 = arith.constant 0 : index
    %get3A_6 = arith.constant 0 : index
    %get3A_7 = vector.load %arg0[%get3A_4, %get3A_5, %get3A_6] : memref<2x10240x128xf32, #tpu.memory_space<vmem>>, vector<1x10000x128xf32>
    %get3A_8 = vector.shape_cast %get3A_7 : vector<1x10000x128xf32> to vector<10000x128xf32>
    %add3A = arith.addf %get3A_3, %get3A_8 : vector<10000x128xf32>
    %get3A_9 = arith.constant 0 : index
    %get3A_10 = arith.constant 0 : index
    %get3A_11 = vector.load %arg2[%get3A_9, %get3A_10] : memref<10000x1xf32, #tpu.memory_space<vmem>>, vector<10000x1xf32>
    %get3A_12 = arith.constant 0 : index
    %get3A_13 = arith.constant 0 : index
    %get3A_14 = vector.load %arg1[%get3A_12, %get3A_13] : memref<10000x128xf32, #tpu.memory_space<vmem>>, vector<10000x128xf32>
    %add3A_15 = arith.addf %add3A, %get3A_14 : vector<10000x128xf32>
    %mul3A = vector.broadcast %get3A_11 : vector<10000x1xf32> to vector<10000x128xf32>
    %mul3A_16 = arith.mulf %mul3A, %add3A_15 : vector<10000x128xf32>
    %get3A_17 = arith.constant 0 : index
    %get3A_18 = arith.constant 0 : index
    %get3A_19 = vector.load %arg3[%get3A_17, %get3A_18] : memref<1x128xf32, #tpu.memory_space<vmem>>, vector<1x128xf32>
    %add3A_20 = vector.broadcast %get3A_19 : vector<1x128xf32> to vector<10000x128xf32>
    %add3A_21 = arith.addf %mul3A_16, %add3A_20 : vector<10000x128xf32>
    %get3A_22 = arith.constant 0 : index
    %get3A_23 = arith.constant 0 : index
    %get3A_24 = vector.load %arg4[%get3A_22, %get3A_23] : memref<1x128xf32, #tpu.memory_space<vmem>>, vector<1x128xf32>
    %get3A_25 = arith.constant 0 : index
    %get3A_26 = arith.constant 0 : index
    %get3A_27 = vector.load %arg5[%get3A_25, %get3A_26] : memref<1x128xf32, #tpu.memory_space<vmem>>, vector<1x128xf32>
    %reduce_sum3A = arith.constant dense<0.000000e+00> : vector<128xf32>
    %reduce_sum3A_28 = vector.multi_reduction <add>, %add3A_21, %reduce_sum3A [0] : vector<10000x128xf32> to vector<128xf32>
    %broadcast_in_dim3A = vector.shape_cast %reduce_sum3A_28 : vector<128xf32> to vector<1x128xf32>
    %div3A = arith.constant 1.000000e+04 : f32
    %div3A_29 = vector.broadcast %div3A : f32 to vector<1x128xf32>
    %div3A_30 = arith.divf %broadcast_in_dim3A, %div3A_29 : vector<1x128xf32>
    %sub3A = vector.broadcast %div3A_30 : vector<1x128xf32> to vector<10000x128xf32>
    %sub3A_31 = arith.subf %add3A_21, %sub3A : vector<10000x128xf32>
    %integer_pow3A = arith.mulf %sub3A_31, %sub3A_31 : vector<10000x128xf32>
    %reduce_sum3A_32 = arith.constant dense<0.000000e+00> : vector<128xf32>
    %reduce_sum3A_33 = vector.multi_reduction <add>, %integer_pow3A, %reduce_sum3A_32 [0] : vector<10000x128xf32> to vector<128xf32>
    %broadcast_in_dim3A_34 = vector.shape_cast %reduce_sum3A_33 : vector<128xf32> to vector<1x128xf32>
    %div3A_35 = arith.constant 1.000000e+04 : f32
    %div3A_36 = vector.broadcast %div3A_35 : f32 to vector<1x128xf32>
    %div3A_37 = arith.divf %broadcast_in_dim3A_34, %div3A_36 : vector<1x128xf32>
    %sub3A_38 = vector.broadcast %div3A_30 : vector<1x128xf32> to vector<10000x128xf32>
    %sub3A_39 = arith.subf %add3A_21, %sub3A_38 : vector<10000x128xf32>
    %mul3A_40 = vector.broadcast %get3A_24 : vector<1x128xf32> to vector<10000x128xf32>
    %mul3A_41 = arith.mulf %mul3A_40, %sub3A_39 : vector<10000x128xf32>
    %add3A_42 = arith.constant 9.99999974E-6 : f32
    %add3A_43 = vector.broadcast %add3A_42 : f32 to vector<1x128xf32>
    %add3A_44 = arith.addf %div3A_37, %add3A_43 : vector<1x128xf32>
    %rsqrt3A = math.rsqrt %add3A_44 : vector<1x128xf32>
    %mul3A_45 = vector.broadcast %rsqrt3A : vector<1x128xf32> to vector<10000x128xf32>
    %mul3A_46 = arith.mulf %mul3A_41, %mul3A_45 : vector<10000x128xf32>
    %add3A_47 = vector.broadcast %get3A_27 : vector<1x128xf32> to vector<10000x128xf32>
    %add3A_48 = arith.addf %mul3A_46, %add3A_47 : vector<10000x128xf32>
    %max3A = arith.constant 0.000000e+00 : f32
    %max3A_49 = vector.broadcast %max3A : f32 to vector<10000x128xf32>
    %max3A_50 = arith.maximumf %add3A_48, %max3A_49 : vector<10000x128xf32>
    %get3A_51 = arith.constant 0 : index
    %get3A_52 = arith.constant 0 : index
    %get3A_53 = vector.load %arg6[%get3A_51, %get3A_52] : memref<10000x128xf32, #tpu.memory_space<vmem>>, vector<10000x128xf32>
    %add3A_54 = arith.addf %max3A_50, %get3A_53 : vector<10000x128xf32>
    %mul3A_55 = arith.constant 0.707106769 : f32
    %mul3A_56 = vector.broadcast %mul3A_55 : f32 to vector<10000x128xf32>
    %mul3A_57 = arith.mulf %add3A_54, %mul3A_56 : vector<10000x128xf32>
    %swap3A = arith.constant 0 : index
    %swap3A_58 = arith.constant 0 : index
    %swap3A_59 = vector.load %arg7[%swap3A, %swap3A_58] : memref<10000x128xf32, #tpu.memory_space<vmem>>, vector<10000x128xf32>
    tpu.vector_store %arg7[%swap3A, %swap3A_58], %mul3A_57 {strides = array<i32>} : memref<10000x128xf32, #tpu.memory_space<vmem>>, vector<10000x128xf32>,
    return
  }
}

</mosaic_0001>

<sc_bundles>
// kernel: kernel.12.cloned.1.call-start
scs
__scs_entry_jumppad:
0x0: {  	(pc) =	sbr.rel $0x88, $3  }
0x1: {  	(tag) =	ssettag $0x0;
	lr =	simm.s32 $0x1  }
0x2: {  	[smem:$0x3F97] =	sst lr;
	_ =	strace $0xD0000000  }
0x3: {  	_ = 	snop  }
0x4: {  	_ = 	snop  }
0x5: {  	_ = 	snop  }
0x6: {  	_ = 	snop  }
0x7: {  	_ = 	snop  }
__scs_overlays_trampoline_lowered:
0x8: {  	[smem:$0x3FA6] =	sst s0  }
0x9: {  	[smem:$0x3FA7] =	sst s1  }
0xa: {  	[smem:$0x3FA8] =	sst s2  }
0xb: {  	[smem:$0x3FA9] =	sst s3  }
0xc: {  	[smem:$0x3FAA] =	sst s4  }
0xd: {  	[smem:$0x3FAB] =	sst s5  }
0xe: {  	[smem:$0x3FAC] =	sst s6  }
0xf: {  	[smem:$0x3FAD] =	sst s7  }
0x10: {  	[smem:$0x3FAE] =	sst s8  }
0x11: {  	[smem:$0x3FAF] =	sst s9;
	s0 =	simm.s32 @!p0 $0x0  }
0x12: {  	s1 =	sld [smem:$0x3F95];
	s0 =	simm.s32 @p0 $0x1  }
0x13: {  	[smem:$0x3FB0] =	sst s0;
	s0 =	simm.s32 @!p1 $0x0  }
0x14: {  	s2 =	sld [smem:$0x3F94];
	s0 =	simm.s32 @p1 $0x1  }
0x15: {  	[smem:$0x3FB1] =	sst s0;
	s0 =	simm.s32 @!p2 $0x0  }
0x16: {  	s3 =	sld [smem:$0x3FDB];
	s0 =	simm.s32 @p2 $0x1  }
0x17: {  	s4 =	simm.s32 $0x1BF5;
	[smem:$0x3FB3] =	sst s0  }
0x18: {  	s0 =	sld [smem:$0x3F96];
	_ =	swait.ge [sflag:s4], $0x0  }
0x19: {  	s7 =	sld [smem:$0x3F97]  }
0x1a: {  	s8 =	sadd.s32 $0xFFFFE003, lr  }
0x1b: {  	s9 =	sadd.s32 $0xFFFFFEF7, lr;
	s5 =	simm.s32 $0xFFFFFFFF;
	p2 =	slt.u32 s8, $0xFFFFF086  }
0x1c: {  	p1 =	slt.u32 s9, $0xF7A;
	s5 =	simm.s32 @!p2 $0x0  }
0x1d: {  	s5 =	simm.s32 @p1 $0x1;
	p0 =	seq.s32 s7, s2  }
0x1e: {  	s7 =	smul.u32 @!p0 $0xF7A, s2;
	p2 =	seq.s32 @!p0 s5, $0x0  }
0x1f: {  	s9 =	smul.u32 $0xF7A, s1;
	s8 =	simm.s32 @!p0 $0x1BF5;
	p2 =	por !p2, p0  }
0x20: {  	[sflag:s8] =	ssyncset.s32 @!p0 $0xFFFFF086;
	s6 =	sadd.s32 @!p0 s3, s7;
	s7 =	simm.s32 @!p0 $0x108  }
0x21: {  	s3 =	sadd.s32 s3, s9;
	s6 =	sadd.s32 @!p0 $0x88, s6;
	s7 =	simm.s32 @p2 $0x1082  }
0x22: {  	[simem:s7], [sflag:s8] =	dma.local @!p0 [hbm:s6], $0xF7A  }
0x23: {  	s9 =	sor.u32 $0xD0000000, s2;
	s6 =	simm.s32 $0x108;
	_ =	swait.ge @!p0 [sflag:s8], $0x0  }
0x24: {  	s3 =	sadd.s32 $0x88, s3;
	s6 =	simm.s32 @!p1 $0x1082;
	[sflag:s4] =	ssyncset.s32 $0xFFFFF086  }
0x25: {  	[simem:s6], [sflag:s4] =	dma.local [hbm:s3], $0xF7A  }
0x26: {  	[smem:$0x3F97] =	sst s1;
	(tag) =	ssettag s2;
	_ =	strace s9  }
0x27: {  	s1 =	sld [smem:$0x3FA7]  }
0x28: {  	s2 =	sld [smem:$0x3FA8]  }
0x29: {  	s4 =	sld [smem:$0x3FAA]  }
0x2a: {  	p0 =	seq.s32 s5, $0x0;
	s5 =	sld [smem:$0x3FAB]  }
0x2b: {  	s6 =	sld [smem:$0x3FAC]  }
0x2c: {  	s7 =	sld [smem:$0x3FAD]  }
0x2d: {  	s3 =	simm.s32 $0x108;
	s8 =	sld [smem:$0x3FAE]  }
0x2e: {  	s3 =	simm.s32 @!p0 $0x1082;
	s9 =	sld [smem:$0x3FAF]  }
0x2f: {  	lr =	sadd.s32 s0, s3;
	s0 =	sld [smem:$0x3FA6]  }
0x30: {  	s3 =	sld [smem:$0x3FA9]  }
0x31: {  	[smem:$0x3FB2] =	sst s10  }
0x32: {  	s10 =	sld [smem:$0x3FB0];
	_ =	sdelay $0x3  }
0x33: {  	p0 =	seq.s32 s10, $0x1;
	s10 =	sld [smem:$0x3FB2];
	_ =	sdelay $0x3  }
0x34: {  	[smem:$0x3FB2] =	sst s10  }
0x35: {  	s10 =	sld [smem:$0x3FB1];
	_ =	sdelay $0x3  }
0x36: {  	p1 =	seq.s32 s10, $0x1;
	s10 =	sld [smem:$0x3FB2];
	_ =	sdelay $0x3  }
0x37: {  	[smem:$0x3FB2] =	sst s10  }
0x38: {  	s10 =	sld [smem:$0x3FB3]  }
0x39: {  	_ = 	snop;
	(pc) =	sbr.ind lr, $3  }
0x3a: {  	_ = 	snop  }
0x3b: {  	_ = 	snop  }
0x3c: {  	p2 =	seq.s32 s10, $0x1;
	s10 =	sld [smem:$0x3FB2]  }
0x3d: {  	_ =	shalt  }
0x3e: {  	_ =	shalt  }
0x3f: {  	_ =	shalt  }
0x40: {  	_ =	shalt  }
0x41: {  	_ =	shalt  }
0x42: {  	_ =	shalt  }
0x43: {  	_ =	shalt  }
0x44: {  	_ =	shalt  }
0x45: {  	_ =	shalt  }
0x46: {  	_ =	shalt  }
0x47: {  	_ =	shalt  }
0x48: {  	_ =	shalt  }
0x49: {  	_ =	shalt  }
0x4a: {  	_ =	shalt  }
0x4b: {  	_ =	shalt  }
0x4c: {  	_ =	shalt  }
0x4d: {  	_ =	shalt  }
0x4e: {  	_ =	shalt  }
0x4f: {  	_ =	shalt  }
0x50: {  	_ =	shalt  }
0x51: {  	_ =	shalt  }
0x52: {  	_ =	shalt  }
0x53: {  	_ =	shalt  }
0x54: {  	_ =	shalt  }
0x55: {  	_ =	shalt  }
0x56: {  	_ =	shalt  }
0x57: {  	_ =	shalt  }
0x58: {  	_ =	shalt  }
0x59: {  	_ =	shalt  }
0x5a: {  	_ =	shalt  }
0x5b: {  	_ =	shalt  }
0x5c: {  	_ =	shalt  }
0x5d: {  	_ =	shalt  }
0x5e: {  	_ =	shalt  }
0x5f: {  	_ =	shalt  }
0x60: {  	_ =	shalt  }
0x61: {  	_ =	shalt  }
0x62: {  	_ =	shalt  }
0x63: {  	_ =	shalt  }
0x64: {  	_ =	shalt  }
0x65: {  	_ =	shalt  }
0x66: {  	_ =	shalt  }
0x67: {  	_ =	shalt  }
0x68: {  	_ =	shalt  }
0x69: {  	_ =	shalt  }
0x6a: {  	_ =	shalt  }
0x6b: {  	_ =	shalt  }
0x6c: {  	_ =	shalt  }
0x6d: {  	_ =	shalt  }
0x6e: {  	_ =	shalt  }
0x6f: {  	_ =	shalt  }
0x70: {  	_ =	shalt  }
0x71: {  	_ =	shalt  }
0x72: {  	_ =	shalt  }
0x73: {  	_ =	shalt  }
0x74: {  	_ =	shalt  }
0x75: {  	_ =	shalt  }
0x76: {  	_ =	shalt  }
0x77: {  	_ =	shalt  }
0x78: {  	_ =	shalt  }
0x79: {  	_ =	shalt  }
0x7a: {  	_ =	shalt  }
0x7b: {  	_ =	shalt  }
0x7c: {  	_ =	shalt  }
0x7d: {  	_ =	shalt  }
0x7e: {  	_ =	shalt  }
0x7f: {  	_ =	shalt  }
0x80: {  	_ =	shalt  }
0x81: {  	_ =	shalt  }
0x82: {  	_ =	shalt  }
0x83: {  	_ =	shalt  }
0x84: {  	_ =	shalt  }
0x85: {  	_ =	shalt  }
0x86: {  	_ =	shalt  }
0x87: {  	_ =	shalt  }
.Lfunc_end0:
.L_simem_size_0:
called_computation.1_lowered:
.L_overlay_start_0:
0x88: {  	s2 =	sld [smem:$0x3FD9]  }
0x89: {  	s3 =	sld [smem:$0x3FFE];
	_ =	sdelay $0x1  }
0x8a: {  	s1 =	srdreg.scid  }
0x8b: {  	s0 =	sand.u32 $0x1, s1  }
0x8c: {  	s17 =	sshll.u32 s0, $0xA;
	s2 =	sadd.s32 s3, s2  }
0x8d: {  	s2 =	sadd.s32 s2, s17  }
0x8e: {  	[smem:$0x3FBE] =	sst s2  }
0x8f: {  	_ = 	snop  }
0x90: {  	s2 =	sld [smem:$0x3FD0];
	(tm) =	ssettm $0x1  }
0x91: {  	s18 =	sld [smem:$0x3FFB];
	_ =	sdelay $0x3  }
0x92: {  	_ =	strace s18  }
0x93: {  	s3 =	sld [smem:$0x3FFC];
	_ =	sdelay $0x3  }
0x94: {  	_ =	strace s3  }
0x95: {  	s3 =	sld [smem:$0x3FFD];
	_ =	sdelay $0x3  }
0x96: {  	_ =	strace s3  }
0x97: {  	_ =	strace $0x8FFFFFFF  }
0x98: {  	s19 =	sld [smem:$0x3FDB];
	_ =	sdelay $0x1  }
0x99: {  	s4 =	simm.s32 $_scs_section_size  }
0x9a: {  	s5 =	simm.s32 $_size__tile_overlayer_lowered;
	s6 =	simm.s32 $_tile_overlayer_lowered  }
0x9b: {  	s22 =	simm.s32 $0x1BFF;
	s21 =	sshll.u32 s6, $0x1;
	s3 =	sadd.s32 s4, s19  }
0x9c: {  	s7 =	simm.s32 $0x0;
	s20 =	sshll.u32 s5, $0x1;
	s5 =	sadd.s32 s21, s3  }
0x9d: {  	[timem:s7], [sflag:s22] =	dma.local [hbm:s5], s20  }
0x9e: {  	_ =	swait.ge [sflag:s22], s20  }
0x9f: {  	s4 =	ssub.s32 $0x0, s20;
	[sflag:s22] =	ssyncset.done $0x0  }
0xa0: {  	[sflag:s22] =	ssyncadd.s32 s4;
	_ =	sdelay $0x1  }
0xa1: {  	s23 =	simm.s32 $0x1B8B  }
0xa2: {  	_ =	swait.ge [sflag:s23], $0x1  }
0xa3: {  	[sflag:s23] =	ssyncset.done $0x0  }
0xa4: {  	s25 =	simm.s32 $0x1B8E;
	s24 =	sld [smem:$0x3FFE];
	[sflag:s23] =	ssyncadd.s32 $0xFFFFFFFF  }
0xa5: {  	s26 =	simm.s32 $execute0_lowered;
	[smem:$0x3FD2] =	sst s25  }
0xa6: {  	s5 =	sshll.u32 s26, $0x1;
	_ =	strace $0x80000049;
	[dreg:$0x1] =	wrdreg $0xFFFFFFFF  }
0xa7: {  	s28 =	simm.s32 $_size_execute0_lowered;
	s3 =	sadd.s32 s3, s5;
	[dreg:$0x0] =	wrdreg $0x0  }
0xa8: {  	s5 =	sshll.u32 s28, $0x1;
	[dreg:$0x2] =	wrdreg s3  }
0xa9: {  	[dreg:$0x3] =	wrdreg s5  }
0xaa: {  	[dreg:$0x4] =	wrdreg $0xC0  }
0xab: {  	_ =	task [dreg:s7], $0x5FFFF  }
0xac: {  	[dreg:$0x1] =	wrdreg $0xFFFFFFFF  }
0xad: {  	[dreg:$0x0] =	wrdreg $0x60  }
0xae: {  	[dreg:$0x2] =	wrdreg s2  }
0xaf: {  	[dreg:$0x3] =	wrdreg s24  }
0xb0: {  	[dreg:$0x4] =	wrdreg $0xBC000  }
0xb1: {  	[dreg:$0x5] =	wrdreg $0x9  }
0xb2: {  	_ =	task.clear_ibuf [dreg:s7], $0x6FFFF;
	_ =	strace $0x90000049  }
0xb3: {  	s29 =	simm.s32 $0x9;
	_ =	strace $0x8000004B  }
0xb4: {  	_ =	swait.ge [sflag:s29], $0x1  }
0xb5: {  	[sflag:s29] =	ssyncadd.s32 $0xFFFFFFFF  }
0xb6: {  	_ =	strace $0x9000004B  }
0xb7: {  	_ =	sfence  }
0xb8: {  	s30 =	sld [smem:$0x0];
	_ =	sdelay $0x2  }
0xb9: {  	s31 =	sshll.u32 s1, $0xD;
	s1 =	sshrl.u32 s1, $0x2  }
0xba: {  	s3 =	sand.u32 $0x4000, s31;
	s1 =	sadd.s32 s1, s30  }
0xbb: {  	s0 =	sor.u32 s3, s0;
	s1 =	sshll.u32 s1, $0x11  }
0xbc: {  	s0 =	sor.u32 s1, s0  }
0xbd: {  	s0 =	sadd.s32 $0x8F2B, s0  }
0xbe: {  	[sflag:s0] =	ssyncadd.remote.s32 $0x1  }
0xbf: {  	_ =	sfence.sel $0xFFFF  }
0xc0: {  	[dreg:$0x0] =	wrdreg $0xFFFFFFFF;
	(pc) =	sbr.abs _section_cstart, $3  }
0xc1: {  	[dreg:$0x1] =	wrdreg $0xFFFFFFFF  }
0xc2: {  	_ =	task.clear_ibuf [dreg:s7], $0x2FFFF;
	_ =	strace $0x9FFFFFFF  }
0xc3: {  	(tm) =	ssettm $0x7FFFFFFF  }
tec
execute0_lowered:
.L_overlay_start_1:
0x0: {  	(tag) =	ssettag $0x1  }
0x1: {  	s0 =	srdreg.scid;
	s1 =	rddreg [dreg:$0x0]  }
0x2: {  	s10 =	stileid.u32;
	s5 =	rddreg [dreg:$0x1]  }
0x3: {  	s3 =	rddreg [dreg:$0x2];
	s4 =	simm.s32 $0x0;
	s7 =	smul.u32 $0x14000, s10  }
0x4: {  	s0 =	sand.u32 $0x1, s0;
	[smem:$0x7FF] =	sst s4;
	s26 =	smul.u32 $0x50000, s10  }
0x5: {  	s2 =	sshll.u32 s0, $0x4;
	s6 =	smul.u32 $0x140000, s0;
	_ =	strace $0x8000004A  }
0x6: {  	s8 =	smul.u32 $0x5000, s0;
	s0 =	ssub.s32 $0x2, s0;
	s2 =	sor.u32 s10, s2  }
0x7: {  	s9 =	sshrl.u32 s0, $0x1;
	s2 =	smul.u32 $0x500, s2;
	s6 =	sadd.s32 s7, s6  }
0x8: {  	s8 =	sadd.s32 s8, s5;
	s0 =	ssub.s32 s0, s9;
	s7 =	sshrl.u32 s26, $0x2  }
0x9: {  	s6 =	sshrl.u32 s6, $0x3;
	s0 =	smax.u32 s0, $0x1;
	s2 =	sadd.s32 s2, s5  }
0xa: {  	s6 =	sadd.s32 s6, s5;
	[dreg:$0x6] =	wrdreg s0;
	s2 =	sadd.s32 $0x2A00, s2  }
0xb: {  	s5 =	sadd.s32 s7, s3;
	s9 =	sadd.s32 $0x16A00, s6;
	[dreg:$0x4] =	wrdreg s2  }
0xc: {  	s11 =	sadd.s32 $0x1000, s5;
	[dreg:$0x5] =	wrdreg s9  }
0xd: {  	s30 =	simm.s32 $0xAC00;
	s12 =	sadd.s32 $0x2000, s5;
	[dreg:$0x7] =	wrdreg s11  }
0xe: {  	s31 =	simm.s32 $0x3;
	s13 =	sadd.s32 $0x3000, s5;
	[dreg:$0x8] =	wrdreg s12  }
0xf: {  	s21 =	smul.u32 $0x500, s10;
	s14 =	sadd.s32 $0x4000, s5;
	[dreg:$0x9] =	wrdreg s13  }
0x10: {  	s10 =	simm.s32 $0x2880;
	s15 =	sadd.s32 $0x5000, s5;
	[dreg:$0xa] =	wrdreg s14  }
0x11: {  	s0 =	sadd.s32 s21, s8;
	s16 =	sadd.s32 $0x6000, s5;
	[dreg:$0xb] =	wrdreg s15  }
0x12: {  	s7 =	simm.s32 $0x2800;
	s17 =	sadd.s32 $0x7000, s5;
	[dreg:$0xc] =	wrdreg s16  }
0x13: {  	s8 =	simm.s32 $0x1;
	s18 =	sadd.s32 $0x8000, s5;
	[dreg:$0xd] =	wrdreg s17  }
0x14: {  	s19 =	sadd.s32 $0x9000, s5;
	s20 =	sadd.s32 $0xA000, s5;
	[dreg:$0xe] =	wrdreg s18  }
0x15: {  	s24 =	sadd.s32 $0xB000, s5;
	s25 =	sadd.s32 $0xC000, s5;
	[dreg:$0xf] =	wrdreg s19  }
0x16: {  	s26 =	sadd.s32 $0xD000, s5;
	s22 =	sadd.s32 $0xE000, s5;
	[dreg:$0x10] =	wrdreg s20  }
0x17: {  	s23 =	sadd.s32 $0xF000, s5;
	s28 =	sadd.s32 $0x12000, s5;
	[dreg:$0x11] =	wrdreg s24  }
0x18: {  	s29 =	sadd.s32 $0x13000, s5;
	s6 =	simm.s32 $0x6C00;
	[dreg:$0x12] =	wrdreg s25  }
.Ltmp0:
0x19: {  	[dreg:$0x13] =	wrdreg s26;
	s24 =	sadd.s32 $0x10000, s5;
	(pc) =	sbr.rel .LBB2_1-.Ltmp0, $4  }
0x1a: {  	s19 =	sadd.s32 $0xCA00, s0;
	s26 =	sadd.s32 $0x11000, s5;
	s2 =	simm.s32 $0x80  }
0x1b: {  	s0 =	simm.s32 $0x2C00;
	s9 =	simm.s32 $0x2;
	s11 =	simm.s32 $0x2900  }
0x1c: {  	s12 =	simm.s32 $0x2980;
	s13 =	simm.s32 $0x2A00;
	s14 =	simm.s32 $0x2A80  }
0x1d: {  	v0 =	vimm.f32 $0.0e+00;
	s15 =	simm.s32 $0x2B00;
	s16 =	simm.s32 $0x2B80;
	s17 =	simm.s32 $0x0  }
.LBB2_6:
0x1e: {  	_ =	swait.ge [sflag:s9], $0x4000  }
0x1f: {  	[sflag:s9] =	ssyncset.done $0x0  }
0x20: {  	[sflag:s9] =	ssyncadd.s32 $0xFFFFC000  }
0x21: {  	[spmem:s3] =	stream.indirect.scatter.add.f32 [tilespmem:s6], [sflag:$0x3], $0x80, s16, s2, $0xb8;
	[tilespmem:$0x1FC00] =	vst v63  }
0x22: {  	_ =	swait.ge [sflag:s31], $0x4000  }
0x23: {  	[sflag:s31] =	ssyncset.done $0x0  }
0x24: {  	s18 =	stileid.u32;
	[sflag:s31] =	ssyncadd.s32 $0xFFFFC000  }
0x25: {  	s18 =	sshll.u32 s18, $0x6;
	[bflag:$0x0] =	sbarrier.arrive $0xFFFF  }
0x26: {  	s20 =	sshrl.u32 s5, $0x3;
	s18 =	sor.u32 $0x1C03, s18;
	s21 =	rddreg [dreg:$0x5]  }
0x27: {  	[hbm:s21], [sflag:s18] =	dma.local [spmem:s20], $0x2800  }
0x28: {  	_ =	swait.ge [sflag:s31], $0x2800  }
0x29: {  	s17 =	sadd.s32 $0x1, s17;
	s25 =	rddreg [dreg:$0x6]  }
0x2a: {  	p0 =	sne.s32 s17, s25  }
.Ltmp1:
0x2b: {  	_ = 	snop;
	(pc) =	sbr.rel @!p0 .LBB2_7-.Ltmp1, $3  }
0x2c: {  	_ =	sdelay $0x1  }
0x2d: {  	[sflag:s31] =	ssyncset.done $0x0  }
0x2e: {  	[sflag:s31] =	ssyncadd.s32 $0xFFFFD800  }
.LBB2_1:
0x2f: {  	s18 =	simm.s32 $0x0;
	s20 =	simm.s32 $0x200  }
.LBB2_2:
0x30: {  	p0 =	sne.s32 s20, $0x3E00;
	[tilespmem:s18+$0xAC70] =	vst v0  }
0x31: {  	[tilespmem:s18+$0xAC00] =	vst v0  }
0x32: {  	[tilespmem:s18+$0xAC10] =	vst v0  }
.Ltmp2:
0x33: {  	[tilespmem:s18+$0xAC20] =	vst v0;
	(pc) =	sbr.rel @p0 .LBB2_2-.Ltmp2, $4  }
0x34: {  	[tilespmem:s18+$0xAC30] =	vst v0  }
0x35: {  	[tilespmem:s18+$0xAC40] =	vst v0  }
0x36: {  	[tilespmem:s18+$0xAC50] =	vst v0  }
0x37: {  	[tilespmem:s18+$0xAC60] =	vst v0;
	s18 =	sshra.s32 s20, $0x2;
	s20 =	sadd.s32 $0x200, s20  }
0x38: {  	[tilespmem:s18+$0xAC70] =	vst v0  }
0x39: {  	[tilespmem:s18+$0xAC00] =	vst v0  }
0x3a: {  	[tilespmem:s18+$0xAC10] =	vst v0  }
0x3b: {  	[tilespmem:s18+$0xAC20] =	vst v0  }
0x3c: {  	[tilespmem:s18+$0xAC30] =	vst v0  }
0x3d: {  	[tilespmem:s18+$0xAC40] =	vst v0  }
0x3e: {  	[tilespmem:s18+$0xAC50] =	vst v0  }
0x3f: {  	[tilespmem:s18+$0xAC60] =	vst v0  }
0x40: {  	[spmem:s5] =	stream.linear.scatter [tilespmem:s30], [sflag:$0x3], $0x1000, $0x38;
	[tilespmem:$0x1FC00] =	vst v63  }
0x41: {  	_ =	swait.ge [sflag:s31], $0x1000  }
0x42: {  	[sflag:s31] =	ssyncset.done $0x0  }
0x43: {  	s25 =	rddreg [dreg:$0x7];
	[sflag:s31] =	ssyncadd.s32 $0xFFFFF000  }
0x44: {  	[spmem:s25] =	stream.linear.scatter [tilespmem:s30], [sflag:$0x3], $0x1000, $0x38;
	[tilespmem:$0x1FC00] =	vst v63  }
0x45: {  	_ =	swait.ge [sflag:s31], $0x1000  }
0x46: {  	[sflag:s31] =	ssyncset.done $0x0  }
0x47: {  	s20 =	rddreg [dreg:$0x8];
	[sflag:s31] =	ssyncadd.s32 $0xFFFFF000  }
0x48: {  	[spmem:s20] =	stream.linear.scatter [tilespmem:s30], [sflag:$0x3], $0x1000, $0x38;
	[tilespmem:$0x1FC00] =	vst v63  }
0x49: {  	_ =	swait.ge [sflag:s31], $0x1000  }
0x4a: {  	[sflag:s31] =	ssyncset.done $0x0  }
0x4b: {  	s21 =	rddreg [dreg:$0x9];
	[sflag:s31] =	ssyncadd.s32 $0xFFFFF000  }
0x4c: {  	[spmem:s21] =	stream.linear.scatter [tilespmem:s30], [sflag:$0x3], $0x1000, $0x38;
	[tilespmem:$0x1FC00] =	vst v63  }
0x4d: {  	_ =	swait.ge [sflag:s31], $0x1000  }
0x4e: {  	[sflag:s31] =	ssyncset.done $0x0  }
0x4f: {  	s25 =	rddreg [dreg:$0xa];
	[sflag:s31] =	ssyncadd.s32 $0xFFFFF000  }
0x50: {  	[spmem:s25] =	stream.linear.scatter [tilespmem:s30], [sflag:$0x3], $0x1000, $0x38;
	[tilespmem:$0x1FC00] =	vst v63  }
0x51: {  	_ =	swait.ge [sflag:s31], $0x1000  }
0x52: {  	[sflag:s31] =	ssyncset.done $0x0  }
0x53: {  	s20 =	rddreg [dreg:$0xb];
	[sflag:s31] =	ssyncadd.s32 $0xFFFFF000  }
0x54: {  	[spmem:s20] =	stream.linear.scatter [tilespmem:s30], [sflag:$0x3], $0x1000, $0x38;
	[tilespmem:$0x1FC00] =	vst v63  }
0x55: {  	_ =	swait.ge [sflag:s31], $0x1000  }
0x56: {  	[sflag:s31] =	ssyncset.done $0x0  }
0x57: {  	s21 =	rddreg [dreg:$0xc];
	[sflag:s31] =	ssyncadd.s32 $0xFFFFF000  }
0x58: {  	[spmem:s21] =	stream.linear.scatter [tilespmem:s30], [sflag:$0x3], $0x1000, $0x38;
	[tilespmem:$0x1FC00] =	vst v63  }
0x59: {  	_ =	swait.ge [sflag:s31], $0x1000  }
0x5a: {  	[sflag:s31] =	ssyncset.done $0x0  }
0x5b: {  	s25 =	rddreg [dreg:$0xd];
	[sflag:s31] =	ssyncadd.s32 $0xFFFFF000  }
0x5c: {  	[spmem:s25] =	stream.linear.scatter [tilespmem:s30], [sflag:$0x3], $0x1000, $0x38;
	[tilespmem:$0x1FC00] =	vst v63  }
0x5d: {  	_ =	swait.ge [sflag:s31], $0x1000  }
0x5e: {  	[sflag:s31] =	ssyncset.done $0x0  }
0x5f: {  	s20 =	rddreg [dreg:$0xe];
	[sflag:s31] =	ssyncadd.s32 $0xFFFFF000  }
0x60: {  	[spmem:s20] =	stream.linear.scatter [tilespmem:s30], [sflag:$0x3], $0x1000, $0x38;
	[tilespmem:$0x1FC00] =	vst v63  }
0x61: {  	_ =	swait.ge [sflag:s31], $0x1000  }
0x62: {  	[sflag:s31] =	ssyncset.done $0x0  }
0x63: {  	s21 =	rddreg [dreg:$0xf];
	[sflag:s31] =	ssyncadd.s32 $0xFFFFF000  }
0x64: {  	[spmem:s21] =	stream.linear.scatter [tilespmem:s30], [sflag:$0x3], $0x1000, $0x38;
	[tilespmem:$0x1FC00] =	vst v63  }
0x65: {  	_ =	swait.ge [sflag:s31], $0x1000  }
0x66: {  	[sflag:s31] =	ssyncset.done $0x0  }
0x67: {  	s25 =	rddreg [dreg:$0x10];
	[sflag:s31] =	ssyncadd.s32 $0xFFFFF000  }
0x68: {  	[spmem:s25] =	stream.linear.scatter [tilespmem:s30], [sflag:$0x3], $0x1000, $0x38;
	[tilespmem:$0x1FC00] =	vst v63  }
0x69: {  	_ =	swait.ge [sflag:s31], $0x1000  }
0x6a: {  	[sflag:s31] =	ssyncset.done $0x0  }
0x6b: {  	s20 =	rddreg [dreg:$0x11];
	[sflag:s31] =	ssyncadd.s32 $0xFFFFF000  }
0x6c: {  	[spmem:s20] =	stream.linear.scatter [tilespmem:s30], [sflag:$0x3], $0x1000, $0x38;
	[tilespmem:$0x1FC00] =	vst v63  }
0x6d: {  	_ =	swait.ge [sflag:s31], $0x1000  }
0x6e: {  	[sflag:s31] =	ssyncset.done $0x0  }
0x6f: {  	s21 =	rddreg [dreg:$0x12];
	[sflag:s31] =	ssyncadd.s32 $0xFFFFF000  }
0x70: {  	[spmem:s21] =	stream.linear.scatter [tilespmem:s30], [sflag:$0x3], $0x1000, $0x38;
	[tilespmem:$0x1FC00] =	vst v63  }
0x71: {  	_ =	swait.ge [sflag:s31], $0x1000  }
0x72: {  	[sflag:s31] =	ssyncset.done $0x0  }
0x73: {  	s25 =	rddreg [dreg:$0x13];
	[sflag:s31] =	ssyncadd.s32 $0xFFFFF000  }
0x74: {  	[spmem:s25] =	stream.linear.scatter [tilespmem:s30], [sflag:$0x3], $0x1000, $0x38;
	[tilespmem:$0x1FC00] =	vst v63  }
0x75: {  	_ =	swait.ge [sflag:s31], $0x1000  }
0x76: {  	[sflag:s31] =	ssyncset.done $0x0  }
0x77: {  	[sflag:s31] =	ssyncadd.s32 $0xFFFFF000  }
0x78: {  	[spmem:s22] =	stream.linear.scatter [tilespmem:s30], [sflag:$0x3], $0x1000, $0x38;
	[tilespmem:$0x1FC00] =	vst v63  }
0x79: {  	_ =	swait.ge [sflag:s31], $0x1000  }
0x7a: {  	[sflag:s31] =	ssyncset.done $0x0  }
0x7b: {  	[sflag:s31] =	ssyncadd.s32 $0xFFFFF000  }
0x7c: {  	[spmem:s23] =	stream.linear.scatter [tilespmem:s30], [sflag:$0x3], $0x1000, $0x38;
	[tilespmem:$0x1FC00] =	vst v63  }
0x7d: {  	_ =	swait.ge [sflag:s31], $0x1000  }
0x7e: {  	[sflag:s31] =	ssyncset.done $0x0  }
0x7f: {  	[sflag:s31] =	ssyncadd.s32 $0xFFFFF000  }
0x80: {  	[spmem:s24] =	stream.linear.scatter [tilespmem:s30], [sflag:$0x3], $0x1000, $0x38;
	[tilespmem:$0x1FC00] =	vst v63  }
0x81: {  	_ =	swait.ge [sflag:s31], $0x1000  }
0x82: {  	[sflag:s31] =	ssyncset.done $0x0  }
0x83: {  	[sflag:s31] =	ssyncadd.s32 $0xFFFFF000  }
0x84: {  	[spmem:s26] =	stream.linear.scatter [tilespmem:s30], [sflag:$0x3], $0x1000, $0x38;
	[tilespmem:$0x1FC00] =	vst v63  }
0x85: {  	_ =	swait.ge [sflag:s31], $0x1000  }
0x86: {  	[sflag:s31] =	ssyncset.done $0x0  }
0x87: {  	[sflag:s31] =	ssyncadd.s32 $0xFFFFF000  }
0x88: {  	[spmem:s28] =	stream.linear.scatter [tilespmem:s30], [sflag:$0x3], $0x1000, $0x38;
	[tilespmem:$0x1FC00] =	vst v63  }
0x89: {  	_ =	swait.ge [sflag:s31], $0x1000  }
0x8a: {  	[sflag:s31] =	ssyncset.done $0x0  }
0x8b: {  	[sflag:s31] =	ssyncadd.s32 $0xFFFFF000  }
0x8c: {  	[spmem:s29] =	stream.linear.scatter [tilespmem:s30], [sflag:$0x3], $0x1000, $0x38;
	[tilespmem:$0x1FC00] =	vst v63  }
0x8d: {  	_ =	swait.ge [sflag:s31], $0x1000  }
0x8e: {  	[sflag:s31] =	ssyncset.done $0x0  }
0x8f: {  	s18 =	simm.s32 $0x0;
	s20 =	rddreg [dreg:$0x4];
	[sflag:s31] =	ssyncadd.s32 $0xFFFFF000  }
0x90: {  	[tilespmem:s18], [sflag:$0x3] =	stream.linear.gather [hbm4b:s20+s18], $0x2800, $0x38;
	[tilespmem:$0x1FC00] =	vst v63  }
0x91: {  	_ =	swait.ge [sflag:s31], $0x2800  }
0x92: {  	[sflag:s31] =	ssyncset.done $0x0  }
0x93: {  	[sflag:s31] =	ssyncadd.s32 $0xFFFFD800  }
0x94: {  	[bflag:$0x0] =	sbarrier.arrive $0xFFFF  }
0x95: {  	[tilespmem:s0], [sflag:$0x1] =	stream.indirect.gather [hbm4b:s1+s2], $0x80, s18, s2, $0xb8;
	[tilespmem:$0x1FC00] =	vst v63  }
0x96: {  	s25 =	smov.u32 s19  }
0x97: {  	[tilespmem:s6], [sflag:$0x2] =	stream.indirect.gather [hbm4b:s1+s2], $0x80, s2, s2, $0xb8;
	[tilespmem:$0x1FC00] =	vst v63  }
.LBB2_4:
0x98: {  	[tilespmem:s7], [sflag:$0x3] =	stream.linear.gather [hbm4b:s25+s4], $0x400, $0x38;
	[tilespmem:$0x1FC00] =	vst v63  }
0x99: {  	_ =	swait.ge [sflag:s31], $0x400  }
0x9a: {  	[sflag:s31] =	ssyncset.done $0x0  }
0x9b: {  	[sflag:s31] =	ssyncadd.s32 $0xFFFFFC00  }
0x9c: {  	_ =	swait.ge [sflag:s8], $0x4000  }
0x9d: {  	[sflag:s8] =	ssyncset.done $0x0  }
0x9e: {  	[sflag:s8] =	ssyncadd.s32 $0xFFFFC000  }
0x9f: {  	[spmem:s3] =	stream.indirect.scatter.add.f32 [tilespmem:s0], [sflag:$0x3], $0x80, s7, s2, $0xb8;
	[tilespmem:$0x1FC00] =	vst v63  }
0xa0: {  	_ =	swait.ge [sflag:s31], $0x4000  }
0xa1: {  	s20 =	sshra.s32 s18, $0x2;
	[sflag:s31] =	ssyncset.done $0x0  }
0xa2: {  	s21 =	sadd.s32 $0x100, s20;
	[sflag:s31] =	ssyncadd.s32 $0xFFFFC000  }
0xa3: {  	[tilespmem:s0], [sflag:$0x1] =	stream.indirect.gather [hbm4b:s1+s2], $0x80, s21, s2, $0xb8;
	[tilespmem:$0x1FC00] =	vst v63  }
0xa4: {  	_ =	swait.ge [sflag:s9], $0x4000  }
0xa5: {  	[sflag:s9] =	ssyncset.done $0x0  }
0xa6: {  	[sflag:s9] =	ssyncadd.s32 $0xFFFFC000  }
0xa7: {  	[spmem:s3] =	stream.indirect.scatter.add.f32 [tilespmem:s6], [sflag:$0x3], $0x80, s10, s2, $0xb8;
	[tilespmem:$0x1FC00] =	vst v63  }
0xa8: {  	_ =	swait.ge [sflag:s31], $0x4000  }
0xa9: {  	[sflag:s31] =	ssyncset.done $0x0  }
0xaa: {  	s21 =	sadd.s32 $0x180, s20;
	[sflag:s31] =	ssyncadd.s32 $0xFFFFC000  }
0xab: {  	[tilespmem:s6], [sflag:$0x2] =	stream.indirect.gather [hbm4b:s1+s2], $0x80, s21, s2, $0xb8;
	[tilespmem:$0x1FC00] =	vst v63  }
0xac: {  	_ =	swait.ge [sflag:s8], $0x4000  }
0xad: {  	[sflag:s8] =	ssyncset.done $0x0  }
0xae: {  	[sflag:s8] =	ssyncadd.s32 $0xFFFFC000  }
0xaf: {  	[spmem:s3] =	stream.indirect.scatter.add.f32 [tilespmem:s0], [sflag:$0x3], $0x80, s11, s2, $0xb8;
	[tilespmem:$0x1FC00] =	vst v63  }
0xb0: {  	_ =	swait.ge [sflag:s31], $0x4000  }
0xb1: {  	[sflag:s31] =	ssyncset.done $0x0  }
0xb2: {  	s21 =	sadd.s32 $0x200, s20;
	[sflag:s31] =	ssyncadd.s32 $0xFFFFC000  }
0xb3: {  	[tilespmem:s0], [sflag:$0x1] =	stream.indirect.gather [hbm4b:s1+s2], $0x80, s21, s2, $0xb8;
	[tilespmem:$0x1FC00] =	vst v63  }
0xb4: {  	_ =	swait.ge [sflag:s9], $0x4000  }
0xb5: {  	[sflag:s9] =	ssyncset.done $0x0  }
0xb6: {  	[sflag:s9] =	ssyncadd.s32 $0xFFFFC000  }
0xb7: {  	[spmem:s3] =	stream.indirect.scatter.add.f32 [tilespmem:s6], [sflag:$0x3], $0x80, s12, s2, $0xb8;
	[tilespmem:$0x1FC00] =	vst v63  }
0xb8: {  	_ =	swait.ge [sflag:s31], $0x4000  }
0xb9: {  	[sflag:s31] =	ssyncset.done $0x0  }
0xba: {  	s21 =	sadd.s32 $0x280, s20;
	[sflag:s31] =	ssyncadd.s32 $0xFFFFC000  }
0xbb: {  	[tilespmem:s6], [sflag:$0x2] =	stream.indirect.gather [hbm4b:s1+s2], $0x80, s21, s2, $0xb8;
	[tilespmem:$0x1FC00] =	vst v63  }
0xbc: {  	_ =	swait.ge [sflag:s8], $0x4000  }
0xbd: {  	[sflag:s8] =	ssyncset.done $0x0  }
0xbe: {  	[sflag:s8] =	ssyncadd.s32 $0xFFFFC000  }
0xbf: {  	[spmem:s3] =	stream.indirect.scatter.add.f32 [tilespmem:s0], [sflag:$0x3], $0x80, s13, s2, $0xb8;
	[tilespmem:$0x1FC00] =	vst v63  }
0xc0: {  	_ =	swait.ge [sflag:s31], $0x4000  }
0xc1: {  	[sflag:s31] =	ssyncset.done $0x0  }
0xc2: {  	s21 =	sadd.s32 $0x300, s20;
	[sflag:s31] =	ssyncadd.s32 $0xFFFFC000  }
0xc3: {  	[tilespmem:s0], [sflag:$0x1] =	stream.indirect.gather [hbm4b:s1+s2], $0x80, s21, s2, $0xb8;
	[tilespmem:$0x1FC00] =	vst v63  }
0xc4: {  	_ =	swait.ge [sflag:s9], $0x4000  }
0xc5: {  	[sflag:s9] =	ssyncset.done $0x0  }
0xc6: {  	[sflag:s9] =	ssyncadd.s32 $0xFFFFC000  }
0xc7: {  	[spmem:s3] =	stream.indirect.scatter.add.f32 [tilespmem:s6], [sflag:$0x3], $0x80, s14, s2, $0xb8;
	[tilespmem:$0x1FC00] =	vst v63  }
0xc8: {  	_ =	swait.ge [sflag:s31], $0x4000  }
0xc9: {  	[sflag:s31] =	ssyncset.done $0x0  }
0xca: {  	s21 =	sadd.s32 $0x380, s20;
	[sflag:s31] =	ssyncadd.s32 $0xFFFFC000  }
0xcb: {  	[tilespmem:s6], [sflag:$0x2] =	stream.indirect.gather [hbm4b:s1+s2], $0x80, s21, s2, $0xb8;
	[tilespmem:$0x1FC00] =	vst v63  }
0xcc: {  	_ =	swait.ge [sflag:s8], $0x4000  }
0xcd: {  	p0 =	seq.s32 s18, $0x9000;
	[sflag:s8] =	ssyncset.done $0x0  }
.Ltmp3:
0xce: {  	[sflag:s8] =	ssyncadd.s32 $0xFFFFC000;
	(pc) =	sbr.rel @p0 .LBB2_6-.Ltmp3, $4  }
0xcf: {  	[spmem:s3] =	stream.indirect.scatter.add.f32 [tilespmem:s0], [sflag:$0x3], $0x80, s15, s2, $0xb8;
	[tilespmem:$0x1FC00] =	vst v63  }
0xd0: {  	_ =	swait.ge [sflag:s31], $0x4000  }
0xd1: {  	[sflag:s31] =	ssyncset.done $0x0  }
0xd2: {  	[sflag:s31] =	ssyncadd.s32 $0xFFFFC000  }
0xd3: {  	s21 =	sadd.s32 $0x400, s20  }
0xd4: {  	[tilespmem:s0], [sflag:$0x1] =	stream.indirect.gather [hbm4b:s1+s2], $0x80, s21, s2, $0xb8;
	[tilespmem:$0x1FC00] =	vst v63  }
0xd5: {  	_ =	swait.ge [sflag:s9], $0x4000  }
0xd6: {  	[sflag:s9] =	ssyncset.done $0x0  }
0xd7: {  	[sflag:s9] =	ssyncadd.s32 $0xFFFFC000  }
0xd8: {  	[spmem:s3] =	stream.indirect.scatter.add.f32 [tilespmem:s6], [sflag:$0x3], $0x80, s16, s2, $0xb8;
	[tilespmem:$0x1FC00] =	vst v63  }
.Ltmp4:
0xd9: {  	_ = 	snop;
	(pc) =	sbr.rel .LBB2_4-.Ltmp4, $4  }
0xda: {  	_ =	swait.ge [sflag:s31], $0x4000  }
0xdb: {  	s25 =	sadd.s32 $0x80, s25;
	[sflag:s31] =	ssyncset.done $0x0  }
0xdc: {  	s18 =	sadd.s32 $0x1000, s18;
	s21 =	sadd.s32 $0x480, s20;
	[sflag:s31] =	ssyncadd.s32 $0xFFFFC000  }
0xdd: {  	[tilespmem:s6], [sflag:$0x2] =	stream.indirect.gather [hbm4b:s1+s2], $0x80, s21, s2, $0xb8;
	[tilespmem:$0x1FC00] =	vst v63  }
.LBB2_7:
0xde: {  	_ =	sfence.sel $0x180000  }
0xdf: {  	[bflag:$0x0] =	sbarrier.arrive $0xFFFF  }
0xe0: {  	_ =	strace $0x9000004A  }
0xe1: {  	s0 =	stileid.u32;
	[bflag:$0x2] =	sbarrier.arrive $0xFFFF  }
0xe2: {  	p0 =	sne.s32 s0, $0x0;
	s0 =	rddreg [dreg:$0x3]  }
0xe3: {  	s0 =	sadd.s32 @!p0 $0x100000, s0  }
0xe4: {  	[sflag:s0] =	ssyncadd.tile.s32 @!p0 $0x1;
	_ =	shalt  }
.Lfunc_end2:
_tile_overlayer_lowered:
.L_overlay_start_2:
0xe5: {  	(tag) =	ssettag $0x2  }
0xe6: {  	s0 =	rddreg [dreg:$0x0];
	s2 =	stileid.u32  }
0xe7: {  	s1 =	rddreg [dreg:$0x1];
	p0 =	sne.s32 s2, $0x0  }
0xe8: {  	s3 =	rddreg [dreg:$0x2];
	[bflag:$0x3] =	sbarrier.arrive $0xFFFF;
	s2 =	simm.s32 @!p0 $0x1C03  }
0xe9: {  	[timem:s3], [sflag:s2] =	dma.local @!p0 [hbm:s0], s1  }
0xea: {  	s0 =	simm.s32 @!p0 $0x3  }
0xeb: {  	_ =	swait.ge @!p0 [sflag:s0], s1  }
0xec: {  	s1 =	ssub.s32 @!p0 $0x0, s1;
	[sflag:s0] =	ssyncset.done @!p0 $0x0  }
0xed: {  	[sflag:s0] =	ssyncadd.s32 @!p0 s1  }
0xee: {  	[bflag:$0x3] =	sbarrier.arrive $0xFFFF  }
0xef: {  	_ =	shalt  }

// kernel: kernel.15.cloned.1.call-start
scs
__scs_entry_jumppad:
0x0: {  	(pc) =	sbr.rel $0x88, $3  }
0x1: {  	(tag) =	ssettag $0x0;
	lr =	simm.s32 $0x1  }
0x2: {  	[smem:$0x3F97] =	sst lr;
	_ =	strace $0xD0000000  }
0x3: {  	_ = 	snop  }
0x4: {  	_ = 	snop  }
0x5: {  	_ = 	snop  }
0x6: {  	_ = 	snop  }
0x7: {  	_ = 	snop  }
__scs_overlays_trampoline_lowered:
0x8: {  	[smem:$0x3FA6] =	sst s0  }
0x9: {  	[smem:$0x3FA7] =	sst s1  }
0xa: {  	[smem:$0x3FA8] =	sst s2  }
0xb: {  	[smem:$0x3FA9] =	sst s3  }
0xc: {  	[smem:$0x3FAA] =	sst s4  }
0xd: {  	[smem:$0x3FAB] =	sst s5  }
0xe: {  	[smem:$0x3FAC] =	sst s6  }
0xf: {  	[smem:$0x3FAD] =	sst s7  }
0x10: {  	[smem:$0x3FAE] =	sst s8  }
0x11: {  	[smem:$0x3FAF] =	sst s9;
	s0 =	simm.s32 @!p0 $0x0  }
0x12: {  	s1 =	sld [smem:$0x3F95];
	s0 =	simm.s32 @p0 $0x1  }
0x13: {  	[smem:$0x3FB0] =	sst s0;
	s0 =	simm.s32 @!p1 $0x0  }
0x14: {  	s2 =	sld [smem:$0x3F94];
	s0 =	simm.s32 @p1 $0x1  }
0x15: {  	[smem:$0x3FB1] =	sst s0;
	s0 =	simm.s32 @!p2 $0x0  }
0x16: {  	s3 =	sld [smem:$0x3FDB];
	s0 =	simm.s32 @p2 $0x1  }
0x17: {  	s4 =	simm.s32 $0x1BF5;
	[smem:$0x3FB3] =	sst s0  }
0x18: {  	s0 =	sld [smem:$0x3F96];
	_ =	swait.ge [sflag:s4], $0x0  }
0x19: {  	s7 =	sld [smem:$0x3F97]  }
0x1a: {  	s8 =	sadd.s32 $0xFFFFE003, lr  }
0x1b: {  	s9 =	sadd.s32 $0xFFFFFEF7, lr;
	s5 =	simm.s32 $0xFFFFFFFF;
	p2 =	slt.u32 s8, $0xFFFFF086  }
0x1c: {  	p1 =	slt.u32 s9, $0xF7A;
	s5 =	simm.s32 @!p2 $0x0  }
0x1d: {  	s5 =	simm.s32 @p1 $0x1;
	p0 =	seq.s32 s7, s2  }
0x1e: {  	s7 =	smul.u32 @!p0 $0xF7A, s2;
	p2 =	seq.s32 @!p0 s5, $0x0  }
0x1f: {  	s9 =	smul.u32 $0xF7A, s1;
	s8 =	simm.s32 @!p0 $0x1BF5;
	p2 =	por !p2, p0  }
0x20: {  	[sflag:s8] =	ssyncset.s32 @!p0 $0xFFFFF086;
	s6 =	sadd.s32 @!p0 s3, s7;
	s7 =	simm.s32 @!p0 $0x108  }
0x21: {  	s3 =	sadd.s32 s3, s9;
	s6 =	sadd.s32 @!p0 $0x88, s6;
	s7 =	simm.s32 @p2 $0x1082  }
0x22: {  	[simem:s7], [sflag:s8] =	dma.local @!p0 [hbm:s6], $0xF7A  }
0x23: {  	s9 =	sor.u32 $0xD0000000, s2;
	s6 =	simm.s32 $0x108;
	_ =	swait.ge @!p0 [sflag:s8], $0x0  }
0x24: {  	s3 =	sadd.s32 $0x88, s3;
	s6 =	simm.s32 @!p1 $0x1082;
	[sflag:s4] =	ssyncset.s32 $0xFFFFF086  }
0x25: {  	[simem:s6], [sflag:s4] =	dma.local [hbm:s3], $0xF7A  }
0x26: {  	[smem:$0x3F97] =	sst s1;
	(tag) =	ssettag s2;
	_ =	strace s9  }
0x27: {  	s1 =	sld [smem:$0x3FA7]  }
0x28: {  	s2 =	sld [smem:$0x3FA8]  }
0x29: {  	s4 =	sld [smem:$0x3FAA]  }
0x2a: {  	p0 =	seq.s32 s5, $0x0;
	s5 =	sld [smem:$0x3FAB]  }
0x2b: {  	s6 =	sld [smem:$0x3FAC]  }
0x2c: {  	s7 =	sld [smem:$0x3FAD]  }
0x2d: {  	s3 =	simm.s32 $0x108;
	s8 =	sld [smem:$0x3FAE]  }
0x2e: {  	s3 =	simm.s32 @!p0 $0x1082;
	s9 =	sld [smem:$0x3FAF]  }
0x2f: {  	lr =	sadd.s32 s0, s3;
	s0 =	sld [smem:$0x3FA6]  }
0x30: {  	s3 =	sld [smem:$0x3FA9]  }
0x31: {  	[smem:$0x3FB2] =	sst s10  }
0x32: {  	s10 =	sld [smem:$0x3FB0];
	_ =	sdelay $0x3  }
0x33: {  	p0 =	seq.s32 s10, $0x1;
	s10 =	sld [smem:$0x3FB2];
	_ =	sdelay $0x3  }
0x34: {  	[smem:$0x3FB2] =	sst s10  }
0x35: {  	s10 =	sld [smem:$0x3FB1];
	_ =	sdelay $0x3  }
0x36: {  	p1 =	seq.s32 s10, $0x1;
	s10 =	sld [smem:$0x3FB2];
	_ =	sdelay $0x3  }
0x37: {  	[smem:$0x3FB2] =	sst s10  }
0x38: {  	s10 =	sld [smem:$0x3FB3]  }
0x39: {  	_ = 	snop;
	(pc) =	sbr.ind lr, $3  }
0x3a: {  	_ = 	snop  }
0x3b: {  	_ = 	snop  }
0x3c: {  	p2 =	seq.s32 s10, $0x1;
	s10 =	sld [smem:$0x3FB2]  }
0x3d: {  	_ =	shalt  }
0x3e: {  	_ =	shalt  }
0x3f: {  	_ =	shalt  }
0x40: {  	_ =	shalt  }
0x41: {  	_ =	shalt  }
0x42: {  	_ =	shalt  }
0x43: {  	_ =	shalt  }
0x44: {  	_ =	shalt  }
0x45: {  	_ =	shalt  }
0x46: {  	_ =	shalt  }
0x47: {  	_ =	shalt  }
0x48: {  	_ =	shalt  }
0x49: {  	_ =	shalt  }
0x4a: {  	_ =	shalt  }
0x4b: {  	_ =	shalt  }
0x4c: {  	_ =	shalt  }
0x4d: {  	_ =	shalt  }
0x4e: {  	_ =	shalt  }
0x4f: {  	_ =	shalt  }
0x50: {  	_ =	shalt  }
0x51: {  	_ =	shalt  }
0x52: {  	_ =	shalt  }
0x53: {  	_ =	shalt  }
0x54: {  	_ =	shalt  }
0x55: {  	_ =	shalt  }
0x56: {  	_ =	shalt  }
0x57: {  	_ =	shalt  }
0x58: {  	_ =	shalt  }
0x59: {  	_ =	shalt  }
0x5a: {  	_ =	shalt  }
0x5b: {  	_ =	shalt  }
0x5c: {  	_ =	shalt  }
0x5d: {  	_ =	shalt  }
0x5e: {  	_ =	shalt  }
0x5f: {  	_ =	shalt  }
0x60: {  	_ =	shalt  }
0x61: {  	_ =	shalt  }
0x62: {  	_ =	shalt  }
0x63: {  	_ =	shalt  }
0x64: {  	_ =	shalt  }
0x65: {  	_ =	shalt  }
0x66: {  	_ =	shalt  }
0x67: {  	_ =	shalt  }
0x68: {  	_ =	shalt  }
0x69: {  	_ =	shalt  }
0x6a: {  	_ =	shalt  }
0x6b: {  	_ =	shalt  }
0x6c: {  	_ =	shalt  }
0x6d: {  	_ =	shalt  }
0x6e: {  	_ =	shalt  }
0x6f: {  	_ =	shalt  }
0x70: {  	_ =	shalt  }
0x71: {  	_ =	shalt  }
0x72: {  	_ =	shalt  }
0x73: {  	_ =	shalt  }
0x74: {  	_ =	shalt  }
0x75: {  	_ =	shalt  }
0x76: {  	_ =	shalt  }
0x77: {  	_ =	shalt  }
0x78: {  	_ =	shalt  }
0x79: {  	_ =	shalt  }
0x7a: {  	_ =	shalt  }
0x7b: {  	_ =	shalt  }
0x7c: {  	_ =	shalt  }
0x7d: {  	_ =	shalt  }
0x7e: {  	_ =	shalt  }
0x7f: {  	_ =	shalt  }
0x80: {  	_ =	shalt  }
0x81: {  	_ =	shalt  }
0x82: {  	_ =	shalt  }
0x83: {  	_ =	shalt  }
0x84: {  	_ =	shalt  }
0x85: {  	_ =	shalt  }
0x86: {  	_ =	shalt  }
0x87: {  	_ =	shalt  }
.Lfunc_end0:
.L_simem_size_0:
called_computation.2_lowered:
.L_overlay_start_0:
0x88: {  	s2 =	sld [smem:$0x3FD9]  }
0x89: {  	s3 =	sld [smem:$0x3FFE];
	_ =	sdelay $0x1  }
0x8a: {  	s1 =	srdreg.scid  }
0x8b: {  	s0 =	sand.u32 $0x1, s1  }
0x8c: {  	s17 =	sshll.u32 s0, $0xA;
	s2 =	sadd.s32 s3, s2  }
0x8d: {  	s2 =	sadd.s32 s2, s17  }
0x8e: {  	[smem:$0x3FBE] =	sst s2  }
0x8f: {  	_ = 	snop  }
0x90: {  	s2 =	sld [smem:$0x3FD0];
	(tm) =	ssettm $0x1  }
0x91: {  	s18 =	sld [smem:$0x3FFB];
	_ =	sdelay $0x3  }
0x92: {  	_ =	strace s18  }
0x93: {  	s3 =	sld [smem:$0x3FFC];
	_ =	sdelay $0x3  }
0x94: {  	_ =	strace s3  }
0x95: {  	s3 =	sld [smem:$0x3FFD];
	_ =	sdelay $0x3  }
0x96: {  	_ =	strace s3  }
0x97: {  	_ =	strace $0x8FFFFFFF  }
0x98: {  	s19 =	sld [smem:$0x3FDB];
	_ =	sdelay $0x1  }
0x99: {  	s4 =	simm.s32 $_scs_section_size  }
0x9a: {  	s5 =	simm.s32 $_size__tile_overlayer_lowered;
	s6 =	simm.s32 $_tile_overlayer_lowered  }
0x9b: {  	s22 =	simm.s32 $0x1BFF;
	s21 =	sshll.u32 s6, $0x1;
	s3 =	sadd.s32 s4, s19  }
0x9c: {  	s7 =	simm.s32 $0x0;
	s20 =	sshll.u32 s5, $0x1;
	s5 =	sadd.s32 s21, s3  }
0x9d: {  	[timem:s7], [sflag:s22] =	dma.local [hbm:s5], s20  }
0x9e: {  	_ =	swait.ge [sflag:s22], s20  }
0x9f: {  	s4 =	ssub.s32 $0x0, s20;
	[sflag:s22] =	ssyncset.done $0x0  }
0xa0: {  	[sflag:s22] =	ssyncadd.s32 s4;
	_ =	sdelay $0x1  }
0xa1: {  	s23 =	simm.s32 $0x1B8B  }
0xa2: {  	_ =	swait.ge [sflag:s23], $0x1  }
0xa3: {  	[sflag:s23] =	ssyncset.done $0x0  }
0xa4: {  	s25 =	simm.s32 $0x1B8E;
	s24 =	sld [smem:$0x3FFE];
	[sflag:s23] =	ssyncadd.s32 $0xFFFFFFFF  }
0xa5: {  	s26 =	simm.s32 $execute0_lowered;
	[smem:$0x3FD2] =	sst s25  }
0xa6: {  	s5 =	sshll.u32 s26, $0x1;
	_ =	strace $0x8000004C;
	[dreg:$0x1] =	wrdreg $0xFFFFFFFF  }
0xa7: {  	s28 =	simm.s32 $_size_execute0_lowered;
	s3 =	sadd.s32 s3, s5;
	[dreg:$0x0] =	wrdreg $0x0  }
0xa8: {  	s5 =	sshll.u32 s28, $0x1;
	[dreg:$0x2] =	wrdreg s3  }
0xa9: {  	[dreg:$0x3] =	wrdreg s5  }
0xaa: {  	[dreg:$0x4] =	wrdreg $0xC0  }
0xab: {  	_ =	task [dreg:s7], $0x5FFFF  }
0xac: {  	[dreg:$0x1] =	wrdreg $0xFFFFFFFF  }
0xad: {  	[dreg:$0x0] =	wrdreg $0x60  }
0xae: {  	[dreg:$0x2] =	wrdreg s2  }
0xaf: {  	[dreg:$0x3] =	wrdreg s24  }
0xb0: {  	[dreg:$0x4] =	wrdreg $0xBC000  }
0xb1: {  	[dreg:$0x5] =	wrdreg $0x9  }
0xb2: {  	_ =	task.clear_ibuf [dreg:s7], $0x6FFFF;
	_ =	strace $0x9000004C  }
0xb3: {  	s29 =	simm.s32 $0x9;
	_ =	strace $0x8000004E  }
0xb4: {  	_ =	swait.ge [sflag:s29], $0x1  }
0xb5: {  	[sflag:s29] =	ssyncadd.s32 $0xFFFFFFFF  }
0xb6: {  	_ =	strace $0x9000004E  }
0xb7: {  	_ =	sfence  }
0xb8: {  	s30 =	sld [smem:$0x0];
	_ =	sdelay $0x2  }
0xb9: {  	s31 =	sshll.u32 s1, $0xD;
	s1 =	sshrl.u32 s1, $0x2  }
0xba: {  	s3 =	sand.u32 $0x4000, s31;
	s1 =	sadd.s32 s1, s30  }
0xbb: {  	s0 =	sor.u32 s3, s0;
	s1 =	sshll.u32 s1, $0x11  }
0xbc: {  	s0 =	sor.u32 s1, s0  }
0xbd: {  	s0 =	sadd.s32 $0x8F2B, s0  }
0xbe: {  	[sflag:s0] =	ssyncadd.remote.s32 $0x1  }
0xbf: {  	_ =	sfence.sel $0xFFFF  }
0xc0: {  	[dreg:$0x0] =	wrdreg $0xFFFFFFFF;
	(pc) =	sbr.abs _section_cstart, $3  }
0xc1: {  	[dreg:$0x1] =	wrdreg $0xFFFFFFFF  }
0xc2: {  	_ =	task.clear_ibuf [dreg:s7], $0x2FFFF;
	_ =	strace $0x9FFFFFFF  }
0xc3: {  	(tm) =	ssettm $0x7FFFFFFF  }
tec
execute0_lowered:
.L_overlay_start_1:
0x0: {  	(tag) =	ssettag $0x1  }
0x1: {  	s0 =	srdreg.scid;
	s1 =	rddreg [dreg:$0x0]  }
0x2: {  	s10 =	stileid.u32;
	s5 =	rddreg [dreg:$0x1]  }
0x3: {  	s3 =	rddreg [dreg:$0x2];
	s4 =	simm.s32 $0x0;
	s7 =	smul.u32 $0x14000, s10  }
0x4: {  	s0 =	sand.u32 $0x1, s0;
	[smem:$0x7FF] =	sst s4;
	s26 =	smul.u32 $0x50000, s10  }
0x5: {  	s2 =	sshll.u32 s0, $0x4;
	s6 =	smul.u32 $0x140000, s0;
	_ =	strace $0x8000004D  }
0x6: {  	s8 =	smul.u32 $0x5000, s0;
	s0 =	ssub.s32 $0x2, s0;
	s2 =	sor.u32 s10, s2  }
0x7: {  	s9 =	sshrl.u32 s0, $0x1;
	s2 =	smul.u32 $0x500, s2;
	s6 =	sadd.s32 s7, s6  }
0x8: {  	s8 =	sadd.s32 s8, s5;
	s0 =	ssub.s32 s0, s9;
	s7 =	sshrl.u32 s26, $0x2  }
0x9: {  	s6 =	sshrl.u32 s6, $0x3;
	s0 =	smax.u32 s0, $0x1;
	s2 =	sadd.s32 s2, s5  }
0xa: {  	s6 =	sadd.s32 s6, s5;
	[dreg:$0x6] =	wrdreg s0;
	s2 =	sadd.s32 $0x2A00, s2  }
0xb: {  	s5 =	sadd.s32 s7, s3;
	s9 =	sadd.s32 $0x16A00, s6;
	[dreg:$0x4] =	wrdreg s2  }
0xc: {  	s11 =	sadd.s32 $0x1000, s5;
	[dreg:$0x5] =	wrdreg s9  }
0xd: {  	s30 =	simm.s32 $0xAC00;
	s12 =	sadd.s32 $0x2000, s5;
	[dreg:$0x7] =	wrdreg s11  }
0xe: {  	s31 =	simm.s32 $0x3;
	s13 =	sadd.s32 $0x3000, s5;
	[dreg:$0x8] =	wrdreg s12  }
0xf: {  	s21 =	smul.u32 $0x500, s10;
	s14 =	sadd.s32 $0x4000, s5;
	[dreg:$0x9] =	wrdreg s13  }
0x10: {  	s10 =	simm.s32 $0x2880;
	s15 =	sadd.s32 $0x5000, s5;
	[dreg:$0xa] =	wrdreg s14  }
0x11: {  	s0 =	sadd.s32 s21, s8;
	s16 =	sadd.s32 $0x6000, s5;
	[dreg:$0xb] =	wrdreg s15  }
0x12: {  	s7 =	simm.s32 $0x2800;
	s17 =	sadd.s32 $0x7000, s5;
	[dreg:$0xc] =	wrdreg s16  }
0x13: {  	s8 =	simm.s32 $0x1;
	s18 =	sadd.s32 $0x8000, s5;
	[dreg:$0xd] =	wrdreg s17  }
0x14: {  	s19 =	sadd.s32 $0x9000, s5;
	s20 =	sadd.s32 $0xA000, s5;
	[dreg:$0xe] =	wrdreg s18  }
0x15: {  	s24 =	sadd.s32 $0xB000, s5;
	s25 =	sadd.s32 $0xC000, s5;
	[dreg:$0xf] =	wrdreg s19  }
0x16: {  	s26 =	sadd.s32 $0xD000, s5;
	s22 =	sadd.s32 $0xE000, s5;
	[dreg:$0x10] =	wrdreg s20  }
0x17: {  	s23 =	sadd.s32 $0xF000, s5;
	s28 =	sadd.s32 $0x12000, s5;
	[dreg:$0x11] =	wrdreg s24  }
0x18: {  	s29 =	sadd.s32 $0x13000, s5;
	s6 =	simm.s32 $0x6C00;
	[dreg:$0x12] =	wrdreg s25  }
.Ltmp0:
0x19: {  	[dreg:$0x13] =	wrdreg s26;
	s24 =	sadd.s32 $0x10000, s5;
	(pc) =	sbr.rel .LBB2_1-.Ltmp0, $4  }
0x1a: {  	s19 =	sadd.s32 $0xCA00, s0;
	s26 =	sadd.s32 $0x11000, s5;
	s2 =	simm.s32 $0x80  }
0x1b: {  	s0 =	simm.s32 $0x2C00;
	s9 =	simm.s32 $0x2;
	s11 =	simm.s32 $0x2900  }
0x1c: {  	s12 =	simm.s32 $0x2980;
	s13 =	simm.s32 $0x2A00;
	s14 =	simm.s32 $0x2A80  }
0x1d: {  	v0 =	vimm.f32 $0.0e+00;
	s15 =	simm.s32 $0x2B00;
	s16 =	simm.s32 $0x2B80;
	s17 =	simm.s32 $0x0  }
.LBB2_6:
0x1e: {  	_ =	swait.ge [sflag:s9], $0x4000  }
0x1f: {  	[sflag:s9] =	ssyncset.done $0x0  }
0x20: {  	[sflag:s9] =	ssyncadd.s32 $0xFFFFC000  }
0x21: {  	[spmem:s3] =	stream.indirect.scatter.add.f32 [tilespmem:s6], [sflag:$0x3], $0x80, s16, s2, $0xb8;
	[tilespmem:$0x1FC00] =	vst v63  }
0x22: {  	_ =	swait.ge [sflag:s31], $0x4000  }
0x23: {  	[sflag:s31] =	ssyncset.done $0x0  }
0x24: {  	s18 =	stileid.u32;
	[sflag:s31] =	ssyncadd.s32 $0xFFFFC000  }
0x25: {  	s18 =	sshll.u32 s18, $0x6;
	[bflag:$0x0] =	sbarrier.arrive $0xFFFF  }
0x26: {  	s20 =	sshrl.u32 s5, $0x3;
	s18 =	sor.u32 $0x1C03, s18;
	s21 =	rddreg [dreg:$0x5]  }
0x27: {  	[hbm:s21], [sflag:s18] =	dma.local [spmem:s20], $0x2800  }
0x28: {  	_ =	swait.ge [sflag:s31], $0x2800  }
0x29: {  	s17 =	sadd.s32 $0x1, s17;
	s25 =	rddreg [dreg:$0x6]  }
0x2a: {  	p0 =	sne.s32 s17, s25  }
.Ltmp1:
0x2b: {  	_ = 	snop;
	(pc) =	sbr.rel @!p0 .LBB2_7-.Ltmp1, $3  }
0x2c: {  	_ =	sdelay $0x1  }
0x2d: {  	[sflag:s31] =	ssyncset.done $0x0  }
0x2e: {  	[sflag:s31] =	ssyncadd.s32 $0xFFFFD800  }
.LBB2_1:
0x2f: {  	s18 =	simm.s32 $0x0;
	s20 =	simm.s32 $0x200  }
.LBB2_2:
0x30: {  	p0 =	sne.s32 s20, $0x3E00;
	[tilespmem:s18+$0xAC70] =	vst v0  }
0x31: {  	[tilespmem:s18+$0xAC00] =	vst v0  }
0x32: {  	[tilespmem:s18+$0xAC10] =	vst v0  }
.Ltmp2:
0x33: {  	[tilespmem:s18+$0xAC20] =	vst v0;
	(pc) =	sbr.rel @p0 .LBB2_2-.Ltmp2, $4  }
0x34: {  	[tilespmem:s18+$0xAC30] =	vst v0  }
0x35: {  	[tilespmem:s18+$0xAC40] =	vst v0  }
0x36: {  	[tilespmem:s18+$0xAC50] =	vst v0  }
0x37: {  	[tilespmem:s18+$0xAC60] =	vst v0;
	s18 =	sshra.s32 s20, $0x2;
	s20 =	sadd.s32 $0x200, s20  }
0x38: {  	[tilespmem:s18+$0xAC70] =	vst v0  }
0x39: {  	[tilespmem:s18+$0xAC00] =	vst v0  }
0x3a: {  	[tilespmem:s18+$0xAC10] =	vst v0  }
0x3b: {  	[tilespmem:s18+$0xAC20] =	vst v0  }
0x3c: {  	[tilespmem:s18+$0xAC30] =	vst v0  }
0x3d: {  	[tilespmem:s18+$0xAC40] =	vst v0  }
0x3e: {  	[tilespmem:s18+$0xAC50] =	vst v0  }
0x3f: {  	[tilespmem:s18+$0xAC60] =	vst v0  }
0x40: {  	[spmem:s5] =	stream.linear.scatter [tilespmem:s30], [sflag:$0x3], $0x1000, $0x38;
	[tilespmem:$0x1FC00] =	vst v63  }
0x41: {  	_ =	swait.ge [sflag:s31], $0x1000  }
0x42: {  	[sflag:s31] =	ssyncset.done $0x0  }
0x43: {  	s25 =	rddreg [dreg:$0x7];
	[sflag:s31] =	ssyncadd.s32 $0xFFFFF000  }
0x44: {  	[spmem:s25] =	stream.linear.scatter [tilespmem:s30], [sflag:$0x3], $0x1000, $0x38;
	[tilespmem:$0x1FC00] =	vst v63  }
0x45: {  	_ =	swait.ge [sflag:s31], $0x1000  }
0x46: {  	[sflag:s31] =	ssyncset.done $0x0  }
0x47: {  	s20 =	rddreg [dreg:$0x8];
	[sflag:s31] =	ssyncadd.s32 $0xFFFFF000  }
0x48: {  	[spmem:s20] =	stream.linear.scatter [tilespmem:s30], [sflag:$0x3], $0x1000, $0x38;
	[tilespmem:$0x1FC00] =	vst v63  }
0x49: {  	_ =	swait.ge [sflag:s31], $0x1000  }
0x4a: {  	[sflag:s31] =	ssyncset.done $0x0  }
0x4b: {  	s21 =	rddreg [dreg:$0x9];
	[sflag:s31] =	ssyncadd.s32 $0xFFFFF000  }
0x4c: {  	[spmem:s21] =	stream.linear.scatter [tilespmem:s30], [sflag:$0x3], $0x1000, $0x38;
	[tilespmem:$0x1FC00] =	vst v63  }
0x4d: {  	_ =	swait.ge [sflag:s31], $0x1000  }
0x4e: {  	[sflag:s31] =	ssyncset.done $0x0  }
0x4f: {  	s25 =	rddreg [dreg:$0xa];
	[sflag:s31] =	ssyncadd.s32 $0xFFFFF000  }
0x50: {  	[spmem:s25] =	stream.linear.scatter [tilespmem:s30], [sflag:$0x3], $0x1000, $0x38;
	[tilespmem:$0x1FC00] =	vst v63  }
0x51: {  	_ =	swait.ge [sflag:s31], $0x1000  }
0x52: {  	[sflag:s31] =	ssyncset.done $0x0  }
0x53: {  	s20 =	rddreg [dreg:$0xb];
	[sflag:s31] =	ssyncadd.s32 $0xFFFFF000  }
0x54: {  	[spmem:s20] =	stream.linear.scatter [tilespmem:s30], [sflag:$0x3], $0x1000, $0x38;
	[tilespmem:$0x1FC00] =	vst v63  }
0x55: {  	_ =	swait.ge [sflag:s31], $0x1000  }
0x56: {  	[sflag:s31] =	ssyncset.done $0x0  }
0x57: {  	s21 =	rddreg [dreg:$0xc];
	[sflag:s31] =	ssyncadd.s32 $0xFFFFF000  }
0x58: {  	[spmem:s21] =	stream.linear.scatter [tilespmem:s30], [sflag:$0x3], $0x1000, $0x38;
	[tilespmem:$0x1FC00] =	vst v63  }
0x59: {  	_ =	swait.ge [sflag:s31], $0x1000  }
0x5a: {  	[sflag:s31] =	ssyncset.done $0x0  }
0x5b: {  	s25 =	rddreg [dreg:$0xd];
	[sflag:s31] =	ssyncadd.s32 $0xFFFFF000  }
0x5c: {  	[spmem:s25] =	stream.linear.scatter [tilespmem:s30], [sflag:$0x3], $0x1000, $0x38;
	[tilespmem:$0x1FC00] =	vst v63  }
0x5d: {  	_ =	swait.ge [sflag:s31], $0x1000  }
0x5e: {  	[sflag:s31] =	ssyncset.done $0x0  }
0x5f: {  	s20 =	rddreg [dreg:$0xe];
	[sflag:s31] =	ssyncadd.s32 $0xFFFFF000  }
0x60: {  	[spmem:s20] =	stream.linear.scatter [tilespmem:s30], [sflag:$0x3], $0x1000, $0x38;
	[tilespmem:$0x1FC00] =	vst v63  }
0x61: {  	_ =	swait.ge [sflag:s31], $0x1000  }
0x62: {  	[sflag:s31] =	ssyncset.done $0x0  }
0x63: {  	s21 =	rddreg [dreg:$0xf];
	[sflag:s31] =	ssyncadd.s32 $0xFFFFF000  }
0x64: {  	[spmem:s21] =	stream.linear.scatter [tilespmem:s30], [sflag:$0x3], $0x1000, $0x38;
	[tilespmem:$0x1FC00] =	vst v63  }
0x65: {  	_ =	swait.ge [sflag:s31], $0x1000  }
0x66: {  	[sflag:s31] =	ssyncset.done $0x0  }
0x67: {  	s25 =	rddreg [dreg:$0x10];
	[sflag:s31] =	ssyncadd.s32 $0xFFFFF000  }
0x68: {  	[spmem:s25] =	stream.linear.scatter [tilespmem:s30], [sflag:$0x3], $0x1000, $0x38;
	[tilespmem:$0x1FC00] =	vst v63  }
0x69: {  	_ =	swait.ge [sflag:s31], $0x1000  }
0x6a: {  	[sflag:s31] =	ssyncset.done $0x0  }
0x6b: {  	s20 =	rddreg [dreg:$0x11];
	[sflag:s31] =	ssyncadd.s32 $0xFFFFF000  }
0x6c: {  	[spmem:s20] =	stream.linear.scatter [tilespmem:s30], [sflag:$0x3], $0x1000, $0x38;
	[tilespmem:$0x1FC00] =	vst v63  }
0x6d: {  	_ =	swait.ge [sflag:s31], $0x1000  }
0x6e: {  	[sflag:s31] =	ssyncset.done $0x0  }
0x6f: {  	s21 =	rddreg [dreg:$0x12];
	[sflag:s31] =	ssyncadd.s32 $0xFFFFF000  }
0x70: {  	[spmem:s21] =	stream.linear.scatter [tilespmem:s30], [sflag:$0x3], $0x1000, $0x38;
	[tilespmem:$0x1FC00] =	vst v63  }
0x71: {  	_ =	swait.ge [sflag:s31], $0x1000  }
0x72: {  	[sflag:s31] =	ssyncset.done $0x0  }
0x73: {  	s25 =	rddreg [dreg:$0x13];
	[sflag:s31] =	ssyncadd.s32 $0xFFFFF000  }
0x74: {  	[spmem:s25] =	stream.linear.scatter [tilespmem:s30], [sflag:$0x3], $0x1000, $0x38;
	[tilespmem:$0x1FC00] =	vst v63  }
0x75: {  	_ =	swait.ge [sflag:s31], $0x1000  }
0x76: {  	[sflag:s31] =	ssyncset.done $0x0  }
0x77: {  	[sflag:s31] =	ssyncadd.s32 $0xFFFFF000  }
0x78: {  	[spmem:s22] =	stream.linear.scatter [tilespmem:s30], [sflag:$0x3], $0x1000, $0x38;
	[tilespmem:$0x1FC00] =	vst v63  }
0x79: {  	_ =	swait.ge [sflag:s31], $0x1000  }
0x7a: {  	[sflag:s31] =	ssyncset.done $0x0  }
0x7b: {  	[sflag:s31] =	ssyncadd.s32 $0xFFFFF000  }
0x7c: {  	[spmem:s23] =	stream.linear.scatter [tilespmem:s30], [sflag:$0x3], $0x1000, $0x38;
	[tilespmem:$0x1FC00] =	vst v63  }
0x7d: {  	_ =	swait.ge [sflag:s31], $0x1000  }
0x7e: {  	[sflag:s31] =	ssyncset.done $0x0  }
0x7f: {  	[sflag:s31] =	ssyncadd.s32 $0xFFFFF000  }
0x80: {  	[spmem:s24] =	stream.linear.scatter [tilespmem:s30], [sflag:$0x3], $0x1000, $0x38;
	[tilespmem:$0x1FC00] =	vst v63  }
0x81: {  	_ =	swait.ge [sflag:s31], $0x1000  }
0x82: {  	[sflag:s31] =	ssyncset.done $0x0  }
0x83: {  	[sflag:s31] =	ssyncadd.s32 $0xFFFFF000  }
0x84: {  	[spmem:s26] =	stream.linear.scatter [tilespmem:s30], [sflag:$0x3], $0x1000, $0x38;
	[tilespmem:$0x1FC00] =	vst v63  }
0x85: {  	_ =	swait.ge [sflag:s31], $0x1000  }
0x86: {  	[sflag:s31] =	ssyncset.done $0x0  }
0x87: {  	[sflag:s31] =	ssyncadd.s32 $0xFFFFF000  }
0x88: {  	[spmem:s28] =	stream.linear.scatter [tilespmem:s30], [sflag:$0x3], $0x1000, $0x38;
	[tilespmem:$0x1FC00] =	vst v63  }
0x89: {  	_ =	swait.ge [sflag:s31], $0x1000  }
0x8a: {  	[sflag:s31] =	ssyncset.done $0x0  }
0x8b: {  	[sflag:s31] =	ssyncadd.s32 $0xFFFFF000  }
0x8c: {  	[spmem:s29] =	stream.linear.scatter [tilespmem:s30], [sflag:$0x3], $0x1000, $0x38;
	[tilespmem:$0x1FC00] =	vst v63  }
0x8d: {  	_ =	swait.ge [sflag:s31], $0x1000  }
0x8e: {  	[sflag:s31] =	ssyncset.done $0x0  }
0x8f: {  	s18 =	simm.s32 $0x0;
	s20 =	rddreg [dreg:$0x4];
	[sflag:s31] =	ssyncadd.s32 $0xFFFFF000  }
0x90: {  	[tilespmem:s18], [sflag:$0x3] =	stream.linear.gather [hbm4b:s20+s18], $0x2800, $0x38;
	[tilespmem:$0x1FC00] =	vst v63  }
0x91: {  	_ =	swait.ge [sflag:s31], $0x2800  }
0x92: {  	[sflag:s31] =	ssyncset.done $0x0  }
0x93: {  	[sflag:s31] =	ssyncadd.s32 $0xFFFFD800  }
0x94: {  	[bflag:$0x0] =	sbarrier.arrive $0xFFFF  }
0x95: {  	[tilespmem:s0], [sflag:$0x1] =	stream.indirect.gather [hbm4b:s1+s2], $0x80, s18, s2, $0xb8;
	[tilespmem:$0x1FC00] =	vst v63  }
0x96: {  	s25 =	smov.u32 s19  }
0x97: {  	[tilespmem:s6], [sflag:$0x2] =	stream.indirect.gather [hbm4b:s1+s2], $0x80, s2, s2, $0xb8;
	[tilespmem:$0x1FC00] =	vst v63  }
.LBB2_4:
0x98: {  	[tilespmem:s7], [sflag:$0x3] =	stream.linear.gather [hbm4b:s25+s4], $0x400, $0x38;
	[tilespmem:$0x1FC00] =	vst v63  }
0x99: {  	_ =	swait.ge [sflag:s31], $0x400  }
0x9a: {  	[sflag:s31] =	ssyncset.done $0x0  }
0x9b: {  	[sflag:s31] =	ssyncadd.s32 $0xFFFFFC00  }
0x9c: {  	_ =	swait.ge [sflag:s8], $0x4000  }
0x9d: {  	[sflag:s8] =	ssyncset.done $0x0  }
0x9e: {  	[sflag:s8] =	ssyncadd.s32 $0xFFFFC000  }
0x9f: {  	[spmem:s3] =	stream.indirect.scatter.add.f32 [tilespmem:s0], [sflag:$0x3], $0x80, s7, s2, $0xb8;
	[tilespmem:$0x1FC00] =	vst v63  }
0xa0: {  	_ =	swait.ge [sflag:s31], $0x4000  }
0xa1: {  	s20 =	sshra.s32 s18, $0x2;
	[sflag:s31] =	ssyncset.done $0x0  }
0xa2: {  	s21 =	sadd.s32 $0x100, s20;
	[sflag:s31] =	ssyncadd.s32 $0xFFFFC000  }
0xa3: {  	[tilespmem:s0], [sflag:$0x1] =	stream.indirect.gather [hbm4b:s1+s2], $0x80, s21, s2, $0xb8;
	[tilespmem:$0x1FC00] =	vst v63  }
0xa4: {  	_ =	swait.ge [sflag:s9], $0x4000  }
0xa5: {  	[sflag:s9] =	ssyncset.done $0x0  }
0xa6: {  	[sflag:s9] =	ssyncadd.s32 $0xFFFFC000  }
0xa7: {  	[spmem:s3] =	stream.indirect.scatter.add.f32 [tilespmem:s6], [sflag:$0x3], $0x80, s10, s2, $0xb8;
	[tilespmem:$0x1FC00] =	vst v63  }
0xa8: {  	_ =	swait.ge [sflag:s31], $0x4000  }
0xa9: {  	[sflag:s31] =	ssyncset.done $0x0  }
0xaa: {  	s21 =	sadd.s32 $0x180, s20;
	[sflag:s31] =	ssyncadd.s32 $0xFFFFC000  }
0xab: {  	[tilespmem:s6], [sflag:$0x2] =	stream.indirect.gather [hbm4b:s1+s2], $0x80, s21, s2, $0xb8;
	[tilespmem:$0x1FC00] =	vst v63  }
0xac: {  	_ =	swait.ge [sflag:s8], $0x4000  }
0xad: {  	[sflag:s8] =	ssyncset.done $0x0  }
0xae: {  	[sflag:s8] =	ssyncadd.s32 $0xFFFFC000  }
0xaf: {  	[spmem:s3] =	stream.indirect.scatter.add.f32 [tilespmem:s0], [sflag:$0x3], $0x80, s11, s2, $0xb8;
	[tilespmem:$0x1FC00] =	vst v63  }
0xb0: {  	_ =	swait.ge [sflag:s31], $0x4000  }
0xb1: {  	[sflag:s31] =	ssyncset.done $0x0  }
0xb2: {  	s21 =	sadd.s32 $0x200, s20;
	[sflag:s31] =	ssyncadd.s32 $0xFFFFC000  }
0xb3: {  	[tilespmem:s0], [sflag:$0x1] =	stream.indirect.gather [hbm4b:s1+s2], $0x80, s21, s2, $0xb8;
	[tilespmem:$0x1FC00] =	vst v63  }
0xb4: {  	_ =	swait.ge [sflag:s9], $0x4000  }
0xb5: {  	[sflag:s9] =	ssyncset.done $0x0  }
0xb6: {  	[sflag:s9] =	ssyncadd.s32 $0xFFFFC000  }
0xb7: {  	[spmem:s3] =	stream.indirect.scatter.add.f32 [tilespmem:s6], [sflag:$0x3], $0x80, s12, s2, $0xb8;
	[tilespmem:$0x1FC00] =	vst v63  }
0xb8: {  	_ =	swait.ge [sflag:s31], $0x4000  }
0xb9: {  	[sflag:s31] =	ssyncset.done $0x0  }
0xba: {  	s21 =	sadd.s32 $0x280, s20;
	[sflag:s31] =	ssyncadd.s32 $0xFFFFC000  }
0xbb: {  	[tilespmem:s6], [sflag:$0x2] =	stream.indirect.gather [hbm4b:s1+s2], $0x80, s21, s2, $0xb8;
	[tilespmem:$0x1FC00] =	vst v63  }
0xbc: {  	_ =	swait.ge [sflag:s8], $0x4000  }
0xbd: {  	[sflag:s8] =	ssyncset.done $0x0  }
0xbe: {  	[sflag:s8] =	ssyncadd.s32 $0xFFFFC000  }
0xbf: {  	[spmem:s3] =	stream.indirect.scatter.add.f32 [tilespmem:s0], [sflag:$0x3], $0x80, s13, s2, $0xb8;
	[tilespmem:$0x1FC00] =	vst v63  }
0xc0: {  	_ =	swait.ge [sflag:s31], $0x4000  }
0xc1: {  	[sflag:s31] =	ssyncset.done $0x0  }
0xc2: {  	s21 =	sadd.s32 $0x300, s20;
	[sflag:s31] =	ssyncadd.s32 $0xFFFFC000  }
0xc3: {  	[tilespmem:s0], [sflag:$0x1] =	stream.indirect.gather [hbm4b:s1+s2], $0x80, s21, s2, $0xb8;
	[tilespmem:$0x1FC00] =	vst v63  }
0xc4: {  	_ =	swait.ge [sflag:s9], $0x4000  }
0xc5: {  	[sflag:s9] =	ssyncset.done $0x0  }
0xc6: {  	[sflag:s9] =	ssyncadd.s32 $0xFFFFC000  }
0xc7: {  	[spmem:s3] =	stream.indirect.scatter.add.f32 [tilespmem:s6], [sflag:$0x3], $0x80, s14, s2, $0xb8;
	[tilespmem:$0x1FC00] =	vst v63  }
0xc8: {  	_ =	swait.ge [sflag:s31], $0x4000  }
0xc9: {  	[sflag:s31] =	ssyncset.done $0x0  }
0xca: {  	s21 =	sadd.s32 $0x380, s20;
	[sflag:s31] =	ssyncadd.s32 $0xFFFFC000  }
0xcb: {  	[tilespmem:s6], [sflag:$0x2] =	stream.indirect.gather [hbm4b:s1+s2], $0x80, s21, s2, $0xb8;
	[tilespmem:$0x1FC00] =	vst v63  }
0xcc: {  	_ =	swait.ge [sflag:s8], $0x4000  }
0xcd: {  	p0 =	seq.s32 s18, $0x9000;
	[sflag:s8] =	ssyncset.done $0x0  }
.Ltmp3:
0xce: {  	[sflag:s8] =	ssyncadd.s32 $0xFFFFC000;
	(pc) =	sbr.rel @p0 .LBB2_6-.Ltmp3, $4  }
0xcf: {  	[spmem:s3] =	stream.indirect.scatter.add.f32 [tilespmem:s0], [sflag:$0x3], $0x80, s15, s2, $0xb8;
	[tilespmem:$0x1FC00] =	vst v63  }
0xd0: {  	_ =	swait.ge [sflag:s31], $0x4000  }
0xd1: {  	[sflag:s31] =	ssyncset.done $0x0  }
0xd2: {  	[sflag:s31] =	ssyncadd.s32 $0xFFFFC000  }
0xd3: {  	s21 =	sadd.s32 $0x400, s20  }
0xd4: {  	[tilespmem:s0], [sflag:$0x1] =	stream.indirect.gather [hbm4b:s1+s2], $0x80, s21, s2, $0xb8;
	[tilespmem:$0x1FC00] =	vst v63  }
0xd5: {  	_ =	swait.ge [sflag:s9], $0x4000  }
0xd6: {  	[sflag:s9] =	ssyncset.done $0x0  }
0xd7: {  	[sflag:s9] =	ssyncadd.s32 $0xFFFFC000  }
0xd8: {  	[spmem:s3] =	stream.indirect.scatter.add.f32 [tilespmem:s6], [sflag:$0x3], $0x80, s16, s2, $0xb8;
	[tilespmem:$0x1FC00] =	vst v63  }
.Ltmp4:
0xd9: {  	_ = 	snop;
	(pc) =	sbr.rel .LBB2_4-.Ltmp4, $4  }
0xda: {  	_ =	swait.ge [sflag:s31], $0x4000  }
0xdb: {  	s25 =	sadd.s32 $0x80, s25;
	[sflag:s31] =	ssyncset.done $0x0  }
0xdc: {  	s18 =	sadd.s32 $0x1000, s18;
	s21 =	sadd.s32 $0x480, s20;
	[sflag:s31] =	ssyncadd.s32 $0xFFFFC000  }
0xdd: {  	[tilespmem:s6], [sflag:$0x2] =	stream.indirect.gather [hbm4b:s1+s2], $0x80, s21, s2, $0xb8;
	[tilespmem:$0x1FC00] =	vst v63  }
.LBB2_7:
0xde: {  	_ =	sfence.sel $0x180000  }
0xdf: {  	[bflag:$0x0] =	sbarrier.arrive $0xFFFF  }
0xe0: {  	_ =	strace $0x9000004D  }
0xe1: {  	s0 =	stileid.u32;
	[bflag:$0x2] =	sbarrier.arrive $0xFFFF  }
0xe2: {  	p0 =	sne.s32 s0, $0x0;
	s0 =	rddreg [dreg:$0x3]  }
0xe3: {  	s0 =	sadd.s32 @!p0 $0x100000, s0  }
0xe4: {  	[sflag:s0] =	ssyncadd.tile.s32 @!p0 $0x1;
	_ =	shalt  }
.Lfunc_end2:
_tile_overlayer_lowered:
.L_overlay_start_2:
0xe5: {  	(tag) =	ssettag $0x2  }
0xe6: {  	s0 =	rddreg [dreg:$0x0];
	s2 =	stileid.u32  }
0xe7: {  	s1 =	rddreg [dreg:$0x1];
	p0 =	sne.s32 s2, $0x0  }
0xe8: {  	s3 =	rddreg [dreg:$0x2];
	[bflag:$0x3] =	sbarrier.arrive $0xFFFF;
	s2 =	simm.s32 @!p0 $0x1C03  }
0xe9: {  	[timem:s3], [sflag:s2] =	dma.local @!p0 [hbm:s0], s1  }
0xea: {  	s0 =	simm.s32 @!p0 $0x3  }
0xeb: {  	_ =	swait.ge @!p0 [sflag:s0], s1  }
0xec: {  	s1 =	ssub.s32 @!p0 $0x0, s1;
	[sflag:s0] =	ssyncset.done @!p0 $0x0  }
0xed: {  	[sflag:s0] =	ssyncadd.s32 @!p0 s1  }
0xee: {  	[bflag:$0x3] =	sbarrier.arrive $0xFFFF  }
0xef: {  	_ =	shalt  }

// kernel: kernel.9.cloned.1.call-start
scs
__scs_entry_jumppad:
0x0: {  	(pc) =	sbr.rel $0x88, $3  }
0x1: {  	(tag) =	ssettag $0x0;
	lr =	simm.s32 $0x1  }
0x2: {  	[smem:$0x3F97] =	sst lr;
	_ =	strace $0xD0000000  }
0x3: {  	_ = 	snop  }
0x4: {  	_ = 	snop  }
0x5: {  	_ = 	snop  }
0x6: {  	_ = 	snop  }
0x7: {  	_ = 	snop  }
__scs_overlays_trampoline_lowered:
0x8: {  	[smem:$0x3FA6] =	sst s0  }
0x9: {  	[smem:$0x3FA7] =	sst s1  }
0xa: {  	[smem:$0x3FA8] =	sst s2  }
0xb: {  	[smem:$0x3FA9] =	sst s3  }
0xc: {  	[smem:$0x3FAA] =	sst s4  }
0xd: {  	[smem:$0x3FAB] =	sst s5  }
0xe: {  	[smem:$0x3FAC] =	sst s6  }
0xf: {  	[smem:$0x3FAD] =	sst s7  }
0x10: {  	[smem:$0x3FAE] =	sst s8  }
0x11: {  	[smem:$0x3FAF] =	sst s9;
	s0 =	simm.s32 @!p0 $0x0  }
0x12: {  	s1 =	sld [smem:$0x3F95];
	s0 =	simm.s32 @p0 $0x1  }
0x13: {  	[smem:$0x3FB0] =	sst s0;
	s0 =	simm.s32 @!p1 $0x0  }
0x14: {  	s2 =	sld [smem:$0x3F94];
	s0 =	simm.s32 @p1 $0x1  }
0x15: {  	[smem:$0x3FB1] =	sst s0;
	s0 =	simm.s32 @!p2 $0x0  }
0x16: {  	s3 =	sld [smem:$0x3FDB];
	s0 =	simm.s32 @p2 $0x1  }
0x17: {  	s4 =	simm.s32 $0x1BF5;
	[smem:$0x3FB3] =	sst s0  }
0x18: {  	s0 =	sld [smem:$0x3F96];
	_ =	swait.ge [sflag:s4], $0x0  }
0x19: {  	s7 =	sld [smem:$0x3F97]  }
0x1a: {  	s8 =	sadd.s32 $0xFFFFE003, lr  }
0x1b: {  	s9 =	sadd.s32 $0xFFFFFEF7, lr;
	s5 =	simm.s32 $0xFFFFFFFF;
	p2 =	slt.u32 s8, $0xFFFFF086  }
0x1c: {  	p1 =	slt.u32 s9, $0xF7A;
	s5 =	simm.s32 @!p2 $0x0  }
0x1d: {  	s5 =	simm.s32 @p1 $0x1;
	p0 =	seq.s32 s7, s2  }
0x1e: {  	s7 =	smul.u32 @!p0 $0xF7A, s2;
	p2 =	seq.s32 @!p0 s5, $0x0  }
0x1f: {  	s9 =	smul.u32 $0xF7A, s1;
	s8 =	simm.s32 @!p0 $0x1BF5;
	p2 =	por !p2, p0  }
0x20: {  	[sflag:s8] =	ssyncset.s32 @!p0 $0xFFFFF086;
	s6 =	sadd.s32 @!p0 s3, s7;
	s7 =	simm.s32 @!p0 $0x108  }
0x21: {  	s3 =	sadd.s32 s3, s9;
	s6 =	sadd.s32 @!p0 $0x88, s6;
	s7 =	simm.s32 @p2 $0x1082  }
0x22: {  	[simem:s7], [sflag:s8] =	dma.local @!p0 [hbm:s6], $0xF7A  }
0x23: {  	s9 =	sor.u32 $0xD0000000, s2;
	s6 =	simm.s32 $0x108;
	_ =	swait.ge @!p0 [sflag:s8], $0x0  }
0x24: {  	s3 =	sadd.s32 $0x88, s3;
	s6 =	simm.s32 @!p1 $0x1082;
	[sflag:s4] =	ssyncset.s32 $0xFFFFF086  }
0x25: {  	[simem:s6], [sflag:s4] =	dma.local [hbm:s3], $0xF7A  }
0x26: {  	[smem:$0x3F97] =	sst s1;
	(tag) =	ssettag s2;
	_ =	strace s9  }
0x27: {  	s1 =	sld [smem:$0x3FA7]  }
0x28: {  	s2 =	sld [smem:$0x3FA8]  }
0x29: {  	s4 =	sld [smem:$0x3FAA]  }
0x2a: {  	p0 =	seq.s32 s5, $0x0;
	s5 =	sld [smem:$0x3FAB]  }
0x2b: {  	s6 =	sld [smem:$0x3FAC]  }
0x2c: {  	s7 =	sld [smem:$0x3FAD]  }
0x2d: {  	s3 =	simm.s32 $0x108;
	s8 =	sld [smem:$0x3FAE]  }
0x2e: {  	s3 =	simm.s32 @!p0 $0x1082;
	s9 =	sld [smem:$0x3FAF]  }
0x2f: {  	lr =	sadd.s32 s0, s3;
	s0 =	sld [smem:$0x3FA6]  }
0x30: {  	s3 =	sld [smem:$0x3FA9]  }
0x31: {  	[smem:$0x3FB2] =	sst s10  }
0x32: {  	s10 =	sld [smem:$0x3FB0];
	_ =	sdelay $0x3  }
0x33: {  	p0 =	seq.s32 s10, $0x1;
	s10 =	sld [smem:$0x3FB2];
	_ =	sdelay $0x3  }
0x34: {  	[smem:$0x3FB2] =	sst s10  }
0x35: {  	s10 =	sld [smem:$0x3FB1];
	_ =	sdelay $0x3  }
0x36: {  	p1 =	seq.s32 s10, $0x1;
	s10 =	sld [smem:$0x3FB2];
	_ =	sdelay $0x3  }
0x37: {  	[smem:$0x3FB2] =	sst s10  }
0x38: {  	s10 =	sld [smem:$0x3FB3]  }
0x39: {  	_ = 	snop;
	(pc) =	sbr.ind lr, $3  }
0x3a: {  	_ = 	snop  }
0x3b: {  	_ = 	snop  }
0x3c: {  	p2 =	seq.s32 s10, $0x1;
	s10 =	sld [smem:$0x3FB2]  }
0x3d: {  	_ =	shalt  }
0x3e: {  	_ =	shalt  }
0x3f: {  	_ =	shalt  }
0x40: {  	_ =	shalt  }
0x41: {  	_ =	shalt  }
0x42: {  	_ =	shalt  }
0x43: {  	_ =	shalt  }
0x44: {  	_ =	shalt  }
0x45: {  	_ =	shalt  }
0x46: {  	_ =	shalt  }
0x47: {  	_ =	shalt  }
0x48: {  	_ =	shalt  }
0x49: {  	_ =	shalt  }
0x4a: {  	_ =	shalt  }
0x4b: {  	_ =	shalt  }
0x4c: {  	_ =	shalt  }
0x4d: {  	_ =	shalt  }
0x4e: {  	_ =	shalt  }
0x4f: {  	_ =	shalt  }
0x50: {  	_ =	shalt  }
0x51: {  	_ =	shalt  }
0x52: {  	_ =	shalt  }
0x53: {  	_ =	shalt  }
0x54: {  	_ =	shalt  }
0x55: {  	_ =	shalt  }
0x56: {  	_ =	shalt  }
0x57: {  	_ =	shalt  }
0x58: {  	_ =	shalt  }
0x59: {  	_ =	shalt  }
0x5a: {  	_ =	shalt  }
0x5b: {  	_ =	shalt  }
0x5c: {  	_ =	shalt  }
0x5d: {  	_ =	shalt  }
0x5e: {  	_ =	shalt  }
0x5f: {  	_ =	shalt  }
0x60: {  	_ =	shalt  }
0x61: {  	_ =	shalt  }
0x62: {  	_ =	shalt  }
0x63: {  	_ =	shalt  }
0x64: {  	_ =	shalt  }
0x65: {  	_ =	shalt  }
0x66: {  	_ =	shalt  }
0x67: {  	_ =	shalt  }
0x68: {  	_ =	shalt  }
0x69: {  	_ =	shalt  }
0x6a: {  	_ =	shalt  }
0x6b: {  	_ =	shalt  }
0x6c: {  	_ =	shalt  }
0x6d: {  	_ =	shalt  }
0x6e: {  	_ =	shalt  }
0x6f: {  	_ =	shalt  }
0x70: {  	_ =	shalt  }
0x71: {  	_ =	shalt  }
0x72: {  	_ =	shalt  }
0x73: {  	_ =	shalt  }
0x74: {  	_ =	shalt  }
0x75: {  	_ =	shalt  }
0x76: {  	_ =	shalt  }
0x77: {  	_ =	shalt  }
0x78: {  	_ =	shalt  }
0x79: {  	_ =	shalt  }
0x7a: {  	_ =	shalt  }
0x7b: {  	_ =	shalt  }
0x7c: {  	_ =	shalt  }
0x7d: {  	_ =	shalt  }
0x7e: {  	_ =	shalt  }
0x7f: {  	_ =	shalt  }
0x80: {  	_ =	shalt  }
0x81: {  	_ =	shalt  }
0x82: {  	_ =	shalt  }
0x83: {  	_ =	shalt  }
0x84: {  	_ =	shalt  }
0x85: {  	_ =	shalt  }
0x86: {  	_ =	shalt  }
0x87: {  	_ =	shalt  }
.Lfunc_end0:
.L_simem_size_0:
called_computation_lowered:
.L_overlay_start_0:
0x88: {  	s2 =	sld [smem:$0x3FD9]  }
0x89: {  	s3 =	sld [smem:$0x3FFE];
	_ =	sdelay $0x1  }
0x8a: {  	s1 =	srdreg.scid  }
0x8b: {  	s0 =	sand.u32 $0x1, s1  }
0x8c: {  	s16 =	sshll.u32 s0, $0xA;
	s2 =	sadd.s32 s3, s2  }
0x8d: {  	s2 =	sadd.s32 s2, s16  }
0x8e: {  	[smem:$0x3FBE] =	sst s2  }
0x8f: {  	_ = 	snop  }
0x90: {  	(tm) =	ssettm $0x1  }
0x91: {  	s17 =	sld [smem:$0x3FFB];
	_ =	sdelay $0x3  }
0x92: {  	_ =	strace s17  }
0x93: {  	s2 =	sld [smem:$0x3FFC];
	_ =	sdelay $0x3  }
0x94: {  	_ =	strace s2  }
0x95: {  	s2 =	sld [smem:$0x3FFD];
	_ =	sdelay $0x3  }
0x96: {  	_ =	strace s2  }
0x97: {  	_ =	strace $0x8FFFFFFF  }
0x98: {  	s18 =	sld [smem:$0x3FDB];
	_ =	sdelay $0x1  }
0x99: {  	s19 =	simm.s32 $_scs_section_size  }
0x9a: {  	s4 =	simm.s32 $_size__tile_overlayer_lowered;
	s5 =	simm.s32 $_tile_overlayer_lowered  }
0x9b: {  	s22 =	simm.s32 $0x1BFF;
	s21 =	sshll.u32 s5, $0x1;
	s2 =	sadd.s32 s19, s18  }
0x9c: {  	s6 =	simm.s32 $0x0;
	s20 =	sshll.u32 s4, $0x1;
	s4 =	sadd.s32 s21, s2  }
0x9d: {  	[timem:s6], [sflag:s22] =	dma.local [hbm:s4], s20  }
0x9e: {  	_ =	swait.ge [sflag:s22], s20  }
0x9f: {  	s3 =	ssub.s32 $0x0, s20;
	[sflag:s22] =	ssyncset.done $0x0  }
0xa0: {  	[sflag:s22] =	ssyncadd.s32 s3;
	_ =	sdelay $0x1  }
0xa1: {  	s23 =	simm.s32 $0x1B8B  }
0xa2: {  	_ =	swait.ge [sflag:s23], $0x1  }
0xa3: {  	[sflag:s23] =	ssyncset.done $0x0  }
0xa4: {  	s25 =	simm.s32 $0x1B8E;
	s24 =	sld [smem:$0x3FFE];
	[sflag:s23] =	ssyncadd.s32 $0xFFFFFFFF  }
0xa5: {  	s26 =	simm.s32 $execute0_lowered;
	[smem:$0x3FD2] =	sst s25  }
0xa6: {  	s4 =	sshll.u32 s26, $0x1;
	_ =	strace $0x80000046;
	[dreg:$0x1] =	wrdreg $0xFFFFFFFF  }
0xa7: {  	s28 =	simm.s32 $_size_execute0_lowered;
	s2 =	sadd.s32 s2, s4;
	[dreg:$0x0] =	wrdreg $0x0  }
0xa8: {  	s4 =	sshll.u32 s28, $0x1;
	[dreg:$0x2] =	wrdreg s2  }
0xa9: {  	[dreg:$0x3] =	wrdreg s4  }
0xaa: {  	[dreg:$0x4] =	wrdreg $0xC0  }
0xab: {  	_ =	task [dreg:s6], $0x5FFFF  }
0xac: {  	[dreg:$0x1] =	wrdreg $0xFFFFFFFF  }
0xad: {  	[dreg:$0x0] =	wrdreg $0x60  }
0xae: {  	[dreg:$0x2] =	wrdreg s24  }
0xaf: {  	[dreg:$0x3] =	wrdreg $0x88000  }
0xb0: {  	[dreg:$0x4] =	wrdreg $0x9  }
0xb1: {  	_ =	task.clear_ibuf [dreg:s6], $0x5FFFF;
	_ =	strace $0x90000046  }
0xb2: {  	s29 =	simm.s32 $0x9;
	_ =	strace $0x80000048  }
0xb3: {  	_ =	swait.ge [sflag:s29], $0x1  }
0xb4: {  	[sflag:s29] =	ssyncadd.s32 $0xFFFFFFFF  }
0xb5: {  	_ =	strace $0x90000048  }
0xb6: {  	_ =	sfence  }
0xb7: {  	s30 =	sld [smem:$0x0];
	_ =	sdelay $0x2  }
0xb8: {  	s31 =	sshll.u32 s1, $0xD;
	s1 =	sshrl.u32 s1, $0x2  }
0xb9: {  	s3 =	sand.u32 $0x4000, s31;
	s1 =	sadd.s32 s1, s30  }
0xba: {  	s0 =	sor.u32 s3, s0;
	s1 =	sshll.u32 s1, $0x11  }
0xbb: {  	s0 =	sor.u32 s1, s0  }
0xbc: {  	s0 =	sadd.s32 $0x8F2B, s0  }
0xbd: {  	[sflag:s0] =	ssyncadd.remote.s32 $0x1  }
0xbe: {  	_ =	sfence.sel $0xFFFF  }
0xbf: {  	[dreg:$0x0] =	wrdreg $0xFFFFFFFF;
	(pc) =	sbr.abs _section_cstart, $3  }
0xc0: {  	[dreg:$0x1] =	wrdreg $0xFFFFFFFF  }
0xc1: {  	_ =	task.clear_ibuf [dreg:s6], $0x2FFFF;
	_ =	strace $0x9FFFFFFF  }
0xc2: {  	(tm) =	ssettm $0x7FFFFFFF  }
0xc3: {  	_ =	shalt  }
tec
execute0_lowered:
.L_overlay_start_1:
0x0: {  	(tag) =	ssettag $0x1  }
0x1: {  	s4 =	rddreg [dreg:$0x0]  }
0x2: {  	s1 =	rddreg [dreg:$0x1]  }
0x3: {  	s2 =	srdreg.scid;
	s0 =	rddreg [dreg:$0x2];
	s3 =	simm.s32 $0x0  }
0x4: {  	s17 =	simm.s32 $0x6800;
	s18 =	simm.s32 $0x2;
	s19 =	simm.s32 $0x80  }
0x5: {  	s20 =	simm.s32 $0x2800;
	s5 =	sand.u32 $0x1, s2;
	s2 =	stileid.u32  }
0x6: {  	s21 =	simm.s32 $0x1;
	[smem:$0x7FF] =	sst s3;
	s7 =	smul.u32 $0x140000, s5  }
0x7: {  	s6 =	sshll.u32 s5, $0x4;
	s8 =	smul.u32 $0x14000, s2;
	_ =	strace $0x80000047  }
0x8: {  	s5 =	ssub.s32 $0x2, s5;
	s30 =	smul.u32 $0x50000, s2;
	s6 =	sor.u32 s2, s6  }
0x9: {  	s9 =	sshrl.u32 s5, $0x1;
	s6 =	smul.u32 $0x500, s6;
	s7 =	sadd.s32 s8, s7  }
0xa: {  	s9 =	ssub.s32 s5, s9;
	s31 =	sshrl.u32 s30, $0x2;
	s7 =	sshrl.u32 s7, $0x3  }
0xb: {  	s6 =	sadd.s32 s6, s4;
	s7 =	sadd.s32 s7, s4;
	s4 =	sadd.s32 s31, s1  }
0xc: {  	s5 =	sadd.s32 $0xCA00, s6;
	s6 =	sadd.s32 $0x16A00, s7;
	s7 =	smax.u32 s9, $0x1  }
0xd: {  	s8 =	sadd.s32 $0x2000, s4;
	s9 =	sadd.s32 $0x4000, s4;
	s10 =	sadd.s32 $0x6000, s4  }
0xe: {  	s11 =	sadd.s32 $0x8000, s4;
	s12 =	sadd.s32 $0xA000, s4;
	s13 =	sadd.s32 $0xC000, s4  }
0xf: {  	v0 =	vimm.f32 $0.0e+00;
	v1 =	vimm.f32 $1.000000000e+00;
	s14 =	sadd.s32 $0xE000, s4;
	s15 =	sadd.s32 $0x10000, s4;
	s16 =	sadd.s32 $0x12000, s4  }
.LBB2_1:
0x10: {  	s22 =	simm.s32 $0x0;
	s23 =	simm.s32 $0x200  }
.LBB2_2:
0x11: {  	p0 =	sne.s32 s23, $0x7E00;
	[tilespmem:s22+$0x6870] =	vst v0  }
0x12: {  	[tilespmem:s22+$0x6800] =	vst v0  }
0x13: {  	[tilespmem:s22+$0x6810] =	vst v0  }
.Ltmp0:
0x14: {  	[tilespmem:s22+$0x6820] =	vst v0;
	(pc) =	sbr.rel @p0 .LBB2_2-.Ltmp0, $4  }
0x15: {  	[tilespmem:s22+$0x6830] =	vst v0  }
0x16: {  	[tilespmem:s22+$0x6840] =	vst v0  }
0x17: {  	[tilespmem:s22+$0x6850] =	vst v0  }
0x18: {  	[tilespmem:s22+$0x6860] =	vst v0;
	s22 =	sshra.s32 s23, $0x2;
	s23 =	sadd.s32 $0x200, s23  }
0x19: {  	[tilespmem:s22+$0x6870] =	vst v0  }
0x1a: {  	[tilespmem:s22+$0x6800] =	vst v0  }
0x1b: {  	[tilespmem:s22+$0x6810] =	vst v0  }
0x1c: {  	[tilespmem:s22+$0x6820] =	vst v0  }
0x1d: {  	[tilespmem:s22+$0x6830] =	vst v0  }
0x1e: {  	[tilespmem:s22+$0x6840] =	vst v0  }
0x1f: {  	[tilespmem:s22+$0x6850] =	vst v0  }
0x20: {  	[tilespmem:s22+$0x6860] =	vst v0;
	s22 =	simm.s32 $0x0;
	s23 =	simm.s32 $0x200  }
.LBB2_4:
0x21: {  	p0 =	sne.s32 s23, $0xFE00;
	[tilespmem:s22+$0x2870] =	vst v1  }
0x22: {  	[tilespmem:s22+$0x2800] =	vst v1  }
0x23: {  	[tilespmem:s22+$0x2810] =	vst v1  }
.Ltmp1:
0x24: {  	[tilespmem:s22+$0x2820] =	vst v1;
	(pc) =	sbr.rel @p0 .LBB2_4-.Ltmp1, $4  }
0x25: {  	[tilespmem:s22+$0x2830] =	vst v1  }
0x26: {  	[tilespmem:s22+$0x2840] =	vst v1  }
0x27: {  	[tilespmem:s22+$0x2850] =	vst v1  }
0x28: {  	[tilespmem:s22+$0x2860] =	vst v1;
	s22 =	sshra.s32 s23, $0x2;
	s23 =	sadd.s32 $0x200, s23  }
0x29: {  	[tilespmem:s22+$0x2870] =	vst v1  }
0x2a: {  	[tilespmem:s22+$0x2800] =	vst v1  }
0x2b: {  	[tilespmem:s22+$0x2810] =	vst v1  }
0x2c: {  	[tilespmem:s22+$0x2820] =	vst v1  }
0x2d: {  	[tilespmem:s22+$0x2830] =	vst v1  }
0x2e: {  	[tilespmem:s22+$0x2840] =	vst v1  }
0x2f: {  	[tilespmem:s22+$0x2850] =	vst v1  }
0x30: {  	[tilespmem:s22+$0x2860] =	vst v1  }
0x31: {  	[spmem:s4] =	stream.linear.scatter [tilespmem:s17], [sflag:$0x2], $0x2000, $0x38;
	[tilespmem:$0x1C800] =	vst v63  }
0x32: {  	_ =	swait.ge [sflag:s18], $0x2000  }
0x33: {  	[sflag:s18] =	ssyncset.done $0x0  }
0x34: {  	[sflag:s18] =	ssyncadd.s32 $0xFFFFE000  }
0x35: {  	[spmem:s8] =	stream.linear.scatter [tilespmem:s17], [sflag:$0x2], $0x2000, $0x38;
	[tilespmem:$0x1C800] =	vst v63  }
0x36: {  	_ =	swait.ge [sflag:s18], $0x2000  }
0x37: {  	[sflag:s18] =	ssyncset.done $0x0  }
0x38: {  	[sflag:s18] =	ssyncadd.s32 $0xFFFFE000  }
0x39: {  	[spmem:s9] =	stream.linear.scatter [tilespmem:s17], [sflag:$0x2], $0x2000, $0x38;
	[tilespmem:$0x1C800] =	vst v63  }
0x3a: {  	_ =	swait.ge [sflag:s18], $0x2000  }
0x3b: {  	[sflag:s18] =	ssyncset.done $0x0  }
0x3c: {  	[sflag:s18] =	ssyncadd.s32 $0xFFFFE000  }
0x3d: {  	[spmem:s10] =	stream.linear.scatter [tilespmem:s17], [sflag:$0x2], $0x2000, $0x38;
	[tilespmem:$0x1C800] =	vst v63  }
0x3e: {  	_ =	swait.ge [sflag:s18], $0x2000  }
0x3f: {  	[sflag:s18] =	ssyncset.done $0x0  }
0x40: {  	[sflag:s18] =	ssyncadd.s32 $0xFFFFE000  }
0x41: {  	[spmem:s11] =	stream.linear.scatter [tilespmem:s17], [sflag:$0x2], $0x2000, $0x38;
	[tilespmem:$0x1C800] =	vst v63  }
0x42: {  	_ =	swait.ge [sflag:s18], $0x2000  }
0x43: {  	[sflag:s18] =	ssyncset.done $0x0  }
0x44: {  	[sflag:s18] =	ssyncadd.s32 $0xFFFFE000  }
0x45: {  	[spmem:s12] =	stream.linear.scatter [tilespmem:s17], [sflag:$0x2], $0x2000, $0x38;
	[tilespmem:$0x1C800] =	vst v63  }
0x46: {  	_ =	swait.ge [sflag:s18], $0x2000  }
0x47: {  	[sflag:s18] =	ssyncset.done $0x0  }
0x48: {  	[sflag:s18] =	ssyncadd.s32 $0xFFFFE000  }
0x49: {  	[spmem:s13] =	stream.linear.scatter [tilespmem:s17], [sflag:$0x2], $0x2000, $0x38;
	[tilespmem:$0x1C800] =	vst v63  }
0x4a: {  	_ =	swait.ge [sflag:s18], $0x2000  }
0x4b: {  	[sflag:s18] =	ssyncset.done $0x0  }
0x4c: {  	[sflag:s18] =	ssyncadd.s32 $0xFFFFE000  }
0x4d: {  	[spmem:s14] =	stream.linear.scatter [tilespmem:s17], [sflag:$0x2], $0x2000, $0x38;
	[tilespmem:$0x1C800] =	vst v63  }
0x4e: {  	_ =	swait.ge [sflag:s18], $0x2000  }
0x4f: {  	[sflag:s18] =	ssyncset.done $0x0  }
0x50: {  	[sflag:s18] =	ssyncadd.s32 $0xFFFFE000  }
0x51: {  	[spmem:s15] =	stream.linear.scatter [tilespmem:s17], [sflag:$0x2], $0x2000, $0x38;
	[tilespmem:$0x1C800] =	vst v63  }
0x52: {  	_ =	swait.ge [sflag:s18], $0x2000  }
0x53: {  	[sflag:s18] =	ssyncset.done $0x0  }
0x54: {  	[sflag:s18] =	ssyncadd.s32 $0xFFFFE000  }
0x55: {  	[spmem:s16] =	stream.linear.scatter [tilespmem:s17], [sflag:$0x2], $0x2000, $0x38;
	[tilespmem:$0x1C800] =	vst v63  }
0x56: {  	_ =	swait.ge [sflag:s18], $0x2000  }
0x57: {  	[sflag:s18] =	ssyncset.done $0x0  }
0x58: {  	s31 =	simm.s32 $0x0;
	[sflag:s18] =	ssyncadd.s32 $0xFFFFE000  }
0x59: {  	[tilespmem:s31], [sflag:$0x2] =	stream.linear.gather [hbm4b:s5+s31], $0x2800, $0x38;
	[tilespmem:$0x1C800] =	vst v63  }
0x5a: {  	_ =	swait.ge [sflag:s18], $0x2800  }
0x5b: {  	[sflag:s18] =	ssyncset.done $0x0  }
0x5c: {  	[sflag:s18] =	ssyncadd.s32 $0xFFFFD800  }
0x5d: {  	s23 =	simm.s32 $0x0;
	[bflag:$0x0] =	sbarrier.arrive $0xFFFF  }
0x5e: {  	[spmem:s1] =	stream.indirect.scatter.add.f32 [tilespmem:s20], [sflag:$0x1], $0x80, s23, s19, $0xb8;
	[tilespmem:$0x1C800] =	vst v63  }
0x5f: {  	s24 =	simm.s32 $0x80  }
0x60: {  	[spmem:s1] =	stream.indirect.scatter.add.f32 [tilespmem:s20], [sflag:$0x1], $0x80, s24, s19, $0xb8;
	[tilespmem:$0x1C800] =	vst v63  }
0x61: {  	s25 =	simm.s32 $0x100  }
0x62: {  	[spmem:s1] =	stream.indirect.scatter.add.f32 [tilespmem:s20], [sflag:$0x1], $0x80, s25, s19, $0xb8;
	[tilespmem:$0x1C800] =	vst v63  }
0x63: {  	s26 =	simm.s32 $0x180  }
0x64: {  	[spmem:s1] =	stream.indirect.scatter.add.f32 [tilespmem:s20], [sflag:$0x1], $0x80, s26, s19, $0xb8;
	[tilespmem:$0x1C800] =	vst v63  }
0x65: {  	s28 =	simm.s32 $0x200  }
0x66: {  	[spmem:s1] =	stream.indirect.scatter.add.f32 [tilespmem:s20], [sflag:$0x1], $0x80, s28, s19, $0xb8;
	[tilespmem:$0x1C800] =	vst v63  }
0x67: {  	s29 =	simm.s32 $0x280  }
0x68: {  	[spmem:s1] =	stream.indirect.scatter.add.f32 [tilespmem:s20], [sflag:$0x1], $0x80, s29, s19, $0xb8;
	[tilespmem:$0x1C800] =	vst v63  }
0x69: {  	s30 =	simm.s32 $0x300  }
0x6a: {  	[spmem:s1] =	stream.indirect.scatter.add.f32 [tilespmem:s20], [sflag:$0x1], $0x80, s30, s19, $0xb8;
	[tilespmem:$0x1C800] =	vst v63  }
0x6b: {  	s31 =	simm.s32 $0x380  }
0x6c: {  	[spmem:s1] =	stream.indirect.scatter.add.f32 [tilespmem:s20], [sflag:$0x1], $0x80, s31, s19, $0xb8;
	[tilespmem:$0x1C800] =	vst v63  }
0x6d: {  	_ =	swait.ge [sflag:s21], $0x4000  }
0x6e: {  	[sflag:s21] =	ssyncset.done $0x0  }
0x6f: {  	[sflag:s21] =	ssyncadd.s32 $0xFFFFC000  }
0x70: {  	_ =	swait.ge [sflag:s21], $0x4000  }
0x71: {  	[sflag:s21] =	ssyncset.done $0x0  }
0x72: {  	[sflag:s21] =	ssyncadd.s32 $0xFFFFC000  }
0x73: {  	_ =	swait.ge [sflag:s21], $0x4000  }
0x74: {  	[sflag:s21] =	ssyncset.done $0x0  }
0x75: {  	[sflag:s21] =	ssyncadd.s32 $0xFFFFC000  }
0x76: {  	_ =	swait.ge [sflag:s21], $0x4000  }
0x77: {  	[sflag:s21] =	ssyncset.done $0x0  }
0x78: {  	[sflag:s21] =	ssyncadd.s32 $0xFFFFC000  }
0x79: {  	_ =	swait.ge [sflag:s21], $0x4000  }
0x7a: {  	[sflag:s21] =	ssyncset.done $0x0  }
0x7b: {  	[sflag:s21] =	ssyncadd.s32 $0xFFFFC000  }
0x7c: {  	_ =	swait.ge [sflag:s21], $0x4000  }
0x7d: {  	[sflag:s21] =	ssyncset.done $0x0  }
0x7e: {  	[sflag:s21] =	ssyncadd.s32 $0xFFFFC000  }
0x7f: {  	_ =	swait.ge [sflag:s21], $0x4000  }
0x80: {  	[sflag:s21] =	ssyncset.done $0x0  }
0x81: {  	[sflag:s21] =	ssyncadd.s32 $0xFFFFC000  }
0x82: {  	_ =	swait.ge [sflag:s21], $0x4000  }
0x83: {  	s22 =	simm.s32 $0x1000;
	s24 =	simm.s32 $0x2000;
	[sflag:s21] =	ssyncset.done $0x0  }
.LBB2_6:
0x84: {  	s25 =	sshra.s32 s22, $0x2  }
0x85: {  	[sflag:s21] =	ssyncadd.s32 $0xFFFFC000;
	s22 =	smov.u32 s24;
	s23 =	sadd.s32 $0x1000, s24  }
0x86: {  	[spmem:s1] =	stream.indirect.scatter.add.f32 [tilespmem:s20], [sflag:$0x1], $0x80, s25, s19, $0xb8;
	[tilespmem:$0x1C800] =	vst v63  }
0x87: {  	p0 =	sne.s32 s24, $0x9000;
	s24 =	sadd.s32 $0x80, s25  }
0x88: {  	[spmem:s1] =	stream.indirect.scatter.add.f32 [tilespmem:s20], [sflag:$0x1], $0x80, s24, s19, $0xb8;
	[tilespmem:$0x1C800] =	vst v63  }
0x89: {  	s24 =	sadd.s32 $0x100, s25  }
0x8a: {  	[spmem:s1] =	stream.indirect.scatter.add.f32 [tilespmem:s20], [sflag:$0x1], $0x80, s24, s19, $0xb8;
	[tilespmem:$0x1C800] =	vst v63  }
0x8b: {  	s24 =	sadd.s32 $0x180, s25  }
0x8c: {  	[spmem:s1] =	stream.indirect.scatter.add.f32 [tilespmem:s20], [sflag:$0x1], $0x80, s24, s19, $0xb8;
	[tilespmem:$0x1C800] =	vst v63  }
0x8d: {  	s24 =	sadd.s32 $0x200, s25  }
0x8e: {  	[spmem:s1] =	stream.indirect.scatter.add.f32 [tilespmem:s20], [sflag:$0x1], $0x80, s24, s19, $0xb8;
	[tilespmem:$0x1C800] =	vst v63  }
0x8f: {  	s24 =	sadd.s32 $0x280, s25  }
0x90: {  	[spmem:s1] =	stream.indirect.scatter.add.f32 [tilespmem:s20], [sflag:$0x1], $0x80, s24, s19, $0xb8;
	[tilespmem:$0x1C800] =	vst v63  }
0x91: {  	s24 =	sadd.s32 $0x300, s25  }
0x92: {  	[spmem:s1] =	stream.indirect.scatter.add.f32 [tilespmem:s20], [sflag:$0x1], $0x80, s24, s19, $0xb8;
	[tilespmem:$0x1C800] =	vst v63  }
0x93: {  	s24 =	sadd.s32 $0x380, s25  }
0x94: {  	[spmem:s1] =	stream.indirect.scatter.add.f32 [tilespmem:s20], [sflag:$0x1], $0x80, s24, s19, $0xb8;
	[tilespmem:$0x1C800] =	vst v63  }
0x95: {  	_ =	swait.ge [sflag:s21], $0x4000  }
0x96: {  	[sflag:s21] =	ssyncset.done $0x0  }
0x97: {  	[sflag:s21] =	ssyncadd.s32 $0xFFFFC000  }
0x98: {  	_ =	swait.ge [sflag:s21], $0x4000  }
0x99: {  	[sflag:s21] =	ssyncset.done $0x0  }
0x9a: {  	[sflag:s21] =	ssyncadd.s32 $0xFFFFC000  }
0x9b: {  	_ =	swait.ge [sflag:s21], $0x4000  }
0x9c: {  	[sflag:s21] =	ssyncset.done $0x0  }
0x9d: {  	[sflag:s21] =	ssyncadd.s32 $0xFFFFC000  }
0x9e: {  	_ =	swait.ge [sflag:s21], $0x4000  }
0x9f: {  	[sflag:s21] =	ssyncset.done $0x0  }
0xa0: {  	[sflag:s21] =	ssyncadd.s32 $0xFFFFC000  }
0xa1: {  	_ =	swait.ge [sflag:s21], $0x4000  }
0xa2: {  	[sflag:s21] =	ssyncset.done $0x0  }
0xa3: {  	[sflag:s21] =	ssyncadd.s32 $0xFFFFC000  }
0xa4: {  	_ =	swait.ge [sflag:s21], $0x4000  }
0xa5: {  	[sflag:s21] =	ssyncset.done $0x0  }
0xa6: {  	[sflag:s21] =	ssyncadd.s32 $0xFFFFC000  }
.Ltmp2:
0xa7: {  	_ =	swait.ge [sflag:s21], $0x4000;
	(pc) =	sbr.rel @p0 .LBB2_6-.Ltmp2, $4  }
0xa8: {  	[sflag:s21] =	ssyncset.done $0x0  }
0xa9: {  	[sflag:s21] =	ssyncadd.s32 $0xFFFFC000  }
0xaa: {  	_ =	swait.ge [sflag:s21], $0x4000  }
0xab: {  	s24 =	smov.u32 s23;
	[sflag:s21] =	ssyncset.done $0x0  }
0xac: {  	s22 =	sshra.s32 s22, $0x2;
	[sflag:s21] =	ssyncadd.s32 $0xFFFFC000  }
0xad: {  	[spmem:s1] =	stream.indirect.scatter.add.f32 [tilespmem:s20], [sflag:$0x1], $0x80, s22, s19, $0xb8;
	[tilespmem:$0x1C800] =	vst v63  }
0xae: {  	s23 =	sadd.s32 $0x80, s22  }
0xaf: {  	[spmem:s1] =	stream.indirect.scatter.add.f32 [tilespmem:s20], [sflag:$0x1], $0x80, s23, s19, $0xb8;
	[tilespmem:$0x1C800] =	vst v63  }
0xb0: {  	s24 =	sadd.s32 $0x100, s22  }
0xb1: {  	[spmem:s1] =	stream.indirect.scatter.add.f32 [tilespmem:s20], [sflag:$0x1], $0x80, s24, s19, $0xb8;
	[tilespmem:$0x1C800] =	vst v63  }
0xb2: {  	s25 =	sadd.s32 $0x180, s22  }
0xb3: {  	[spmem:s1] =	stream.indirect.scatter.add.f32 [tilespmem:s20], [sflag:$0x1], $0x80, s25, s19, $0xb8;
	[tilespmem:$0x1C800] =	vst v63  }
0xb4: {  	s26 =	sadd.s32 $0x200, s22  }
0xb5: {  	[spmem:s1] =	stream.indirect.scatter.add.f32 [tilespmem:s20], [sflag:$0x1], $0x80, s26, s19, $0xb8;
	[tilespmem:$0x1C800] =	vst v63  }
0xb6: {  	s28 =	sadd.s32 $0x280, s22  }
0xb7: {  	[spmem:s1] =	stream.indirect.scatter.add.f32 [tilespmem:s20], [sflag:$0x1], $0x80, s28, s19, $0xb8;
	[tilespmem:$0x1C800] =	vst v63  }
0xb8: {  	s29 =	sadd.s32 $0x300, s22  }
0xb9: {  	[spmem:s1] =	stream.indirect.scatter.add.f32 [tilespmem:s20], [sflag:$0x1], $0x80, s29, s19, $0xb8;
	[tilespmem:$0x1C800] =	vst v63  }
0xba: {  	s22 =	sadd.s32 $0x380, s22  }
0xbb: {  	[spmem:s1] =	stream.indirect.scatter.add.f32 [tilespmem:s20], [sflag:$0x1], $0x80, s22, s19, $0xb8;
	[tilespmem:$0x1C800] =	vst v63  }
0xbc: {  	_ =	swait.ge [sflag:s21], $0x4000  }
0xbd: {  	[sflag:s21] =	ssyncset.done $0x0  }
0xbe: {  	[sflag:s21] =	ssyncadd.s32 $0xFFFFC000  }
0xbf: {  	_ =	swait.ge [sflag:s21], $0x4000  }
0xc0: {  	[sflag:s21] =	ssyncset.done $0x0  }
0xc1: {  	[sflag:s21] =	ssyncadd.s32 $0xFFFFC000  }
0xc2: {  	_ =	swait.ge [sflag:s21], $0x4000  }
0xc3: {  	[sflag:s21] =	ssyncset.done $0x0  }
0xc4: {  	[sflag:s21] =	ssyncadd.s32 $0xFFFFC000  }
0xc5: {  	_ =	swait.ge [sflag:s21], $0x4000  }
0xc6: {  	[sflag:s21] =	ssyncset.done $0x0  }
0xc7: {  	[sflag:s21] =	ssyncadd.s32 $0xFFFFC000  }
0xc8: {  	_ =	swait.ge [sflag:s21], $0x4000  }
0xc9: {  	[sflag:s21] =	ssyncset.done $0x0  }
0xca: {  	[sflag:s21] =	ssyncadd.s32 $0xFFFFC000  }
0xcb: {  	_ =	swait.ge [sflag:s21], $0x4000  }
0xcc: {  	[sflag:s21] =	ssyncset.done $0x0  }
0xcd: {  	[sflag:s21] =	ssyncadd.s32 $0xFFFFC000  }
0xce: {  	_ =	swait.ge [sflag:s21], $0x4000  }
0xcf: {  	[sflag:s21] =	ssyncset.done $0x0  }
0xd0: {  	[sflag:s21] =	ssyncadd.s32 $0xFFFFC000  }
0xd1: {  	_ =	swait.ge [sflag:s21], $0x4000  }
0xd2: {  	s30 =	sshll.u32 s2, $0x6;
	s3 =	sadd.s32 $0x1, s3;
	[sflag:s21] =	ssyncset.done $0x0  }
0xd3: {  	s31 =	sshrl.u32 s4, $0x3;
	p0 =	sne.s32 s3, s7;
	[sflag:s21] =	ssyncadd.s32 $0xFFFFC000  }
.Ltmp3:
0xd4: {  	s22 =	sor.u32 $0x1C02, s30;
	[bflag:$0x0] =	sbarrier.arrive $0xFFFF;
	(pc) =	sbr.rel @p0 .LBB2_1-.Ltmp3, $4  }
0xd5: {  	[hbm:s6], [sflag:s22] =	dma.local [spmem:s31], $0x2800  }
0xd6: {  	_ =	swait.ge [sflag:s18], $0x2800  }
0xd7: {  	[sflag:s18] =	ssyncset.done $0x0  }
0xd8: {  	[sflag:s18] =	ssyncadd.s32 $0xFFFFD800  }
0xd9: {  	_ =	sfence.sel $0x180000  }
0xda: {  	[bflag:$0x0] =	sbarrier.arrive $0xFFFF  }
0xdb: {  	p0 =	sne.s32 s2, $0x0;
	_ =	strace $0x90000047  }
0xdc: {  	s0 =	sadd.s32 @!p0 $0x100000, s0;
	[bflag:$0x2] =	sbarrier.arrive $0xFFFF  }
0xdd: {  	[sflag:s0] =	ssyncadd.tile.s32 @!p0 $0x1;
	_ =	shalt  }
.Lfunc_end2:
_tile_overlayer_lowered:
.L_overlay_start_2:
0xde: {  	(tag) =	ssettag $0x2  }
0xdf: {  	s0 =	rddreg [dreg:$0x0];
	s2 =	stileid.u32  }
0xe0: {  	s1 =	rddreg [dreg:$0x1];
	p0 =	sne.s32 s2, $0x0  }
0xe1: {  	s3 =	rddreg [dreg:$0x2];
	[bflag:$0x3] =	sbarrier.arrive $0xFFFF;
	s2 =	simm.s32 @!p0 $0x1C02  }
0xe2: {  	[timem:s3], [sflag:s2] =	dma.local @!p0 [hbm:s0], s1  }
0xe3: {  	s0 =	simm.s32 @!p0 $0x2  }
0xe4: {  	_ =	swait.ge @!p0 [sflag:s0], s1  }
0xe5: {  	s1 =	ssub.s32 @!p0 $0x0, s1;
	[sflag:s0] =	ssyncset.done @!p0 $0x0  }
0xe6: {  	[sflag:s0] =	ssyncadd.s32 @!p0 s1  }
0xe7: {  	[bflag:$0x3] =	sbarrier.arrive $0xFFFF  }
0xe8: {  	_ =	shalt  }

</sc_bundles>
